<compile_context>
chip_gen: v7x
topology: tpu7x:2x2x1
jax: 0.10.2.dev20260603
libtpu: 0.0.44.dev20260713+nightly
codegen_flags: <defaults>
</compile_context>

<pallas_src>
import functools

import jax
import jax.numpy as jnp
from jax import lax
from jax.experimental import pallas as pl
from jax.experimental.pallas import tpu as pltpu
from jax.experimental.pallas import tpu_sc as plsc

N_NODES = 10000
N2 = 10240
HID = 128
NCLS = 10
NG = 64
NC, NS = 2, 16
NW = NC * NS
CH = 128
ROWS_PER = N2 // NS
BR = 2048
GRID = N2 // BR

_MESH = dict(core_axis_name="c", subcore_axis_name="s", num_cores=NC,
             num_subcores=NS)



def _sc_deg(dst2d, z128, ones128, nch):
    mesh = plsc.VectorSubcoreMesh(**_MESH)

    @functools.partial(
        pl.kernel,
        out_type=jax.ShapeDtypeStruct((NC, N2, HID), jnp.float32),
        mesh=mesh,
        scratch_types=[
            pltpu.VMEM((nch, CH), jnp.int32),
            pltpu.VMEM((CH, HID), jnp.float32),
            pltpu.VMEM_SHARED((N2, HID), jnp.float32),
        ],
    )
    def k(dst_hbm, z_hbm, ones_hbm, out_hbm, didx, onesv, acc):
        c = lax.axis_index("c")
        s = lax.axis_index("s")
        w = s * NC + c
        pltpu.sync_copy(z_hbm.at[pl.ds(s * ROWS_PER, ROWS_PER)],
                        acc.at[pl.ds(s * ROWS_PER, ROWS_PER)])
        pltpu.sync_copy(ones_hbm, onesv)
        pltpu.sync_copy(dst_hbm.at[pl.ds(w * nch, nch)], didx)
        plsc.subcore_barrier()

        def body(i, carry):
            pltpu.sync_copy(onesv, acc.at[didx.at[i]], add=True)
            return carry

        lax.fori_loop(0, nch, body, 0)
        plsc.subcore_barrier()
        pltpu.sync_copy(acc.at[pl.ds(s * ROWS_PER, ROWS_PER)],
                        out_hbm.at[c, pl.ds(s * ROWS_PER, ROWS_PER)])

    return k(dst2d, z128, ones128)


def _sc_agg(g, src2d, dst2d, z128, nch):
    mesh = plsc.VectorSubcoreMesh(**_MESH)

    @functools.partial(
        pl.kernel,
        out_type=jax.ShapeDtypeStruct((NC, N2, HID), jnp.float32),
        mesh=mesh,
        scratch_types=[
            pltpu.VMEM((nch // 2, CH), jnp.int32),
            pltpu.VMEM((nch // 2, CH), jnp.int32),
            pltpu.VMEM((CH, HID), jnp.float32),
            pltpu.VMEM((CH, HID), jnp.float32),
            pltpu.VMEM_SHARED((N2, HID), jnp.float32),
            pltpu.SemaphoreType.DMA,
            pltpu.SemaphoreType.DMA,
        ],
    )
    def k(g_hbm, src_hbm, dst_hbm, z_hbm, out_hbm, sidx, didx, buf_a, buf_b,
          acc, sem_a, sem_b):
        c = lax.axis_index("c")
        s = lax.axis_index("s")
        w = s * NC + c
        half = nch // 2
        pltpu.sync_copy(z_hbm.at[pl.ds(s * ROWS_PER, ROWS_PER)],
                        acc.at[pl.ds(s * ROWS_PER, ROWS_PER)])
        plsc.subcore_barrier()

        for h in range(2):
            pltpu.sync_copy(src_hbm.at[pl.ds(w * nch + h * half, half)], sidx)
            pltpu.sync_copy(dst_hbm.at[pl.ds(w * nch + h * half, half)], didx)
            pltpu.async_copy(g_hbm.at[sidx.at[0]], buf_a, sem_a)

            def body(k2, carry):
                i = 2 * k2
                pltpu.async_copy(g_hbm.at[sidx.at[i + 1]], buf_b, sem_b)
                pltpu.make_async_copy(g_hbm.at[sidx.at[i]], buf_a,
                                      sem_a).wait()
                pltpu.sync_copy(buf_a, acc.at[didx.at[i]], add=True)

                @pl.when(i + 2 < half)
                def _next():
                    pltpu.async_copy(g_hbm.at[sidx.at[i + 2]], buf_a, sem_a)

                pltpu.make_async_copy(g_hbm.at[sidx.at[i + 1]], buf_b,
                                      sem_b).wait()
                pltpu.sync_copy(buf_b, acc.at[didx.at[i + 1]], add=True)
                return carry

            lax.fori_loop(0, half // 2, body, 0)
        plsc.subcore_barrier()
        pltpu.sync_copy(acc.at[pl.ds(s * ROWS_PER, ROWS_PER)],
                        out_hbm.at[c, pl.ds(s * ROWS_PER, ROWS_PER)])

    return k(g, src2d, dst2d, z128)



def _prep0_body(dp_ref, x_ref, w_ref, g_ref, dinv_ref):
    deg = dp_ref[0, :, 0:1] + dp_ref[1, :, 0:1] + 1.0
    dinv = lax.rsqrt(deg)
    h = jnp.dot(x_ref[...], w_ref[...], preferred_element_type=jnp.float32)
    g_ref[...] = h * dinv
    dinv_ref[...] = dinv


def _prep0(dp, xp, W0):
    return pl.pallas_call(
        _prep0_body,
        grid=(GRID,),
        in_specs=[
            pl.BlockSpec((2, BR, HID), lambda i: (0, i, 0)),
            pl.BlockSpec((BR, HID), lambda i: (i, 0)),
            pl.BlockSpec((HID, HID), lambda i: (0, 0)),
        ],
        out_specs=[
            pl.BlockSpec((BR, HID), lambda i: (i, 0)),
            pl.BlockSpec((BR, 1), lambda i: (i, 0)),
        ],
        out_shape=[
            jax.ShapeDtypeStruct((N2, HID), jnp.float32),
            jax.ShapeDtypeStruct((N2, 1), jnp.float32),
        ],
    )(dp, xp, W0)


def _layer_body(p_ref, g_ref, dinv_ref, b_ref, w_ref, gn_ref):
    out = (p_ref[0] + p_ref[1] + g_ref[...]) * dinv_ref[...] + b_ref[...]
    h = jnp.maximum(out, 0.0)
    gn_ref[...] = jnp.dot(h, w_ref[...],
                          preferred_element_type=jnp.float32) * dinv_ref[...]


def _layer(P, g, dinv, b_row, W_next):
    return pl.pallas_call(
        _layer_body,
        grid=(GRID,),
        in_specs=[
            pl.BlockSpec((2, BR, HID), lambda i: (0, i, 0)),
            pl.BlockSpec((BR, HID), lambda i: (i, 0)),
            pl.BlockSpec((BR, 1), lambda i: (i, 0)),
            pl.BlockSpec((1, HID), lambda i: (0, 0)),
            pl.BlockSpec((HID, HID), lambda i: (0, 0)),
        ],
        out_specs=pl.BlockSpec((BR, HID), lambda i: (i, 0)),
        out_shape=jax.ShapeDtypeStruct((N2, HID), jnp.float32),
    )(P, g, dinv, b_row, W_next)


def _final_body(p_ref, g_ref, dinv_ref, b_ref, bat_ref, lw_ref, lb_ref,
                out_ref, acc, cnt):
    i = pl.program_id(0)

    @pl.when(i == 0)
    def _init():
        acc[...] = jnp.zeros_like(acc)
        cnt[...] = jnp.zeros_like(cnt)

    h = (p_ref[0] + p_ref[1] + g_ref[...]) * dinv_ref[...] + b_ref[...]
    m = (bat_ref[...] == lax.broadcasted_iota(jnp.int32, (NG, BR), 0)
         ).astype(jnp.float32)
    acc[...] += jnp.dot(m, h, preferred_element_type=jnp.float32)
    cnt[...] += jnp.sum(m, axis=1, keepdims=True)

    @pl.when(i == pl.num_programs(0) - 1)
    def _fin():
        pooled = acc[...] / jnp.maximum(cnt[...], 1.0)
        logits = jnp.dot(pooled, lw_ref[...],
                         preferred_element_type=jnp.float32) + lb_ref[...]
        z = logits - jnp.max(logits, axis=1, keepdims=True)
        e = jnp.exp(z)
        out_ref[...] = e / jnp.sum(e, axis=1, keepdims=True)


def _final(R, g2, dinv, b_row, batp, lin_W, lb_row):
    return pl.pallas_call(
        _final_body,
        grid=(GRID,),
        in_specs=[
            pl.BlockSpec((2, BR, HID), lambda i: (0, i, 0)),
            pl.BlockSpec((BR, HID), lambda i: (i, 0)),
            pl.BlockSpec((BR, 1), lambda i: (i, 0)),
            pl.BlockSpec((1, HID), lambda i: (0, 0)),
            pl.BlockSpec((1, BR), lambda i: (0, i)),
            pl.BlockSpec((HID, NCLS), lambda i: (0, 0)),
            pl.BlockSpec((1, NCLS), lambda i: (0, 0)),
        ],
        out_specs=pl.BlockSpec((NG, NCLS), lambda i: (0, 0)),
        out_shape=jax.ShapeDtypeStruct((NG, NCLS), jnp.float32),
        scratch_shapes=[
            pltpu.VMEM((NG, HID), jnp.float32),
            pltpu.VMEM((NG, 1), jnp.float32),
        ],
    )(R, g2, dinv, b_row, batp, lin_W, lb_row)



def kernel(x, edge_index, batch, W0, b0, W1, b1, W2, b2, lin_W, lin_b):
    E = edge_index.shape[1]
    nch = -(-E // (NW * CH))
    nch = -(-nch // 8) * 8
    e_pad = nch * NW * CH
    pad_e = e_pad - E
    pad_ids = N_NODES + jnp.arange(pad_e, dtype=jnp.int32) % (N2 - N_NODES)
    src = jnp.concatenate([edge_index[0], pad_ids])
    dst = jnp.concatenate([edge_index[1], pad_ids])
    src2d = src.reshape(e_pad // CH, CH)
    dst2d = dst.reshape(e_pad // CH, CH)
    xp = jnp.zeros((N2, HID), jnp.float32).at[:N_NODES].set(x)
    batp = jnp.full((1, N2), NG, jnp.int32).at[0, :N_NODES].set(batch)
    z128 = jnp.zeros((N2, HID), jnp.float32)
    ones128 = jnp.ones((CH, HID), jnp.float32)

    dp = _sc_deg(dst2d, z128, ones128, nch)
    g0, dinv = _prep0(dp, xp, W0)
    P = _sc_agg(g0, src2d, dst2d, z128, nch)
    g1 = _layer(P, g0, dinv, b0.reshape(1, HID), W1)
    Q = _sc_agg(g1, src2d, dst2d, z128, nch)
    g2 = _layer(Q, g1, dinv, b1.reshape(1, HID), W2)
    R = _sc_agg(g2, src2d, dst2d, z128, nch)
    return _final(R, g2, dinv, b2.reshape(1, HID), batp, lin_W,
                  lin_b.reshape(1, NCLS))

# --- scband reference (transcript-rebuilt; emitter-appended) ---
"""Pipeline reference for scband-gcn-3788161155718 (READ-ONLY COPY).

The authoritative reference and input builder live on the scoring server;
editing this copy changes nothing except your own understanding.
"""

import jax, jax.numpy as jnp
import numpy as np

N = 10000
E = 320000
D_FEAT = 128
HIDDEN = 128
N_CLASSES = 10
N_GRAPHS = 64


def _gcn_conv(x, src, dst, W, b):
    # PyG-style GCNConv: add self-loops, symmetric normalization, then W x + b
    n = x.shape[0]
    loop = jnp.arange(n, dtype=src.dtype)
    s = jnp.concatenate([src, loop])
    d = jnp.concatenate([dst, loop])
    deg = jnp.zeros((n,), jnp.float32).at[d].add(1.0)
    dinv = jnp.where(deg > 0, jax.lax.rsqrt(deg), 0.0)
    norm = dinv[s] * dinv[d]
    h = x @ W
    msg = h[s] * norm[:, None]
    out = jnp.zeros((n, h.shape[1]), h.dtype).at[d].add(msg)
    return out + b


def _glorot(k, shape):
    lim = float(np.sqrt(6.0 / (shape[0] + shape[1])))
    return jax.random.uniform(k, shape, jnp.float32, -lim, lim)


def setup_inputs(seed: int = 0):
    key = jax.random.key(seed)
    ks = jax.random.split(key, 8)
    x = jax.random.normal(ks[0], (N, D_FEAT), dtype=jnp.float32)
    edge_index = jax.random.randint(ks[1], (2, E), 0, N, dtype=jnp.int32)
    batch = jnp.sort(jax.random.randint(ks[2], (N,), 0, N_GRAPHS, dtype=jnp.int32))
    W0 = _glorot(ks[3], (D_FEAT, HIDDEN))
    b0 = jnp.zeros((HIDDEN,), jnp.float32)
    W1 = _glorot(ks[4], (HIDDEN, HIDDEN))
    b1 = jnp.zeros((HIDDEN,), jnp.float32)
    W2 = _glorot(ks[5], (HIDDEN, HIDDEN))
    b2 = jnp.zeros((HIDDEN,), jnp.float32)
    lin_W = _glorot(ks[6], (HIDDEN, N_CLASSES))
    lin_b = jnp.zeros((N_CLASSES,), jnp.float32)
    return {"x": x, "edge_index": edge_index, "batch": batch,
            "W0": W0, "b0": b0, "W1": W1, "b1": b1, "W2": W2, "b2": b2,
            "lin_W": lin_W, "lin_b": lin_b}


def reference(x, edge_index, batch, W0, b0, W1, b1, W2, b2, lin_W, lin_b):
    src = edge_index[0]
    dst = edge_index[1]
    h = _gcn_conv(x, src, dst, W0, b0)
    h = jax.nn.relu(h)
    h = _gcn_conv(h, src, dst, W1, b1)
    h = jax.nn.relu(h)
    h = _gcn_conv(h, src, dst, W2, b2)  # no activation after last conv
    # global_mean_pool over graph ids
    sums = jax.ops.segment_sum(h, batch, num_segments=N_GRAPHS)
    counts = jax.ops.segment_sum(jnp.ones((h.shape[0], 1), h.dtype), batch, num_segments=N_GRAPHS)
    pooled = sums / jnp.maximum(counts, 1.0)
    # F.dropout(p=0.5, training=self.training) -> identity in eval mode
    logits = pooled @ lin_W + lin_b
    return jax.nn.softmax(logits, axis=1)

if __name__ == "__main__":
    import jax
    _d = setup_inputs()
    print(jax.jit(kernel)(*tuple(_d.values())))

</pallas_src>

<mosaic_0001>
#map = affine_map<(d0, d1) -> (0, 0)>
#map1 = affine_map<(d0, d1) -> (0, 0, 0)>
module attributes {stable_mosaic.version = 14 : i64} {
  func.func @k(%arg0: i32, %arg1: i32, %arg2: memref<10240x128xf32, #tpu.memory_space<hbm>>, %arg3: memref<2560x128xi32, #tpu.memory_space<hbm>>, %arg4: memref<2560x128xi32, #tpu.memory_space<hbm>>, %arg5: memref<10240x128xf32, #tpu.memory_space<hbm>>, %arg6: memref<2x10240x128xf32, #tpu.memory_space<hbm>>, %arg7: memref<40x128xi32, #tpu.memory_space<vmem>>, %arg8: memref<40x128xi32, #tpu.memory_space<vmem>>, %arg9: memref<128x128xf32, #tpu.memory_space<vmem>>, %arg10: memref<128x128xf32, #tpu.memory_space<vmem>>, %arg11: memref<10240x128xf32, #tpu.memory_space<vmem_shared>>, %arg12: memref<!tpu.dma_semaphore, #tpu.memory_space<semaphore_mem>>, %arg13: memref<!tpu.dma_semaphore, #tpu.memory_space<semaphore_mem>>) attributes {dimension_semantics = [#tpu.dimension_semantics<core_parallel>, #tpu.dimension_semantics<subcore_parallel>], iteration_bounds = array<i64: 2, 16>, scalar_prefetch = 0 : i64, scratch_operands = 7 : i64, tpu.core_type = #tpu.core_type<sc_vector_subcore>, window_params = [{transform_indices = #map}, {transform_indices = #map}, {transform_indices = #map}, {transform_indices = #map}, {transform_indices = #map1}]} {
    %mul3A = arith.constant 2 : i32
    %mul3A_0 = arith.muli %arg1, %mul3A : i32
    %add3A = arith.addi %mul3A_0, %arg0 : i32
    %mul3A_1 = arith.constant 640 : i32
    %mul3A_2 = arith.muli %arg1, %mul3A_1 : i32
    %mul3A_3 = arith.constant 640 : i32
    %mul3A_4 = arith.muli %arg1, %mul3A_3 : i32
    "tpu.region"() ({
      %run_scoped3A = tpu.sem_alloc : memref<!tpu.dma_semaphore, #tpu.memory_space<semaphore_mem>>
      %dma_start3A_50 = arith.constant 0 : i32
      %dma_start3A_51 = tpu.memref_slice %arg11[%mul3A_4, %dma_start3A_50] : memref<10240x128xf32, #tpu.memory_space<vmem_shared>> -> memref<640x128xf32, #tpu.memory_space<vmem_shared>>
      %dma_start3A_52 = arith.constant 0 : i32
      %dma_start3A_53 = tpu.memref_slice %arg5[%mul3A_2, %dma_start3A_52] : memref<10240x128xf32, #tpu.memory_space<hbm>> -> memref<640x128xf32, #tpu.memory_space<hbm>>
      tpu.enqueue_dma source(%dma_start3A_53 : memref<640x128xf32, #tpu.memory_space<hbm>>) target(%dma_start3A_51 : memref<640x128xf32, #tpu.memory_space<vmem_shared>>) target_semaphore(%run_scoped3A : memref<!tpu.dma_semaphore, #tpu.memory_space<semaphore_mem>>)
      %dma_wait3A = arith.constant 0 : i32
      %dma_wait3A_54 = tpu.memref_slice %arg11[%mul3A_4, %dma_wait3A] : memref<10240x128xf32, #tpu.memory_space<vmem_shared>> -> memref<640x128xf32, #tpu.memory_space<vmem_shared>>
      %dma_wait3A_55 = arith.constant 0 : i32
      %dma_wait3A_56 = tpu.memref_slice %arg5[%mul3A_2, %dma_wait3A_55] : memref<10240x128xf32, #tpu.memory_space<hbm>> -> memref<640x128xf32, #tpu.memory_space<hbm>>
      tpu.wait_dma2 semaphore(%run_scoped3A : memref<!tpu.dma_semaphore, #tpu.memory_space<semaphore_mem>>) src(%dma_wait3A_56 : memref<640x128xf32, #tpu.memory_space<hbm>>) dst(%dma_wait3A_54 : memref<640x128xf32, #tpu.memory_space<vmem_shared>>)
      tpu.yield
    }) : () -> ()
    %barrier3A = arith.constant 0 : index
    tpu.barrier barrier_id(%barrier3A)
    %mul3A_5 = arith.constant 80 : i32
    %mul3A_6 = arith.muli %add3A, %mul3A_5 : i32
    %add3A_7 = arith.constant 0 : i32
    %add3A_8 = arith.addi %mul3A_6, %add3A_7 : i32
    "tpu.region"() ({
      %run_scoped3A = tpu.sem_alloc : memref<!tpu.dma_semaphore, #tpu.memory_space<semaphore_mem>>
      %dma_start3A_50 = arith.constant 0 : i32
      %dma_start3A_51 = tpu.memref_slice %arg3[%add3A_8, %dma_start3A_50] : memref<2560x128xi32, #tpu.memory_space<hbm>> -> memref<40x128xi32, #tpu.memory_space<hbm>>
      %dma_start3A_52 = arith.constant 0 : i32
      %dma_start3A_53 = tpu.memref_slice %arg3[%add3A_8, %dma_start3A_52] : memref<2560x128xi32, #tpu.memory_space<hbm>> -> memref<40x128xi32, #tpu.memory_space<hbm>>
      tpu.enqueue_dma source(%dma_start3A_53 : memref<40x128xi32, #tpu.memory_space<hbm>>) target(%arg7 : memref<40x128xi32, #tpu.memory_space<vmem>>) target_semaphore(%run_scoped3A : memref<!tpu.dma_semaphore, #tpu.memory_space<semaphore_mem>>)
      %dma_wait3A = arith.constant 0 : i32
      %dma_wait3A_54 = tpu.memref_slice %arg3[%add3A_8, %dma_wait3A] : memref<2560x128xi32, #tpu.memory_space<hbm>> -> memref<40x128xi32, #tpu.memory_space<hbm>>
      %dma_wait3A_55 = arith.constant 0 : i32
      %dma_wait3A_56 = tpu.memref_slice %arg3[%add3A_8, %dma_wait3A_55] : memref<2560x128xi32, #tpu.memory_space<hbm>> -> memref<40x128xi32, #tpu.memory_space<hbm>>
      tpu.wait_dma2 semaphore(%run_scoped3A : memref<!tpu.dma_semaphore, #tpu.memory_space<semaphore_mem>>) src(%dma_wait3A_56 : memref<40x128xi32, #tpu.memory_space<hbm>>) dst(%arg7 : memref<40x128xi32, #tpu.memory_space<vmem>>)
      tpu.yield
    }) : () -> ()
    %mul3A_9 = arith.constant 80 : i32
    %mul3A_10 = arith.muli %add3A, %mul3A_9 : i32
    %add3A_11 = arith.constant 0 : i32
    %add3A_12 = arith.addi %mul3A_10, %add3A_11 : i32
    "tpu.region"() ({
      %run_scoped3A = tpu.sem_alloc : memref<!tpu.dma_semaphore, #tpu.memory_space<semaphore_mem>>
      %dma_start3A_50 = arith.constant 0 : i32
      %dma_start3A_51 = tpu.memref_slice %arg4[%add3A_12, %dma_start3A_50] : memref<2560x128xi32, #tpu.memory_space<hbm>> -> memref<40x128xi32, #tpu.memory_space<hbm>>
      %dma_start3A_52 = arith.constant 0 : i32
      %dma_start3A_53 = tpu.memref_slice %arg4[%add3A_12, %dma_start3A_52] : memref<2560x128xi32, #tpu.memory_space<hbm>> -> memref<40x128xi32, #tpu.memory_space<hbm>>
      tpu.enqueue_dma source(%dma_start3A_53 : memref<40x128xi32, #tpu.memory_space<hbm>>) target(%arg8 : memref<40x128xi32, #tpu.memory_space<vmem>>) target_semaphore(%run_scoped3A : memref<!tpu.dma_semaphore, #tpu.memory_space<semaphore_mem>>)
      %dma_wait3A = arith.constant 0 : i32
      %dma_wait3A_54 = tpu.memref_slice %arg4[%add3A_12, %dma_wait3A] : memref<2560x128xi32, #tpu.memory_space<hbm>> -> memref<40x128xi32, #tpu.memory_space<hbm>>
      %dma_wait3A_55 = arith.constant 0 : i32
      %dma_wait3A_56 = tpu.memref_slice %arg4[%add3A_12, %dma_wait3A_55] : memref<2560x128xi32, #tpu.memory_space<hbm>> -> memref<40x128xi32, #tpu.memory_space<hbm>>
      tpu.wait_dma2 semaphore(%run_scoped3A : memref<!tpu.dma_semaphore, #tpu.memory_space<semaphore_mem>>) src(%dma_wait3A_56 : memref<40x128xi32, #tpu.memory_space<hbm>>) dst(%arg8 : memref<40x128xi32, #tpu.memory_space<vmem>>)
      tpu.yield
    }) : () -> ()
    %dma_start3A = arith.constant 0 : i32
    %dma_start3A_13 = arith.constant 0 : i32
    %dma_start3A_14 = tpu.memref_slice %arg7[%dma_start3A, %dma_start3A_13] : memref<40x128xi32, #tpu.memory_space<vmem>> -> memref<1x128xi32, #tpu.memory_space<vmem>>
    %dma_start3A_15 = tpu.memref_squeeze %dma_start3A_14 : memref<1x128xi32, #tpu.memory_space<vmem>> -> memref<128xi32, #tpu.memory_space<vmem>>
    %dma_start3A_16 = arith.constant 0 : i32
    %dma_start3A_17 = arith.constant 0 : i32
    %dma_start3A_18 = tpu.memref_slice %arg2[%dma_start3A_16, %dma_start3A_17] : memref<10240x128xf32, #tpu.memory_space<hbm>> -> memref<10240x128xf32, #tpu.memory_space<hbm>>
    tpu.enqueue_indirect_dma source(%dma_start3A_18 : memref<10240x128xf32, #tpu.memory_space<hbm>>) target(%arg9 : memref<128x128xf32, #tpu.memory_space<vmem>>) offsets(%dma_start3A_15 : memref<128xi32, #tpu.memory_space<vmem>>) semaphore(%arg12 : memref<!tpu.dma_semaphore, #tpu.memory_space<semaphore_mem>>)
    %scan3A = arith.constant 0 : i32
    %scan3A_19 = arith.constant 0 : i32
    %scan3A_20 = arith.constant 20 : i32
    %scan3A_21 = arith.addi %scan3A_19, %scan3A_20 : i32
    %scan3A_22 = arith.constant 1 : i32
    scf.for %scan3A_50 = %scan3A_19 to %scan3A_21 step %scan3A_22  : i32 {
      %mul3A_51 = arith.constant 2 : i32
      %mul3A_52 = arith.muli %mul3A_51, %scan3A_50 : i32
      %add3A_53 = arith.constant 1 : i32
      %add3A_54 = arith.addi %mul3A_52, %add3A_53 : i32
      %dma_start3A_55 = arith.constant 0 : i32
      %dma_start3A_56 = tpu.memref_slice %arg7[%add3A_54, %dma_start3A_55] : memref<40x128xi32, #tpu.memory_space<vmem>> -> memref<1x128xi32, #tpu.memory_space<vmem>>
      %dma_start3A_57 = tpu.memref_squeeze %dma_start3A_56 : memref<1x128xi32, #tpu.memory_space<vmem>> -> memref<128xi32, #tpu.memory_space<vmem>>
      %dma_start3A_58 = arith.constant 0 : i32
      %dma_start3A_59 = arith.constant 0 : i32
      %dma_start3A_60 = tpu.memref_slice %arg2[%dma_start3A_58, %dma_start3A_59] : memref<10240x128xf32, #tpu.memory_space<hbm>> -> memref<10240x128xf32, #tpu.memory_space<hbm>>
      tpu.enqueue_indirect_dma source(%dma_start3A_60 : memref<10240x128xf32, #tpu.memory_space<hbm>>) target(%arg10 : memref<128x128xf32, #tpu.memory_space<vmem>>) offsets(%dma_start3A_57 : memref<128xi32, #tpu.memory_space<vmem>>) semaphore(%arg13 : memref<!tpu.dma_semaphore, #tpu.memory_space<semaphore_mem>>)
      %dma_wait3A = arith.constant 0 : i32
      %dma_wait3A_61 = tpu.memref_slice %arg7[%mul3A_52, %dma_wait3A] : memref<40x128xi32, #tpu.memory_space<vmem>> -> memref<1x128xi32, #tpu.memory_space<vmem>>
      %dma_wait3A_62 = tpu.memref_squeeze %dma_wait3A_61 : memref<1x128xi32, #tpu.memory_space<vmem>> -> memref<128xi32, #tpu.memory_space<vmem>>
      %dma_wait3A_63 = arith.constant 0 : i32
      %dma_wait3A_64 = arith.constant 0 : i32
      %dma_wait3A_65 = tpu.memref_slice %arg2[%dma_wait3A_63, %dma_wait3A_64] : memref<10240x128xf32, #tpu.memory_space<hbm>> -> memref<10240x128xf32, #tpu.memory_space<hbm>>
      tpu.wait_indirect_dma semaphore(%arg12 : memref<!tpu.dma_semaphore, #tpu.memory_space<semaphore_mem>>) src(%dma_wait3A_65 : memref<10240x128xf32, #tpu.memory_space<hbm>>) dst(%arg9 : memref<128x128xf32, #tpu.memory_space<vmem>>)
      "tpu.region"() ({
        %run_scoped3A = tpu.sem_alloc : memref<!tpu.dma_semaphore, #tpu.memory_space<semaphore_mem>>
        %dma_start3A_80 = arith.constant 0 : i32
        %dma_start3A_81 = tpu.memref_slice %arg8[%mul3A_52, %dma_start3A_80] : memref<40x128xi32, #tpu.memory_space<vmem>> -> memref<1x128xi32, #tpu.memory_space<vmem>>
        %dma_start3A_82 = tpu.memref_squeeze %dma_start3A_81 : memref<1x128xi32, #tpu.memory_space<vmem>> -> memref<128xi32, #tpu.memory_space<vmem>>
        %dma_start3A_83 = arith.constant 0 : i32
        %dma_start3A_84 = arith.constant 0 : i32
        %dma_start3A_85 = tpu.memref_slice %arg11[%dma_start3A_83, %dma_start3A_84] : memref<10240x128xf32, #tpu.memory_space<vmem_shared>> -> memref<10240x128xf32, #tpu.memory_space<vmem_shared>>
        tpu.enqueue_indirect_dma source(%arg9 : memref<128x128xf32, #tpu.memory_space<vmem>>) target(%dma_start3A_85 : memref<10240x128xf32, #tpu.memory_space<vmem_shared>>) offsets(%dma_start3A_82 : memref<128xi32, #tpu.memory_space<vmem>>) semaphore(%run_scoped3A : memref<!tpu.dma_semaphore, #tpu.memory_space<semaphore_mem>>) {add = true}
        %dma_wait3A_86 = arith.constant 0 : i32
        %dma_wait3A_87 = tpu.memref_slice %arg8[%mul3A_52, %dma_wait3A_86] : memref<40x128xi32, #tpu.memory_space<vmem>> -> memref<1x128xi32, #tpu.memory_space<vmem>>
        %dma_wait3A_88 = tpu.memref_squeeze %dma_wait3A_87 : memref<1x128xi32, #tpu.memory_space<vmem>> -> memref<128xi32, #tpu.memory_space<vmem>>
        %dma_wait3A_89 = arith.constant 0 : i32
        %dma_wait3A_90 = arith.constant 0 : i32
        %dma_wait3A_91 = tpu.memref_slice %arg11[%dma_wait3A_89, %dma_wait3A_90] : memref<10240x128xf32, #tpu.memory_space<vmem_shared>> -> memref<10240x128xf32, #tpu.memory_space<vmem_shared>>
        tpu.wait_indirect_dma semaphore(%run_scoped3A : memref<!tpu.dma_semaphore, #tpu.memory_space<semaphore_mem>>) src(%arg9 : memref<128x128xf32, #tpu.memory_space<vmem>>) dst(%dma_wait3A_91 : memref<10240x128xf32, #tpu.memory_space<vmem_shared>>)
        tpu.yield
      }) : () -> ()
      %add3A_66 = arith.constant 2 : i32
      %add3A_67 = arith.addi %mul3A_52, %add3A_66 : i32
      %lt3A = arith.constant 40 : i32
      %lt3A_68 = arith.cmpi slt, %add3A_67, %lt3A : i32
      %convert_element_type3A = arith.extui %lt3A_68 : i1 to i32
      %cond3A = arith.constant 0 : i32
      %cond3A_69 = arith.cmpi ne, %convert_element_type3A, %cond3A : i32
      scf.if %cond3A_69 {
        %add3A_80 = arith.constant 2 : i32
        %add3A_81 = arith.addi %mul3A_52, %add3A_80 : i32
        %dma_start3A_82 = arith.constant 0 : i32
        %dma_start3A_83 = tpu.memref_slice %arg7[%add3A_81, %dma_start3A_82] : memref<40x128xi32, #tpu.memory_space<vmem>> -> memref<1x128xi32, #tpu.memory_space<vmem>>
        %dma_start3A_84 = tpu.memref_squeeze %dma_start3A_83 : memref<1x128xi32, #tpu.memory_space<vmem>> -> memref<128xi32, #tpu.memory_space<vmem>>
        %dma_start3A_85 = arith.constant 0 : i32
        %dma_start3A_86 = arith.constant 0 : i32
        %dma_start3A_87 = tpu.memref_slice %arg2[%dma_start3A_85, %dma_start3A_86] : memref<10240x128xf32, #tpu.memory_space<hbm>> -> memref<10240x128xf32, #tpu.memory_space<hbm>>
        tpu.enqueue_indirect_dma source(%dma_start3A_87 : memref<10240x128xf32, #tpu.memory_space<hbm>>) target(%arg9 : memref<128x128xf32, #tpu.memory_space<vmem>>) offsets(%dma_start3A_84 : memref<128xi32, #tpu.memory_space<vmem>>) semaphore(%arg12 : memref<!tpu.dma_semaphore, #tpu.memory_space<semaphore_mem>>)
      } else {
      }
      %add3A_70 = arith.constant 1 : i32
      %add3A_71 = arith.addi %mul3A_52, %add3A_70 : i32
      %dma_wait3A_72 = arith.constant 0 : i32
      %dma_wait3A_73 = tpu.memref_slice %arg7[%add3A_71, %dma_wait3A_72] : memref<40x128xi32, #tpu.memory_space<vmem>> -> memref<1x128xi32, #tpu.memory_space<vmem>>
      %dma_wait3A_74 = tpu.memref_squeeze %dma_wait3A_73 : memref<1x128xi32, #tpu.memory_space<vmem>> -> memref<128xi32, #tpu.memory_space<vmem>>
      %dma_wait3A_75 = arith.constant 0 : i32
      %dma_wait3A_76 = arith.constant 0 : i32
      %dma_wait3A_77 = tpu.memref_slice %arg2[%dma_wait3A_75, %dma_wait3A_76] : memref<10240x128xf32, #tpu.memory_space<hbm>> -> memref<10240x128xf32, #tpu.memory_space<hbm>>
      tpu.wait_indirect_dma semaphore(%arg13 : memref<!tpu.dma_semaphore, #tpu.memory_space<semaphore_mem>>) src(%dma_wait3A_77 : memref<10240x128xf32, #tpu.memory_space<hbm>>) dst(%arg10 : memref<128x128xf32, #tpu.memory_space<vmem>>)
      %add3A_78 = arith.constant 1 : i32
      %add3A_79 = arith.addi %mul3A_52, %add3A_78 : i32
      "tpu.region"() ({
        %run_scoped3A = tpu.sem_alloc : memref<!tpu.dma_semaphore, #tpu.memory_space<semaphore_mem>>
        %dma_start3A_80 = arith.constant 0 : i32
        %dma_start3A_81 = tpu.memref_slice %arg8[%add3A_79, %dma_start3A_80] : memref<40x128xi32, #tpu.memory_space<vmem>> -> memref<1x128xi32, #tpu.memory_space<vmem>>
        %dma_start3A_82 = tpu.memref_squeeze %dma_start3A_81 : memref<1x128xi32, #tpu.memory_space<vmem>> -> memref<128xi32, #tpu.memory_space<vmem>>
        %dma_start3A_83 = arith.constant 0 : i32
        %dma_start3A_84 = arith.constant 0 : i32
        %dma_start3A_85 = tpu.memref_slice %arg11[%dma_start3A_83, %dma_start3A_84] : memref<10240x128xf32, #tpu.memory_space<vmem_shared>> -> memref<10240x128xf32, #tpu.memory_space<vmem_shared>>
        tpu.enqueue_indirect_dma source(%arg10 : memref<128x128xf32, #tpu.memory_space<vmem>>) target(%dma_start3A_85 : memref<10240x128xf32, #tpu.memory_space<vmem_shared>>) offsets(%dma_start3A_82 : memref<128xi32, #tpu.memory_space<vmem>>) semaphore(%run_scoped3A : memref<!tpu.dma_semaphore, #tpu.memory_space<semaphore_mem>>) {add = true}
        %dma_wait3A_86 = arith.constant 0 : i32
        %dma_wait3A_87 = tpu.memref_slice %arg8[%add3A_79, %dma_wait3A_86] : memref<40x128xi32, #tpu.memory_space<vmem>> -> memref<1x128xi32, #tpu.memory_space<vmem>>
        %dma_wait3A_88 = tpu.memref_squeeze %dma_wait3A_87 : memref<1x128xi32, #tpu.memory_space<vmem>> -> memref<128xi32, #tpu.memory_space<vmem>>
        %dma_wait3A_89 = arith.constant 0 : i32
        %dma_wait3A_90 = arith.constant 0 : i32
        %dma_wait3A_91 = tpu.memref_slice %arg11[%dma_wait3A_89, %dma_wait3A_90] : memref<10240x128xf32, #tpu.memory_space<vmem_shared>> -> memref<10240x128xf32, #tpu.memory_space<vmem_shared>>
        tpu.wait_indirect_dma semaphore(%run_scoped3A : memref<!tpu.dma_semaphore, #tpu.memory_space<semaphore_mem>>) src(%arg10 : memref<128x128xf32, #tpu.memory_space<vmem>>) dst(%dma_wait3A_91 : memref<10240x128xf32, #tpu.memory_space<vmem_shared>>)
        tpu.yield
      }) : () -> ()
    }
    %scan3A_23 = arith.constant 20 : i32
    %mul3A_24 = arith.constant 80 : i32
    %mul3A_25 = arith.muli %add3A, %mul3A_24 : i32
    %add3A_26 = arith.constant 40 : i32
    %add3A_27 = arith.addi %mul3A_25, %add3A_26 : i32
    "tpu.region"() ({
      %run_scoped3A = tpu.sem_alloc : memref<!tpu.dma_semaphore, #tpu.memory_space<semaphore_mem>>
      %dma_start3A_50 = arith.constant 0 : i32
      %dma_start3A_51 = tpu.memref_slice %arg3[%add3A_27, %dma_start3A_50] : memref<2560x128xi32, #tpu.memory_space<hbm>> -> memref<40x128xi32, #tpu.memory_space<hbm>>
      %dma_start3A_52 = arith.constant 0 : i32
      %dma_start3A_53 = tpu.memref_slice %arg3[%add3A_27, %dma_start3A_52] : memref<2560x128xi32, #tpu.memory_space<hbm>> -> memref<40x128xi32, #tpu.memory_space<hbm>>
      tpu.enqueue_dma source(%dma_start3A_53 : memref<40x128xi32, #tpu.memory_space<hbm>>) target(%arg7 : memref<40x128xi32, #tpu.memory_space<vmem>>) target_semaphore(%run_scoped3A : memref<!tpu.dma_semaphore, #tpu.memory_space<semaphore_mem>>)
      %dma_wait3A = arith.constant 0 : i32
      %dma_wait3A_54 = tpu.memref_slice %arg3[%add3A_27, %dma_wait3A] : memref<2560x128xi32, #tpu.memory_space<hbm>> -> memref<40x128xi32, #tpu.memory_space<hbm>>
      %dma_wait3A_55 = arith.constant 0 : i32
      %dma_wait3A_56 = tpu.memref_slice %arg3[%add3A_27, %dma_wait3A_55] : memref<2560x128xi32, #tpu.memory_space<hbm>> -> memref<40x128xi32, #tpu.memory_space<hbm>>
      tpu.wait_dma2 semaphore(%run_scoped3A : memref<!tpu.dma_semaphore, #tpu.memory_space<semaphore_mem>>) src(%dma_wait3A_56 : memref<40x128xi32, #tpu.memory_space<hbm>>) dst(%arg7 : memref<40x128xi32, #tpu.memory_space<vmem>>)
      tpu.yield
    }) : () -> ()
    %mul3A_28 = arith.constant 80 : i32
    %mul3A_29 = arith.muli %add3A, %mul3A_28 : i32
    %add3A_30 = arith.constant 40 : i32
    %add3A_31 = arith.addi %mul3A_29, %add3A_30 : i32
    "tpu.region"() ({
      %run_scoped3A = tpu.sem_alloc : memref<!tpu.dma_semaphore, #tpu.memory_space<semaphore_mem>>
      %dma_start3A_50 = arith.constant 0 : i32
      %dma_start3A_51 = tpu.memref_slice %arg4[%add3A_31, %dma_start3A_50] : memref<2560x128xi32, #tpu.memory_space<hbm>> -> memref<40x128xi32, #tpu.memory_space<hbm>>
      %dma_start3A_52 = arith.constant 0 : i32
      %dma_start3A_53 = tpu.memref_slice %arg4[%add3A_31, %dma_start3A_52] : memref<2560x128xi32, #tpu.memory_space<hbm>> -> memref<40x128xi32, #tpu.memory_space<hbm>>
      tpu.enqueue_dma source(%dma_start3A_53 : memref<40x128xi32, #tpu.memory_space<hbm>>) target(%arg8 : memref<40x128xi32, #tpu.memory_space<vmem>>) target_semaphore(%run_scoped3A : memref<!tpu.dma_semaphore, #tpu.memory_space<semaphore_mem>>)
      %dma_wait3A = arith.constant 0 : i32
      %dma_wait3A_54 = tpu.memref_slice %arg4[%add3A_31, %dma_wait3A] : memref<2560x128xi32, #tpu.memory_space<hbm>> -> memref<40x128xi32, #tpu.memory_space<hbm>>
      %dma_wait3A_55 = arith.constant 0 : i32
      %dma_wait3A_56 = tpu.memref_slice %arg4[%add3A_31, %dma_wait3A_55] : memref<2560x128xi32, #tpu.memory_space<hbm>> -> memref<40x128xi32, #tpu.memory_space<hbm>>
      tpu.wait_dma2 semaphore(%run_scoped3A : memref<!tpu.dma_semaphore, #tpu.memory_space<semaphore_mem>>) src(%dma_wait3A_56 : memref<40x128xi32, #tpu.memory_space<hbm>>) dst(%arg8 : memref<40x128xi32, #tpu.memory_space<vmem>>)
      tpu.yield
    }) : () -> ()
    %dma_start3A_32 = arith.constant 0 : i32
    %dma_start3A_33 = arith.constant 0 : i32
    %dma_start3A_34 = tpu.memref_slice %arg7[%dma_start3A_32, %dma_start3A_33] : memref<40x128xi32, #tpu.memory_space<vmem>> -> memref<1x128xi32, #tpu.memory_space<vmem>>
    %dma_start3A_35 = tpu.memref_squeeze %dma_start3A_34 : memref<1x128xi32, #tpu.memory_space<vmem>> -> memref<128xi32, #tpu.memory_space<vmem>>
    %dma_start3A_36 = arith.constant 0 : i32
    %dma_start3A_37 = arith.constant 0 : i32
    %dma_start3A_38 = tpu.memref_slice %arg2[%dma_start3A_36, %dma_start3A_37] : memref<10240x128xf32, #tpu.memory_space<hbm>> -> memref<10240x128xf32, #tpu.memory_space<hbm>>
    tpu.enqueue_indirect_dma source(%dma_start3A_38 : memref<10240x128xf32, #tpu.memory_space<hbm>>) target(%arg9 : memref<128x128xf32, #tpu.memory_space<vmem>>) offsets(%dma_start3A_35 : memref<128xi32, #tpu.memory_space<vmem>>) semaphore(%arg12 : memref<!tpu.dma_semaphore, #tpu.memory_space<semaphore_mem>>)
    %scan3A_39 = arith.constant 0 : i32
    %scan3A_40 = arith.constant 0 : i32
    %scan3A_41 = arith.constant 20 : i32
    %scan3A_42 = arith.addi %scan3A_40, %scan3A_41 : i32
    %scan3A_43 = arith.constant 1 : i32
    scf.for %scan3A_50 = %scan3A_40 to %scan3A_42 step %scan3A_43  : i32 {
      %mul3A_51 = arith.constant 2 : i32
      %mul3A_52 = arith.muli %mul3A_51, %scan3A_50 : i32
      %add3A_53 = arith.constant 1 : i32
      %add3A_54 = arith.addi %mul3A_52, %add3A_53 : i32
      %dma_start3A_55 = arith.constant 0 : i32
      %dma_start3A_56 = tpu.memref_slice %arg7[%add3A_54, %dma_start3A_55] : memref<40x128xi32, #tpu.memory_space<vmem>> -> memref<1x128xi32, #tpu.memory_space<vmem>>
      %dma_start3A_57 = tpu.memref_squeeze %dma_start3A_56 : memref<1x128xi32, #tpu.memory_space<vmem>> -> memref<128xi32, #tpu.memory_space<vmem>>
      %dma_start3A_58 = arith.constant 0 : i32
      %dma_start3A_59 = arith.constant 0 : i32
      %dma_start3A_60 = tpu.memref_slice %arg2[%dma_start3A_58, %dma_start3A_59] : memref<10240x128xf32, #tpu.memory_space<hbm>> -> memref<10240x128xf32, #tpu.memory_space<hbm>>
      tpu.enqueue_indirect_dma source(%dma_start3A_60 : memref<10240x128xf32, #tpu.memory_space<hbm>>) target(%arg10 : memref<128x128xf32, #tpu.memory_space<vmem>>) offsets(%dma_start3A_57 : memref<128xi32, #tpu.memory_space<vmem>>) semaphore(%arg13 : memref<!tpu.dma_semaphore, #tpu.memory_space<semaphore_mem>>)
      %dma_wait3A = arith.constant 0 : i32
      %dma_wait3A_61 = tpu.memref_slice %arg7[%mul3A_52, %dma_wait3A] : memref<40x128xi32, #tpu.memory_space<vmem>> -> memref<1x128xi32, #tpu.memory_space<vmem>>
      %dma_wait3A_62 = tpu.memref_squeeze %dma_wait3A_61 : memref<1x128xi32, #tpu.memory_space<vmem>> -> memref<128xi32, #tpu.memory_space<vmem>>
      %dma_wait3A_63 = arith.constant 0 : i32
      %dma_wait3A_64 = arith.constant 0 : i32
      %dma_wait3A_65 = tpu.memref_slice %arg2[%dma_wait3A_63, %dma_wait3A_64] : memref<10240x128xf32, #tpu.memory_space<hbm>> -> memref<10240x128xf32, #tpu.memory_space<hbm>>
      tpu.wait_indirect_dma semaphore(%arg12 : memref<!tpu.dma_semaphore, #tpu.memory_space<semaphore_mem>>) src(%dma_wait3A_65 : memref<10240x128xf32, #tpu.memory_space<hbm>>) dst(%arg9 : memref<128x128xf32, #tpu.memory_space<vmem>>)
      "tpu.region"() ({
        %run_scoped3A = tpu.sem_alloc : memref<!tpu.dma_semaphore, #tpu.memory_space<semaphore_mem>>
        %dma_start3A_80 = arith.constant 0 : i32
        %dma_start3A_81 = tpu.memref_slice %arg8[%mul3A_52, %dma_start3A_80] : memref<40x128xi32, #tpu.memory_space<vmem>> -> memref<1x128xi32, #tpu.memory_space<vmem>>
        %dma_start3A_82 = tpu.memref_squeeze %dma_start3A_81 : memref<1x128xi32, #tpu.memory_space<vmem>> -> memref<128xi32, #tpu.memory_space<vmem>>
        %dma_start3A_83 = arith.constant 0 : i32
        %dma_start3A_84 = arith.constant 0 : i32
        %dma_start3A_85 = tpu.memref_slice %arg11[%dma_start3A_83, %dma_start3A_84] : memref<10240x128xf32, #tpu.memory_space<vmem_shared>> -> memref<10240x128xf32, #tpu.memory_space<vmem_shared>>
        tpu.enqueue_indirect_dma source(%arg9 : memref<128x128xf32, #tpu.memory_space<vmem>>) target(%dma_start3A_85 : memref<10240x128xf32, #tpu.memory_space<vmem_shared>>) offsets(%dma_start3A_82 : memref<128xi32, #tpu.memory_space<vmem>>) semaphore(%run_scoped3A : memref<!tpu.dma_semaphore, #tpu.memory_space<semaphore_mem>>) {add = true}
        %dma_wait3A_86 = arith.constant 0 : i32
        %dma_wait3A_87 = tpu.memref_slice %arg8[%mul3A_52, %dma_wait3A_86] : memref<40x128xi32, #tpu.memory_space<vmem>> -> memref<1x128xi32, #tpu.memory_space<vmem>>
        %dma_wait3A_88 = tpu.memref_squeeze %dma_wait3A_87 : memref<1x128xi32, #tpu.memory_space<vmem>> -> memref<128xi32, #tpu.memory_space<vmem>>
        %dma_wait3A_89 = arith.constant 0 : i32
        %dma_wait3A_90 = arith.constant 0 : i32
        %dma_wait3A_91 = tpu.memref_slice %arg11[%dma_wait3A_89, %dma_wait3A_90] : memref<10240x128xf32, #tpu.memory_space<vmem_shared>> -> memref<10240x128xf32, #tpu.memory_space<vmem_shared>>
        tpu.wait_indirect_dma semaphore(%run_scoped3A : memref<!tpu.dma_semaphore, #tpu.memory_space<semaphore_mem>>) src(%arg9 : memref<128x128xf32, #tpu.memory_space<vmem>>) dst(%dma_wait3A_91 : memref<10240x128xf32, #tpu.memory_space<vmem_shared>>)
        tpu.yield
      }) : () -> ()
      %add3A_66 = arith.constant 2 : i32
      %add3A_67 = arith.addi %mul3A_52, %add3A_66 : i32
      %lt3A = arith.constant 40 : i32
      %lt3A_68 = arith.cmpi slt, %add3A_67, %lt3A : i32
      %convert_element_type3A = arith.extui %lt3A_68 : i1 to i32
      %cond3A = arith.constant 0 : i32
      %cond3A_69 = arith.cmpi ne, %convert_element_type3A, %cond3A : i32
      scf.if %cond3A_69 {
        %add3A_80 = arith.constant 2 : i32
        %add3A_81 = arith.addi %mul3A_52, %add3A_80 : i32
        %dma_start3A_82 = arith.constant 0 : i32
        %dma_start3A_83 = tpu.memref_slice %arg7[%add3A_81, %dma_start3A_82] : memref<40x128xi32, #tpu.memory_space<vmem>> -> memref<1x128xi32, #tpu.memory_space<vmem>>
        %dma_start3A_84 = tpu.memref_squeeze %dma_start3A_83 : memref<1x128xi32, #tpu.memory_space<vmem>> -> memref<128xi32, #tpu.memory_space<vmem>>
        %dma_start3A_85 = arith.constant 0 : i32
        %dma_start3A_86 = arith.constant 0 : i32
        %dma_start3A_87 = tpu.memref_slice %arg2[%dma_start3A_85, %dma_start3A_86] : memref<10240x128xf32, #tpu.memory_space<hbm>> -> memref<10240x128xf32, #tpu.memory_space<hbm>>
        tpu.enqueue_indirect_dma source(%dma_start3A_87 : memref<10240x128xf32, #tpu.memory_space<hbm>>) target(%arg9 : memref<128x128xf32, #tpu.memory_space<vmem>>) offsets(%dma_start3A_84 : memref<128xi32, #tpu.memory_space<vmem>>) semaphore(%arg12 : memref<!tpu.dma_semaphore, #tpu.memory_space<semaphore_mem>>)
      } else {
      }
      %add3A_70 = arith.constant 1 : i32
      %add3A_71 = arith.addi %mul3A_52, %add3A_70 : i32
      %dma_wait3A_72 = arith.constant 0 : i32
      %dma_wait3A_73 = tpu.memref_slice %arg7[%add3A_71, %dma_wait3A_72] : memref<40x128xi32, #tpu.memory_space<vmem>> -> memref<1x128xi32, #tpu.memory_space<vmem>>
      %dma_wait3A_74 = tpu.memref_squeeze %dma_wait3A_73 : memref<1x128xi32, #tpu.memory_space<vmem>> -> memref<128xi32, #tpu.memory_space<vmem>>
      %dma_wait3A_75 = arith.constant 0 : i32
      %dma_wait3A_76 = arith.constant 0 : i32
      %dma_wait3A_77 = tpu.memref_slice %arg2[%dma_wait3A_75, %dma_wait3A_76] : memref<10240x128xf32, #tpu.memory_space<hbm>> -> memref<10240x128xf32, #tpu.memory_space<hbm>>
      tpu.wait_indirect_dma semaphore(%arg13 : memref<!tpu.dma_semaphore, #tpu.memory_space<semaphore_mem>>) src(%dma_wait3A_77 : memref<10240x128xf32, #tpu.memory_space<hbm>>) dst(%arg10 : memref<128x128xf32, #tpu.memory_space<vmem>>)
      %add3A_78 = arith.constant 1 : i32
      %add3A_79 = arith.addi %mul3A_52, %add3A_78 : i32
      "tpu.region"() ({
        %run_scoped3A = tpu.sem_alloc : memref<!tpu.dma_semaphore, #tpu.memory_space<semaphore_mem>>
        %dma_start3A_80 = arith.constant 0 : i32
        %dma_start3A_81 = tpu.memref_slice %arg8[%add3A_79, %dma_start3A_80] : memref<40x128xi32, #tpu.memory_space<vmem>> -> memref<1x128xi32, #tpu.memory_space<vmem>>
        %dma_start3A_82 = tpu.memref_squeeze %dma_start3A_81 : memref<1x128xi32, #tpu.memory_space<vmem>> -> memref<128xi32, #tpu.memory_space<vmem>>
        %dma_start3A_83 = arith.constant 0 : i32
        %dma_start3A_84 = arith.constant 0 : i32
        %dma_start3A_85 = tpu.memref_slice %arg11[%dma_start3A_83, %dma_start3A_84] : memref<10240x128xf32, #tpu.memory_space<vmem_shared>> -> memref<10240x128xf32, #tpu.memory_space<vmem_shared>>
        tpu.enqueue_indirect_dma source(%arg10 : memref<128x128xf32, #tpu.memory_space<vmem>>) target(%dma_start3A_85 : memref<10240x128xf32, #tpu.memory_space<vmem_shared>>) offsets(%dma_start3A_82 : memref<128xi32, #tpu.memory_space<vmem>>) semaphore(%run_scoped3A : memref<!tpu.dma_semaphore, #tpu.memory_space<semaphore_mem>>) {add = true}
        %dma_wait3A_86 = arith.constant 0 : i32
        %dma_wait3A_87 = tpu.memref_slice %arg8[%add3A_79, %dma_wait3A_86] : memref<40x128xi32, #tpu.memory_space<vmem>> -> memref<1x128xi32, #tpu.memory_space<vmem>>
        %dma_wait3A_88 = tpu.memref_squeeze %dma_wait3A_87 : memref<1x128xi32, #tpu.memory_space<vmem>> -> memref<128xi32, #tpu.memory_space<vmem>>
        %dma_wait3A_89 = arith.constant 0 : i32
        %dma_wait3A_90 = arith.constant 0 : i32
        %dma_wait3A_91 = tpu.memref_slice %arg11[%dma_wait3A_89, %dma_wait3A_90] : memref<10240x128xf32, #tpu.memory_space<vmem_shared>> -> memref<10240x128xf32, #tpu.memory_space<vmem_shared>>
        tpu.wait_indirect_dma semaphore(%run_scoped3A : memref<!tpu.dma_semaphore, #tpu.memory_space<semaphore_mem>>) src(%arg10 : memref<128x128xf32, #tpu.memory_space<vmem>>) dst(%dma_wait3A_91 : memref<10240x128xf32, #tpu.memory_space<vmem_shared>>)
        tpu.yield
      }) : () -> ()
    }
    %scan3A_44 = arith.constant 20 : i32
    %barrier3A_45 = arith.constant 0 : index
    tpu.barrier barrier_id(%barrier3A_45)
    %mul3A_46 = arith.constant 640 : i32
    %mul3A_47 = arith.muli %arg1, %mul3A_46 : i32
    %mul3A_48 = arith.constant 640 : i32
    %mul3A_49 = arith.muli %arg1, %mul3A_48 : i32
    "tpu.region"() ({
      %run_scoped3A = tpu.sem_alloc : memref<!tpu.dma_semaphore, #tpu.memory_space<semaphore_mem>>
      %dma_start3A_50 = arith.constant 0 : i32
      %dma_start3A_51 = tpu.memref_slice %arg6[%arg0, %mul3A_49, %dma_start3A_50] : memref<2x10240x128xf32, #tpu.memory_space<hbm>> -> memref<1x640x128xf32, #tpu.memory_space<hbm>>
      %dma_start3A_52 = tpu.memref_squeeze %dma_start3A_51 : memref<1x640x128xf32, #tpu.memory_space<hbm>> -> memref<640x128xf32, #tpu.memory_space<hbm>>
      %dma_start3A_53 = arith.constant 0 : i32
      %dma_start3A_54 = tpu.memref_slice %arg11[%mul3A_47, %dma_start3A_53] : memref<10240x128xf32, #tpu.memory_space<vmem_shared>> -> memref<640x128xf32, #tpu.memory_space<vmem_shared>>
      tpu.enqueue_dma source(%dma_start3A_54 : memref<640x128xf32, #tpu.memory_space<vmem_shared>>) target(%dma_start3A_52 : memref<640x128xf32, #tpu.memory_space<hbm>>) target_semaphore(%run_scoped3A : memref<!tpu.dma_semaphore, #tpu.memory_space<semaphore_mem>>)
      %dma_wait3A = arith.constant 0 : i32
      %dma_wait3A_55 = tpu.memref_slice %arg6[%arg0, %mul3A_49, %dma_wait3A] : memref<2x10240x128xf32, #tpu.memory_space<hbm>> -> memref<1x640x128xf32, #tpu.memory_space<hbm>>
      %dma_wait3A_56 = tpu.memref_squeeze %dma_wait3A_55 : memref<1x640x128xf32, #tpu.memory_space<hbm>> -> memref<640x128xf32, #tpu.memory_space<hbm>>
      %dma_wait3A_57 = arith.constant 0 : i32
      %dma_wait3A_58 = tpu.memref_slice %arg11[%mul3A_47, %dma_wait3A_57] : memref<10240x128xf32, #tpu.memory_space<vmem_shared>> -> memref<640x128xf32, #tpu.memory_space<vmem_shared>>
      tpu.wait_dma2 semaphore(%run_scoped3A : memref<!tpu.dma_semaphore, #tpu.memory_space<semaphore_mem>>) src(%dma_wait3A_58 : memref<640x128xf32, #tpu.memory_space<vmem_shared>>) dst(%dma_wait3A_56 : memref<640x128xf32, #tpu.memory_space<hbm>>)
      tpu.yield
    }) : () -> ()
    return
  }
}

#map = affine_map<(d0, d1) -> (0, 0)>
#map1 = affine_map<(d0, d1) -> (0, 0, 0)>
module attributes {stable_mosaic.version = 14 : i64} {
  func.func @k(%arg0: i32, %arg1: i32, %arg2: memref<2560x128xi32, #tpu.memory_space<hbm>>, %arg3: memref<10240x128xf32, #tpu.memory_space<hbm>>, %arg4: memref<128x128xf32, #tpu.memory_space<hbm>>, %arg5: memref<2x10240x128xf32, #tpu.memory_space<hbm>>, %arg6: memref<80x128xi32, #tpu.memory_space<vmem>>, %arg7: memref<128x128xf32, #tpu.memory_space<vmem>>, %arg8: memref<10240x128xf32, #tpu.memory_space<vmem_shared>>) attributes {dimension_semantics = [#tpu.dimension_semantics<core_parallel>, #tpu.dimension_semantics<subcore_parallel>], iteration_bounds = array<i64: 2, 16>, scalar_prefetch = 0 : i64, scratch_operands = 3 : i64, tpu.core_type = #tpu.core_type<sc_vector_subcore>, window_params = [{transform_indices = #map}, {transform_indices = #map}, {transform_indices = #map}, {transform_indices = #map1}]} {
    %mul3A = arith.constant 2 : i32
    %mul3A_0 = arith.muli %arg1, %mul3A : i32
    %add3A = arith.addi %mul3A_0, %arg0 : i32
    %mul3A_1 = arith.constant 640 : i32
    %mul3A_2 = arith.muli %arg1, %mul3A_1 : i32
    %mul3A_3 = arith.constant 640 : i32
    %mul3A_4 = arith.muli %arg1, %mul3A_3 : i32
    "tpu.region"() ({
      %run_scoped3A = tpu.sem_alloc : memref<!tpu.dma_semaphore, #tpu.memory_space<semaphore_mem>>
      %dma_start3A = arith.constant 0 : i32
      %dma_start3A_17 = tpu.memref_slice %arg8[%mul3A_4, %dma_start3A] : memref<10240x128xf32, #tpu.memory_space<vmem_shared>> -> memref<640x128xf32, #tpu.memory_space<vmem_shared>>
      %dma_start3A_18 = arith.constant 0 : i32
      %dma_start3A_19 = tpu.memref_slice %arg3[%mul3A_2, %dma_start3A_18] : memref<10240x128xf32, #tpu.memory_space<hbm>> -> memref<640x128xf32, #tpu.memory_space<hbm>>
      tpu.enqueue_dma source(%dma_start3A_19 : memref<640x128xf32, #tpu.memory_space<hbm>>) target(%dma_start3A_17 : memref<640x128xf32, #tpu.memory_space<vmem_shared>>) target_semaphore(%run_scoped3A : memref<!tpu.dma_semaphore, #tpu.memory_space<semaphore_mem>>)
      %dma_wait3A = arith.constant 0 : i32
      %dma_wait3A_20 = tpu.memref_slice %arg8[%mul3A_4, %dma_wait3A] : memref<10240x128xf32, #tpu.memory_space<vmem_shared>> -> memref<640x128xf32, #tpu.memory_space<vmem_shared>>
      %dma_wait3A_21 = arith.constant 0 : i32
      %dma_wait3A_22 = tpu.memref_slice %arg3[%mul3A_2, %dma_wait3A_21] : memref<10240x128xf32, #tpu.memory_space<hbm>> -> memref<640x128xf32, #tpu.memory_space<hbm>>
      tpu.wait_dma2 semaphore(%run_scoped3A : memref<!tpu.dma_semaphore, #tpu.memory_space<semaphore_mem>>) src(%dma_wait3A_22 : memref<640x128xf32, #tpu.memory_space<hbm>>) dst(%dma_wait3A_20 : memref<640x128xf32, #tpu.memory_space<vmem_shared>>)
      tpu.yield
    }) : () -> ()
    "tpu.region"() ({
      %run_scoped3A = tpu.sem_alloc : memref<!tpu.dma_semaphore, #tpu.memory_space<semaphore_mem>>
      tpu.enqueue_dma source(%arg4 : memref<128x128xf32, #tpu.memory_space<hbm>>) target(%arg7 : memref<128x128xf32, #tpu.memory_space<vmem>>) target_semaphore(%run_scoped3A : memref<!tpu.dma_semaphore, #tpu.memory_space<semaphore_mem>>)
      tpu.wait_dma2 semaphore(%run_scoped3A : memref<!tpu.dma_semaphore, #tpu.memory_space<semaphore_mem>>) src(%arg4 : memref<128x128xf32, #tpu.memory_space<hbm>>) dst(%arg7 : memref<128x128xf32, #tpu.memory_space<vmem>>)
      tpu.yield
    }) : () -> ()
    %mul3A_5 = arith.constant 80 : i32
    %mul3A_6 = arith.muli %add3A, %mul3A_5 : i32
    "tpu.region"() ({
      %run_scoped3A = tpu.sem_alloc : memref<!tpu.dma_semaphore, #tpu.memory_space<semaphore_mem>>
      %dma_start3A = arith.constant 0 : i32
      %dma_start3A_17 = tpu.memref_slice %arg2[%mul3A_6, %dma_start3A] : memref<2560x128xi32, #tpu.memory_space<hbm>> -> memref<80x128xi32, #tpu.memory_space<hbm>>
      %dma_start3A_18 = arith.constant 0 : i32
      %dma_start3A_19 = tpu.memref_slice %arg2[%mul3A_6, %dma_start3A_18] : memref<2560x128xi32, #tpu.memory_space<hbm>> -> memref<80x128xi32, #tpu.memory_space<hbm>>
      tpu.enqueue_dma source(%dma_start3A_19 : memref<80x128xi32, #tpu.memory_space<hbm>>) target(%arg6 : memref<80x128xi32, #tpu.memory_space<vmem>>) target_semaphore(%run_scoped3A : memref<!tpu.dma_semaphore, #tpu.memory_space<semaphore_mem>>)
      %dma_wait3A = arith.constant 0 : i32
      %dma_wait3A_20 = tpu.memref_slice %arg2[%mul3A_6, %dma_wait3A] : memref<2560x128xi32, #tpu.memory_space<hbm>> -> memref<80x128xi32, #tpu.memory_space<hbm>>
      %dma_wait3A_21 = arith.constant 0 : i32
      %dma_wait3A_22 = tpu.memref_slice %arg2[%mul3A_6, %dma_wait3A_21] : memref<2560x128xi32, #tpu.memory_space<hbm>> -> memref<80x128xi32, #tpu.memory_space<hbm>>
      tpu.wait_dma2 semaphore(%run_scoped3A : memref<!tpu.dma_semaphore, #tpu.memory_space<semaphore_mem>>) src(%dma_wait3A_22 : memref<80x128xi32, #tpu.memory_space<hbm>>) dst(%arg6 : memref<80x128xi32, #tpu.memory_space<vmem>>)
      tpu.yield
    }) : () -> ()
    %barrier3A = arith.constant 0 : index
    tpu.barrier barrier_id(%barrier3A)
    %scan3A = arith.constant 0 : i32
    %scan3A_7 = arith.constant 0 : i32
    %scan3A_8 = arith.constant 80 : i32
    %scan3A_9 = arith.addi %scan3A_7, %scan3A_8 : i32
    %scan3A_10 = arith.constant 1 : i32
    scf.for %scan3A_17 = %scan3A_7 to %scan3A_9 step %scan3A_10  : i32 {
      "tpu.region"() ({
        %run_scoped3A = tpu.sem_alloc : memref<!tpu.dma_semaphore, #tpu.memory_space<semaphore_mem>>
        %dma_start3A = arith.constant 0 : i32
        %dma_start3A_18 = tpu.memref_slice %arg6[%scan3A_17, %dma_start3A] : memref<80x128xi32, #tpu.memory_space<vmem>> -> memref<1x128xi32, #tpu.memory_space<vmem>>
        %dma_start3A_19 = tpu.memref_squeeze %dma_start3A_18 : memref<1x128xi32, #tpu.memory_space<vmem>> -> memref<128xi32, #tpu.memory_space<vmem>>
        %dma_start3A_20 = arith.constant 0 : i32
        %dma_start3A_21 = arith.constant 0 : i32
        %dma_start3A_22 = tpu.memref_slice %arg8[%dma_start3A_20, %dma_start3A_21] : memref<10240x128xf32, #tpu.memory_space<vmem_shared>> -> memref<10240x128xf32, #tpu.memory_space<vmem_shared>>
        tpu.enqueue_indirect_dma source(%arg7 : memref<128x128xf32, #tpu.memory_space<vmem>>) target(%dma_start3A_22 : memref<10240x128xf32, #tpu.memory_space<vmem_shared>>) offsets(%dma_start3A_19 : memref<128xi32, #tpu.memory_space<vmem>>) semaphore(%run_scoped3A : memref<!tpu.dma_semaphore, #tpu.memory_space<semaphore_mem>>) {add = true}
        %dma_wait3A = arith.constant 0 : i32
        %dma_wait3A_23 = tpu.memref_slice %arg6[%scan3A_17, %dma_wait3A] : memref<80x128xi32, #tpu.memory_space<vmem>> -> memref<1x128xi32, #tpu.memory_space<vmem>>
        %dma_wait3A_24 = tpu.memref_squeeze %dma_wait3A_23 : memref<1x128xi32, #tpu.memory_space<vmem>> -> memref<128xi32, #tpu.memory_space<vmem>>
        %dma_wait3A_25 = arith.constant 0 : i32
        %dma_wait3A_26 = arith.constant 0 : i32
        %dma_wait3A_27 = tpu.memref_slice %arg8[%dma_wait3A_25, %dma_wait3A_26] : memref<10240x128xf32, #tpu.memory_space<vmem_shared>> -> memref<10240x128xf32, #tpu.memory_space<vmem_shared>>
        tpu.wait_indirect_dma semaphore(%run_scoped3A : memref<!tpu.dma_semaphore, #tpu.memory_space<semaphore_mem>>) src(%arg7 : memref<128x128xf32, #tpu.memory_space<vmem>>) dst(%dma_wait3A_27 : memref<10240x128xf32, #tpu.memory_space<vmem_shared>>)
        tpu.yield
      }) : () -> ()
    }
    %scan3A_11 = arith.constant 80 : i32
    %barrier3A_12 = arith.constant 0 : index
    tpu.barrier barrier_id(%barrier3A_12)
    %mul3A_13 = arith.constant 640 : i32
    %mul3A_14 = arith.muli %arg1, %mul3A_13 : i32
    %mul3A_15 = arith.constant 640 : i32
    %mul3A_16 = arith.muli %arg1, %mul3A_15 : i32
    "tpu.region"() ({
      %run_scoped3A = tpu.sem_alloc : memref<!tpu.dma_semaphore, #tpu.memory_space<semaphore_mem>>
      %dma_start3A = arith.constant 0 : i32
      %dma_start3A_17 = tpu.memref_slice %arg5[%arg0, %mul3A_16, %dma_start3A] : memref<2x10240x128xf32, #tpu.memory_space<hbm>> -> memref<1x640x128xf32, #tpu.memory_space<hbm>>
      %dma_start3A_18 = tpu.memref_squeeze %dma_start3A_17 : memref<1x640x128xf32, #tpu.memory_space<hbm>> -> memref<640x128xf32, #tpu.memory_space<hbm>>
      %dma_start3A_19 = arith.constant 0 : i32
      %dma_start3A_20 = tpu.memref_slice %arg8[%mul3A_14, %dma_start3A_19] : memref<10240x128xf32, #tpu.memory_space<vmem_shared>> -> memref<640x128xf32, #tpu.memory_space<vmem_shared>>
      tpu.enqueue_dma source(%dma_start3A_20 : memref<640x128xf32, #tpu.memory_space<vmem_shared>>) target(%dma_start3A_18 : memref<640x128xf32, #tpu.memory_space<hbm>>) target_semaphore(%run_scoped3A : memref<!tpu.dma_semaphore, #tpu.memory_space<semaphore_mem>>)
      %dma_wait3A = arith.constant 0 : i32
      %dma_wait3A_21 = tpu.memref_slice %arg5[%arg0, %mul3A_16, %dma_wait3A] : memref<2x10240x128xf32, #tpu.memory_space<hbm>> -> memref<1x640x128xf32, #tpu.memory_space<hbm>>
      %dma_wait3A_22 = tpu.memref_squeeze %dma_wait3A_21 : memref<1x640x128xf32, #tpu.memory_space<hbm>> -> memref<640x128xf32, #tpu.memory_space<hbm>>
      %dma_wait3A_23 = arith.constant 0 : i32
      %dma_wait3A_24 = tpu.memref_slice %arg8[%mul3A_14, %dma_wait3A_23] : memref<10240x128xf32, #tpu.memory_space<vmem_shared>> -> memref<640x128xf32, #tpu.memory_space<vmem_shared>>
      tpu.wait_dma2 semaphore(%run_scoped3A : memref<!tpu.dma_semaphore, #tpu.memory_space<semaphore_mem>>) src(%dma_wait3A_24 : memref<640x128xf32, #tpu.memory_space<vmem_shared>>) dst(%dma_wait3A_22 : memref<640x128xf32, #tpu.memory_space<hbm>>)
      tpu.yield
    }) : () -> ()
    return
  }
}

#map = affine_map<(d0, d1) -> (0, 0)>
#map1 = affine_map<(d0, d1) -> (0, 0, 0)>
module attributes {stable_mosaic.version = 14 : i64} {
  func.func @k(%arg0: i32, %arg1: i32, %arg2: memref<10240x128xf32, #tpu.memory_space<hbm>>, %arg3: memref<2560x128xi32, #tpu.memory_space<hbm>>, %arg4: memref<2560x128xi32, #tpu.memory_space<hbm>>, %arg5: memref<10240x128xf32, #tpu.memory_space<hbm>>, %arg6: memref<2x10240x128xf32, #tpu.memory_space<hbm>>, %arg7: memref<40x128xi32, #tpu.memory_space<vmem>>, %arg8: memref<40x128xi32, #tpu.memory_space<vmem>>, %arg9: memref<128x128xf32, #tpu.memory_space<vmem>>, %arg10: memref<128x128xf32, #tpu.memory_space<vmem>>, %arg11: memref<10240x128xf32, #tpu.memory_space<vmem_shared>>, %arg12: memref<!tpu.dma_semaphore, #tpu.memory_space<semaphore_mem>>, %arg13: memref<!tpu.dma_semaphore, #tpu.memory_space<semaphore_mem>>) attributes {dimension_semantics = [#tpu.dimension_semantics<core_parallel>, #tpu.dimension_semantics<subcore_parallel>], iteration_bounds = array<i64: 2, 16>, scalar_prefetch = 0 : i64, scratch_operands = 7 : i64, tpu.core_type = #tpu.core_type<sc_vector_subcore>, window_params = [{transform_indices = #map}, {transform_indices = #map}, {transform_indices = #map}, {transform_indices = #map}, {transform_indices = #map1}]} {
    %mul3A = arith.constant 2 : i32
    %mul3A_0 = arith.muli %arg1, %mul3A : i32
    %add3A = arith.addi %mul3A_0, %arg0 : i32
    %mul3A_1 = arith.constant 640 : i32
    %mul3A_2 = arith.muli %arg1, %mul3A_1 : i32
    %mul3A_3 = arith.constant 640 : i32
    %mul3A_4 = arith.muli %arg1, %mul3A_3 : i32
    "tpu.region"() ({
      %run_scoped3A = tpu.sem_alloc : memref<!tpu.dma_semaphore, #tpu.memory_space<semaphore_mem>>
      %dma_start3A_50 = arith.constant 0 : i32
      %dma_start3A_51 = tpu.memref_slice %arg11[%mul3A_4, %dma_start3A_50] : memref<10240x128xf32, #tpu.memory_space<vmem_shared>> -> memref<640x128xf32, #tpu.memory_space<vmem_shared>>
      %dma_start3A_52 = arith.constant 0 : i32
      %dma_start3A_53 = tpu.memref_slice %arg5[%mul3A_2, %dma_start3A_52] : memref<10240x128xf32, #tpu.memory_space<hbm>> -> memref<640x128xf32, #tpu.memory_space<hbm>>
      tpu.enqueue_dma source(%dma_start3A_53 : memref<640x128xf32, #tpu.memory_space<hbm>>) target(%dma_start3A_51 : memref<640x128xf32, #tpu.memory_space<vmem_shared>>) target_semaphore(%run_scoped3A : memref<!tpu.dma_semaphore, #tpu.memory_space<semaphore_mem>>)
      %dma_wait3A = arith.constant 0 : i32
      %dma_wait3A_54 = tpu.memref_slice %arg11[%mul3A_4, %dma_wait3A] : memref<10240x128xf32, #tpu.memory_space<vmem_shared>> -> memref<640x128xf32, #tpu.memory_space<vmem_shared>>
      %dma_wait3A_55 = arith.constant 0 : i32
      %dma_wait3A_56 = tpu.memref_slice %arg5[%mul3A_2, %dma_wait3A_55] : memref<10240x128xf32, #tpu.memory_space<hbm>> -> memref<640x128xf32, #tpu.memory_space<hbm>>
      tpu.wait_dma2 semaphore(%run_scoped3A : memref<!tpu.dma_semaphore, #tpu.memory_space<semaphore_mem>>) src(%dma_wait3A_56 : memref<640x128xf32, #tpu.memory_space<hbm>>) dst(%dma_wait3A_54 : memref<640x128xf32, #tpu.memory_space<vmem_shared>>)
      tpu.yield
    }) : () -> ()
    %barrier3A = arith.constant 0 : index
    tpu.barrier barrier_id(%barrier3A)
    %mul3A_5 = arith.constant 80 : i32
    %mul3A_6 = arith.muli %add3A, %mul3A_5 : i32
    %add3A_7 = arith.constant 0 : i32
    %add3A_8 = arith.addi %mul3A_6, %add3A_7 : i32
    "tpu.region"() ({
      %run_scoped3A = tpu.sem_alloc : memref<!tpu.dma_semaphore, #tpu.memory_space<semaphore_mem>>
      %dma_start3A_50 = arith.constant 0 : i32
      %dma_start3A_51 = tpu.memref_slice %arg3[%add3A_8, %dma_start3A_50] : memref<2560x128xi32, #tpu.memory_space<hbm>> -> memref<40x128xi32, #tpu.memory_space<hbm>>
      %dma_start3A_52 = arith.constant 0 : i32
      %dma_start3A_53 = tpu.memref_slice %arg3[%add3A_8, %dma_start3A_52] : memref<2560x128xi32, #tpu.memory_space<hbm>> -> memref<40x128xi32, #tpu.memory_space<hbm>>
      tpu.enqueue_dma source(%dma_start3A_53 : memref<40x128xi32, #tpu.memory_space<hbm>>) target(%arg7 : memref<40x128xi32, #tpu.memory_space<vmem>>) target_semaphore(%run_scoped3A : memref<!tpu.dma_semaphore, #tpu.memory_space<semaphore_mem>>)
      %dma_wait3A = arith.constant 0 : i32
      %dma_wait3A_54 = tpu.memref_slice %arg3[%add3A_8, %dma_wait3A] : memref<2560x128xi32, #tpu.memory_space<hbm>> -> memref<40x128xi32, #tpu.memory_space<hbm>>
      %dma_wait3A_55 = arith.constant 0 : i32
      %dma_wait3A_56 = tpu.memref_slice %arg3[%add3A_8, %dma_wait3A_55] : memref<2560x128xi32, #tpu.memory_space<hbm>> -> memref<40x128xi32, #tpu.memory_space<hbm>>
      tpu.wait_dma2 semaphore(%run_scoped3A : memref<!tpu.dma_semaphore, #tpu.memory_space<semaphore_mem>>) src(%dma_wait3A_56 : memref<40x128xi32, #tpu.memory_space<hbm>>) dst(%arg7 : memref<40x128xi32, #tpu.memory_space<vmem>>)
      tpu.yield
    }) : () -> ()
    %mul3A_9 = arith.constant 80 : i32
    %mul3A_10 = arith.muli %add3A, %mul3A_9 : i32
    %add3A_11 = arith.constant 0 : i32
    %add3A_12 = arith.addi %mul3A_10, %add3A_11 : i32
    "tpu.region"() ({
      %run_scoped3A = tpu.sem_alloc : memref<!tpu.dma_semaphore, #tpu.memory_space<semaphore_mem>>
      %dma_start3A_50 = arith.constant 0 : i32
      %dma_start3A_51 = tpu.memref_slice %arg4[%add3A_12, %dma_start3A_50] : memref<2560x128xi32, #tpu.memory_space<hbm>> -> memref<40x128xi32, #tpu.memory_space<hbm>>
      %dma_start3A_52 = arith.constant 0 : i32
      %dma_start3A_53 = tpu.memref_slice %arg4[%add3A_12, %dma_start3A_52] : memref<2560x128xi32, #tpu.memory_space<hbm>> -> memref<40x128xi32, #tpu.memory_space<hbm>>
      tpu.enqueue_dma source(%dma_start3A_53 : memref<40x128xi32, #tpu.memory_space<hbm>>) target(%arg8 : memref<40x128xi32, #tpu.memory_space<vmem>>) target_semaphore(%run_scoped3A : memref<!tpu.dma_semaphore, #tpu.memory_space<semaphore_mem>>)
      %dma_wait3A = arith.constant 0 : i32
      %dma_wait3A_54 = tpu.memref_slice %arg4[%add3A_12, %dma_wait3A] : memref<2560x128xi32, #tpu.memory_space<hbm>> -> memref<40x128xi32, #tpu.memory_space<hbm>>
      %dma_wait3A_55 = arith.constant 0 : i32
      %dma_wait3A_56 = tpu.memref_slice %arg4[%add3A_12, %dma_wait3A_55] : memref<2560x128xi32, #tpu.memory_space<hbm>> -> memref<40x128xi32, #tpu.memory_space<hbm>>
      tpu.wait_dma2 semaphore(%run_scoped3A : memref<!tpu.dma_semaphore, #tpu.memory_space<semaphore_mem>>) src(%dma_wait3A_56 : memref<40x128xi32, #tpu.memory_space<hbm>>) dst(%arg8 : memref<40x128xi32, #tpu.memory_space<vmem>>)
      tpu.yield
    }) : () -> ()
    %dma_start3A = arith.constant 0 : i32
    %dma_start3A_13 = arith.constant 0 : i32
    %dma_start3A_14 = tpu.memref_slice %arg7[%dma_start3A, %dma_start3A_13] : memref<40x128xi32, #tpu.memory_space<vmem>> -> memref<1x128xi32, #tpu.memory_space<vmem>>
    %dma_start3A_15 = tpu.memref_squeeze %dma_start3A_14 : memref<1x128xi32, #tpu.memory_space<vmem>> -> memref<128xi32, #tpu.memory_space<vmem>>
    %dma_start3A_16 = arith.constant 0 : i32
    %dma_start3A_17 = arith.constant 0 : i32
    %dma_start3A_18 = tpu.memref_slice %arg2[%dma_start3A_16, %dma_start3A_17] : memref<10240x128xf32, #tpu.memory_space<hbm>> -> memref<10240x128xf32, #tpu.memory_space<hbm>>
    tpu.enqueue_indirect_dma source(%dma_start3A_18 : memref<10240x128xf32, #tpu.memory_space<hbm>>) target(%arg9 : memref<128x128xf32, #tpu.memory_space<vmem>>) offsets(%dma_start3A_15 : memref<128xi32, #tpu.memory_space<vmem>>) semaphore(%arg12 : memref<!tpu.dma_semaphore, #tpu.memory_space<semaphore_mem>>)
    %scan3A = arith.constant 0 : i32
    %scan3A_19 = arith.constant 0 : i32
    %scan3A_20 = arith.constant 20 : i32
    %scan3A_21 = arith.addi %scan3A_19, %scan3A_20 : i32
    %scan3A_22 = arith.constant 1 : i32
    scf.for %scan3A_50 = %scan3A_19 to %scan3A_21 step %scan3A_22  : i32 {
      %mul3A_51 = arith.constant 2 : i32
      %mul3A_52 = arith.muli %mul3A_51, %scan3A_50 : i32
      %add3A_53 = arith.constant 1 : i32
      %add3A_54 = arith.addi %mul3A_52, %add3A_53 : i32
      %dma_start3A_55 = arith.constant 0 : i32
      %dma_start3A_56 = tpu.memref_slice %arg7[%add3A_54, %dma_start3A_55] : memref<40x128xi32, #tpu.memory_space<vmem>> -> memref<1x128xi32, #tpu.memory_space<vmem>>
      %dma_start3A_57 = tpu.memref_squeeze %dma_start3A_56 : memref<1x128xi32, #tpu.memory_space<vmem>> -> memref<128xi32, #tpu.memory_space<vmem>>
      %dma_start3A_58 = arith.constant 0 : i32
      %dma_start3A_59 = arith.constant 0 : i32
      %dma_start3A_60 = tpu.memref_slice %arg2[%dma_start3A_58, %dma_start3A_59] : memref<10240x128xf32, #tpu.memory_space<hbm>> -> memref<10240x128xf32, #tpu.memory_space<hbm>>
      tpu.enqueue_indirect_dma source(%dma_start3A_60 : memref<10240x128xf32, #tpu.memory_space<hbm>>) target(%arg10 : memref<128x128xf32, #tpu.memory_space<vmem>>) offsets(%dma_start3A_57 : memref<128xi32, #tpu.memory_space<vmem>>) semaphore(%arg13 : memref<!tpu.dma_semaphore, #tpu.memory_space<semaphore_mem>>)
      %dma_wait3A = arith.constant 0 : i32
      %dma_wait3A_61 = tpu.memref_slice %arg7[%mul3A_52, %dma_wait3A] : memref<40x128xi32, #tpu.memory_space<vmem>> -> memref<1x128xi32, #tpu.memory_space<vmem>>
      %dma_wait3A_62 = tpu.memref_squeeze %dma_wait3A_61 : memref<1x128xi32, #tpu.memory_space<vmem>> -> memref<128xi32, #tpu.memory_space<vmem>>
      %dma_wait3A_63 = arith.constant 0 : i32
      %dma_wait3A_64 = arith.constant 0 : i32
      %dma_wait3A_65 = tpu.memref_slice %arg2[%dma_wait3A_63, %dma_wait3A_64] : memref<10240x128xf32, #tpu.memory_space<hbm>> -> memref<10240x128xf32, #tpu.memory_space<hbm>>
      tpu.wait_indirect_dma semaphore(%arg12 : memref<!tpu.dma_semaphore, #tpu.memory_space<semaphore_mem>>) src(%dma_wait3A_65 : memref<10240x128xf32, #tpu.memory_space<hbm>>) dst(%arg9 : memref<128x128xf32, #tpu.memory_space<vmem>>)
      "tpu.region"() ({
        %run_scoped3A = tpu.sem_alloc : memref<!tpu.dma_semaphore, #tpu.memory_space<semaphore_mem>>
        %dma_start3A_80 = arith.constant 0 : i32
        %dma_start3A_81 = tpu.memref_slice %arg8[%mul3A_52, %dma_start3A_80] : memref<40x128xi32, #tpu.memory_space<vmem>> -> memref<1x128xi32, #tpu.memory_space<vmem>>
        %dma_start3A_82 = tpu.memref_squeeze %dma_start3A_81 : memref<1x128xi32, #tpu.memory_space<vmem>> -> memref<128xi32, #tpu.memory_space<vmem>>
        %dma_start3A_83 = arith.constant 0 : i32
        %dma_start3A_84 = arith.constant 0 : i32
        %dma_start3A_85 = tpu.memref_slice %arg11[%dma_start3A_83, %dma_start3A_84] : memref<10240x128xf32, #tpu.memory_space<vmem_shared>> -> memref<10240x128xf32, #tpu.memory_space<vmem_shared>>
        tpu.enqueue_indirect_dma source(%arg9 : memref<128x128xf32, #tpu.memory_space<vmem>>) target(%dma_start3A_85 : memref<10240x128xf32, #tpu.memory_space<vmem_shared>>) offsets(%dma_start3A_82 : memref<128xi32, #tpu.memory_space<vmem>>) semaphore(%run_scoped3A : memref<!tpu.dma_semaphore, #tpu.memory_space<semaphore_mem>>) {add = true}
        %dma_wait3A_86 = arith.constant 0 : i32
        %dma_wait3A_87 = tpu.memref_slice %arg8[%mul3A_52, %dma_wait3A_86] : memref<40x128xi32, #tpu.memory_space<vmem>> -> memref<1x128xi32, #tpu.memory_space<vmem>>
        %dma_wait3A_88 = tpu.memref_squeeze %dma_wait3A_87 : memref<1x128xi32, #tpu.memory_space<vmem>> -> memref<128xi32, #tpu.memory_space<vmem>>
        %dma_wait3A_89 = arith.constant 0 : i32
        %dma_wait3A_90 = arith.constant 0 : i32
        %dma_wait3A_91 = tpu.memref_slice %arg11[%dma_wait3A_89, %dma_wait3A_90] : memref<10240x128xf32, #tpu.memory_space<vmem_shared>> -> memref<10240x128xf32, #tpu.memory_space<vmem_shared>>
        tpu.wait_indirect_dma semaphore(%run_scoped3A : memref<!tpu.dma_semaphore, #tpu.memory_space<semaphore_mem>>) src(%arg9 : memref<128x128xf32, #tpu.memory_space<vmem>>) dst(%dma_wait3A_91 : memref<10240x128xf32, #tpu.memory_space<vmem_shared>>)
        tpu.yield
      }) : () -> ()
      %add3A_66 = arith.constant 2 : i32
      %add3A_67 = arith.addi %mul3A_52, %add3A_66 : i32
      %lt3A = arith.constant 40 : i32
      %lt3A_68 = arith.cmpi slt, %add3A_67, %lt3A : i32
      %convert_element_type3A = arith.extui %lt3A_68 : i1 to i32
      %cond3A = arith.constant 0 : i32
      %cond3A_69 = arith.cmpi ne, %convert_element_type3A, %cond3A : i32
      scf.if %cond3A_69 {
        %add3A_80 = arith.constant 2 : i32
        %add3A_81 = arith.addi %mul3A_52, %add3A_80 : i32
        %dma_start3A_82 = arith.constant 0 : i32
        %dma_start3A_83 = tpu.memref_slice %arg7[%add3A_81, %dma_start3A_82] : memref<40x128xi32, #tpu.memory_space<vmem>> -> memref<1x128xi32, #tpu.memory_space<vmem>>
        %dma_start3A_84 = tpu.memref_squeeze %dma_start3A_83 : memref<1x128xi32, #tpu.memory_space<vmem>> -> memref<128xi32, #tpu.memory_space<vmem>>
        %dma_start3A_85 = arith.constant 0 : i32
        %dma_start3A_86 = arith.constant 0 : i32
        %dma_start3A_87 = tpu.memref_slice %arg2[%dma_start3A_85, %dma_start3A_86] : memref<10240x128xf32, #tpu.memory_space<hbm>> -> memref<10240x128xf32, #tpu.memory_space<hbm>>
        tpu.enqueue_indirect_dma source(%dma_start3A_87 : memref<10240x128xf32, #tpu.memory_space<hbm>>) target(%arg9 : memref<128x128xf32, #tpu.memory_space<vmem>>) offsets(%dma_start3A_84 : memref<128xi32, #tpu.memory_space<vmem>>) semaphore(%arg12 : memref<!tpu.dma_semaphore, #tpu.memory_space<semaphore_mem>>)
      } else {
      }
      %add3A_70 = arith.constant 1 : i32
      %add3A_71 = arith.addi %mul3A_52, %add3A_70 : i32
      %dma_wait3A_72 = arith.constant 0 : i32
      %dma_wait3A_73 = tpu.memref_slice %arg7[%add3A_71, %dma_wait3A_72] : memref<40x128xi32, #tpu.memory_space<vmem>> -> memref<1x128xi32, #tpu.memory_space<vmem>>
      %dma_wait3A_74 = tpu.memref_squeeze %dma_wait3A_73 : memref<1x128xi32, #tpu.memory_space<vmem>> -> memref<128xi32, #tpu.memory_space<vmem>>
      %dma_wait3A_75 = arith.constant 0 : i32
      %dma_wait3A_76 = arith.constant 0 : i32
      %dma_wait3A_77 = tpu.memref_slice %arg2[%dma_wait3A_75, %dma_wait3A_76] : memref<10240x128xf32, #tpu.memory_space<hbm>> -> memref<10240x128xf32, #tpu.memory_space<hbm>>
      tpu.wait_indirect_dma semaphore(%arg13 : memref<!tpu.dma_semaphore, #tpu.memory_space<semaphore_mem>>) src(%dma_wait3A_77 : memref<10240x128xf32, #tpu.memory_space<hbm>>) dst(%arg10 : memref<128x128xf32, #tpu.memory_space<vmem>>)
      %add3A_78 = arith.constant 1 : i32
      %add3A_79 = arith.addi %mul3A_52, %add3A_78 : i32
      "tpu.region"() ({
        %run_scoped3A = tpu.sem_alloc : memref<!tpu.dma_semaphore, #tpu.memory_space<semaphore_mem>>
        %dma_start3A_80 = arith.constant 0 : i32
        %dma_start3A_81 = tpu.memref_slice %arg8[%add3A_79, %dma_start3A_80] : memref<40x128xi32, #tpu.memory_space<vmem>> -> memref<1x128xi32, #tpu.memory_space<vmem>>
        %dma_start3A_82 = tpu.memref_squeeze %dma_start3A_81 : memref<1x128xi32, #tpu.memory_space<vmem>> -> memref<128xi32, #tpu.memory_space<vmem>>
        %dma_start3A_83 = arith.constant 0 : i32
        %dma_start3A_84 = arith.constant 0 : i32
        %dma_start3A_85 = tpu.memref_slice %arg11[%dma_start3A_83, %dma_start3A_84] : memref<10240x128xf32, #tpu.memory_space<vmem_shared>> -> memref<10240x128xf32, #tpu.memory_space<vmem_shared>>
        tpu.enqueue_indirect_dma source(%arg10 : memref<128x128xf32, #tpu.memory_space<vmem>>) target(%dma_start3A_85 : memref<10240x128xf32, #tpu.memory_space<vmem_shared>>) offsets(%dma_start3A_82 : memref<128xi32, #tpu.memory_space<vmem>>) semaphore(%run_scoped3A : memref<!tpu.dma_semaphore, #tpu.memory_space<semaphore_mem>>) {add = true}
        %dma_wait3A_86 = arith.constant 0 : i32
        %dma_wait3A_87 = tpu.memref_slice %arg8[%add3A_79, %dma_wait3A_86] : memref<40x128xi32, #tpu.memory_space<vmem>> -> memref<1x128xi32, #tpu.memory_space<vmem>>
        %dma_wait3A_88 = tpu.memref_squeeze %dma_wait3A_87 : memref<1x128xi32, #tpu.memory_space<vmem>> -> memref<128xi32, #tpu.memory_space<vmem>>
        %dma_wait3A_89 = arith.constant 0 : i32
        %dma_wait3A_90 = arith.constant 0 : i32
        %dma_wait3A_91 = tpu.memref_slice %arg11[%dma_wait3A_89, %dma_wait3A_90] : memref<10240x128xf32, #tpu.memory_space<vmem_shared>> -> memref<10240x128xf32, #tpu.memory_space<vmem_shared>>
        tpu.wait_indirect_dma semaphore(%run_scoped3A : memref<!tpu.dma_semaphore, #tpu.memory_space<semaphore_mem>>) src(%arg10 : memref<128x128xf32, #tpu.memory_space<vmem>>) dst(%dma_wait3A_91 : memref<10240x128xf32, #tpu.memory_space<vmem_shared>>)
        tpu.yield
      }) : () -> ()
    }
    %scan3A_23 = arith.constant 20 : i32
    %mul3A_24 = arith.constant 80 : i32
    %mul3A_25 = arith.muli %add3A, %mul3A_24 : i32
    %add3A_26 = arith.constant 40 : i32
    %add3A_27 = arith.addi %mul3A_25, %add3A_26 : i32
    "tpu.region"() ({
      %run_scoped3A = tpu.sem_alloc : memref<!tpu.dma_semaphore, #tpu.memory_space<semaphore_mem>>
      %dma_start3A_50 = arith.constant 0 : i32
      %dma_start3A_51 = tpu.memref_slice %arg3[%add3A_27, %dma_start3A_50] : memref<2560x128xi32, #tpu.memory_space<hbm>> -> memref<40x128xi32, #tpu.memory_space<hbm>>
      %dma_start3A_52 = arith.constant 0 : i32
      %dma_start3A_53 = tpu.memref_slice %arg3[%add3A_27, %dma_start3A_52] : memref<2560x128xi32, #tpu.memory_space<hbm>> -> memref<40x128xi32, #tpu.memory_space<hbm>>
      tpu.enqueue_dma source(%dma_start3A_53 : memref<40x128xi32, #tpu.memory_space<hbm>>) target(%arg7 : memref<40x128xi32, #tpu.memory_space<vmem>>) target_semaphore(%run_scoped3A : memref<!tpu.dma_semaphore, #tpu.memory_space<semaphore_mem>>)
      %dma_wait3A = arith.constant 0 : i32
      %dma_wait3A_54 = tpu.memref_slice %arg3[%add3A_27, %dma_wait3A] : memref<2560x128xi32, #tpu.memory_space<hbm>> -> memref<40x128xi32, #tpu.memory_space<hbm>>
      %dma_wait3A_55 = arith.constant 0 : i32
      %dma_wait3A_56 = tpu.memref_slice %arg3[%add3A_27, %dma_wait3A_55] : memref<2560x128xi32, #tpu.memory_space<hbm>> -> memref<40x128xi32, #tpu.memory_space<hbm>>
      tpu.wait_dma2 semaphore(%run_scoped3A : memref<!tpu.dma_semaphore, #tpu.memory_space<semaphore_mem>>) src(%dma_wait3A_56 : memref<40x128xi32, #tpu.memory_space<hbm>>) dst(%arg7 : memref<40x128xi32, #tpu.memory_space<vmem>>)
      tpu.yield
    }) : () -> ()
    %mul3A_28 = arith.constant 80 : i32
    %mul3A_29 = arith.muli %add3A, %mul3A_28 : i32
    %add3A_30 = arith.constant 40 : i32
    %add3A_31 = arith.addi %mul3A_29, %add3A_30 : i32
    "tpu.region"() ({
      %run_scoped3A = tpu.sem_alloc : memref<!tpu.dma_semaphore, #tpu.memory_space<semaphore_mem>>
      %dma_start3A_50 = arith.constant 0 : i32
      %dma_start3A_51 = tpu.memref_slice %arg4[%add3A_31, %dma_start3A_50] : memref<2560x128xi32, #tpu.memory_space<hbm>> -> memref<40x128xi32, #tpu.memory_space<hbm>>
      %dma_start3A_52 = arith.constant 0 : i32
      %dma_start3A_53 = tpu.memref_slice %arg4[%add3A_31, %dma_start3A_52] : memref<2560x128xi32, #tpu.memory_space<hbm>> -> memref<40x128xi32, #tpu.memory_space<hbm>>
      tpu.enqueue_dma source(%dma_start3A_53 : memref<40x128xi32, #tpu.memory_space<hbm>>) target(%arg8 : memref<40x128xi32, #tpu.memory_space<vmem>>) target_semaphore(%run_scoped3A : memref<!tpu.dma_semaphore, #tpu.memory_space<semaphore_mem>>)
      %dma_wait3A = arith.constant 0 : i32
      %dma_wait3A_54 = tpu.memref_slice %arg4[%add3A_31, %dma_wait3A] : memref<2560x128xi32, #tpu.memory_space<hbm>> -> memref<40x128xi32, #tpu.memory_space<hbm>>
      %dma_wait3A_55 = arith.constant 0 : i32
      %dma_wait3A_56 = tpu.memref_slice %arg4[%add3A_31, %dma_wait3A_55] : memref<2560x128xi32, #tpu.memory_space<hbm>> -> memref<40x128xi32, #tpu.memory_space<hbm>>
      tpu.wait_dma2 semaphore(%run_scoped3A : memref<!tpu.dma_semaphore, #tpu.memory_space<semaphore_mem>>) src(%dma_wait3A_56 : memref<40x128xi32, #tpu.memory_space<hbm>>) dst(%arg8 : memref<40x128xi32, #tpu.memory_space<vmem>>)
      tpu.yield
    }) : () -> ()
    %dma_start3A_32 = arith.constant 0 : i32
    %dma_start3A_33 = arith.constant 0 : i32
    %dma_start3A_34 = tpu.memref_slice %arg7[%dma_start3A_32, %dma_start3A_33] : memref<40x128xi32, #tpu.memory_space<vmem>> -> memref<1x128xi32, #tpu.memory_space<vmem>>
    %dma_start3A_35 = tpu.memref_squeeze %dma_start3A_34 : memref<1x128xi32, #tpu.memory_space<vmem>> -> memref<128xi32, #tpu.memory_space<vmem>>
    %dma_start3A_36 = arith.constant 0 : i32
    %dma_start3A_37 = arith.constant 0 : i32
    %dma_start3A_38 = tpu.memref_slice %arg2[%dma_start3A_36, %dma_start3A_37] : memref<10240x128xf32, #tpu.memory_space<hbm>> -> memref<10240x128xf32, #tpu.memory_space<hbm>>
    tpu.enqueue_indirect_dma source(%dma_start3A_38 : memref<10240x128xf32, #tpu.memory_space<hbm>>) target(%arg9 : memref<128x128xf32, #tpu.memory_space<vmem>>) offsets(%dma_start3A_35 : memref<128xi32, #tpu.memory_space<vmem>>) semaphore(%arg12 : memref<!tpu.dma_semaphore, #tpu.memory_space<semaphore_mem>>)
    %scan3A_39 = arith.constant 0 : i32
    %scan3A_40 = arith.constant 0 : i32
    %scan3A_41 = arith.constant 20 : i32
    %scan3A_42 = arith.addi %scan3A_40, %scan3A_41 : i32
    %scan3A_43 = arith.constant 1 : i32
    scf.for %scan3A_50 = %scan3A_40 to %scan3A_42 step %scan3A_43  : i32 {
      %mul3A_51 = arith.constant 2 : i32
      %mul3A_52 = arith.muli %mul3A_51, %scan3A_50 : i32
      %add3A_53 = arith.constant 1 : i32
      %add3A_54 = arith.addi %mul3A_52, %add3A_53 : i32
      %dma_start3A_55 = arith.constant 0 : i32
      %dma_start3A_56 = tpu.memref_slice %arg7[%add3A_54, %dma_start3A_55] : memref<40x128xi32, #tpu.memory_space<vmem>> -> memref<1x128xi32, #tpu.memory_space<vmem>>
      %dma_start3A_57 = tpu.memref_squeeze %dma_start3A_56 : memref<1x128xi32, #tpu.memory_space<vmem>> -> memref<128xi32, #tpu.memory_space<vmem>>
      %dma_start3A_58 = arith.constant 0 : i32
      %dma_start3A_59 = arith.constant 0 : i32
      %dma_start3A_60 = tpu.memref_slice %arg2[%dma_start3A_58, %dma_start3A_59] : memref<10240x128xf32, #tpu.memory_space<hbm>> -> memref<10240x128xf32, #tpu.memory_space<hbm>>
      tpu.enqueue_indirect_dma source(%dma_start3A_60 : memref<10240x128xf32, #tpu.memory_space<hbm>>) target(%arg10 : memref<128x128xf32, #tpu.memory_space<vmem>>) offsets(%dma_start3A_57 : memref<128xi32, #tpu.memory_space<vmem>>) semaphore(%arg13 : memref<!tpu.dma_semaphore, #tpu.memory_space<semaphore_mem>>)
      %dma_wait3A = arith.constant 0 : i32
      %dma_wait3A_61 = tpu.memref_slice %arg7[%mul3A_52, %dma_wait3A] : memref<40x128xi32, #tpu.memory_space<vmem>> -> memref<1x128xi32, #tpu.memory_space<vmem>>
      %dma_wait3A_62 = tpu.memref_squeeze %dma_wait3A_61 : memref<1x128xi32, #tpu.memory_space<vmem>> -> memref<128xi32, #tpu.memory_space<vmem>>
      %dma_wait3A_63 = arith.constant 0 : i32
      %dma_wait3A_64 = arith.constant 0 : i32
      %dma_wait3A_65 = tpu.memref_slice %arg2[%dma_wait3A_63, %dma_wait3A_64] : memref<10240x128xf32, #tpu.memory_space<hbm>> -> memref<10240x128xf32, #tpu.memory_space<hbm>>
      tpu.wait_indirect_dma semaphore(%arg12 : memref<!tpu.dma_semaphore, #tpu.memory_space<semaphore_mem>>) src(%dma_wait3A_65 : memref<10240x128xf32, #tpu.memory_space<hbm>>) dst(%arg9 : memref<128x128xf32, #tpu.memory_space<vmem>>)
      "tpu.region"() ({
        %run_scoped3A = tpu.sem_alloc : memref<!tpu.dma_semaphore, #tpu.memory_space<semaphore_mem>>
        %dma_start3A_80 = arith.constant 0 : i32
        %dma_start3A_81 = tpu.memref_slice %arg8[%mul3A_52, %dma_start3A_80] : memref<40x128xi32, #tpu.memory_space<vmem>> -> memref<1x128xi32, #tpu.memory_space<vmem>>
        %dma_start3A_82 = tpu.memref_squeeze %dma_start3A_81 : memref<1x128xi32, #tpu.memory_space<vmem>> -> memref<128xi32, #tpu.memory_space<vmem>>
        %dma_start3A_83 = arith.constant 0 : i32
        %dma_start3A_84 = arith.constant 0 : i32
        %dma_start3A_85 = tpu.memref_slice %arg11[%dma_start3A_83, %dma_start3A_84] : memref<10240x128xf32, #tpu.memory_space<vmem_shared>> -> memref<10240x128xf32, #tpu.memory_space<vmem_shared>>
        tpu.enqueue_indirect_dma source(%arg9 : memref<128x128xf32, #tpu.memory_space<vmem>>) target(%dma_start3A_85 : memref<10240x128xf32, #tpu.memory_space<vmem_shared>>) offsets(%dma_start3A_82 : memref<128xi32, #tpu.memory_space<vmem>>) semaphore(%run_scoped3A : memref<!tpu.dma_semaphore, #tpu.memory_space<semaphore_mem>>) {add = true}
        %dma_wait3A_86 = arith.constant 0 : i32
        %dma_wait3A_87 = tpu.memref_slice %arg8[%mul3A_52, %dma_wait3A_86] : memref<40x128xi32, #tpu.memory_space<vmem>> -> memref<1x128xi32, #tpu.memory_space<vmem>>
        %dma_wait3A_88 = tpu.memref_squeeze %dma_wait3A_87 : memref<1x128xi32, #tpu.memory_space<vmem>> -> memref<128xi32, #tpu.memory_space<vmem>>
        %dma_wait3A_89 = arith.constant 0 : i32
        %dma_wait3A_90 = arith.constant 0 : i32
        %dma_wait3A_91 = tpu.memref_slice %arg11[%dma_wait3A_89, %dma_wait3A_90] : memref<10240x128xf32, #tpu.memory_space<vmem_shared>> -> memref<10240x128xf32, #tpu.memory_space<vmem_shared>>
        tpu.wait_indirect_dma semaphore(%run_scoped3A : memref<!tpu.dma_semaphore, #tpu.memory_space<semaphore_mem>>) src(%arg9 : memref<128x128xf32, #tpu.memory_space<vmem>>) dst(%dma_wait3A_91 : memref<10240x128xf32, #tpu.memory_space<vmem_shared>>)
        tpu.yield
      }) : () -> ()
      %add3A_66 = arith.constant 2 : i32
      %add3A_67 = arith.addi %mul3A_52, %add3A_66 : i32
      %lt3A = arith.constant 40 : i32
      %lt3A_68 = arith.cmpi slt, %add3A_67, %lt3A : i32
      %convert_element_type3A = arith.extui %lt3A_68 : i1 to i32
      %cond3A = arith.constant 0 : i32
      %cond3A_69 = arith.cmpi ne, %convert_element_type3A, %cond3A : i32
      scf.if %cond3A_69 {
        %add3A_80 = arith.constant 2 : i32
        %add3A_81 = arith.addi %mul3A_52, %add3A_80 : i32
        %dma_start3A_82 = arith.constant 0 : i32
        %dma_start3A_83 = tpu.memref_slice %arg7[%add3A_81, %dma_start3A_82] : memref<40x128xi32, #tpu.memory_space<vmem>> -> memref<1x128xi32, #tpu.memory_space<vmem>>
        %dma_start3A_84 = tpu.memref_squeeze %dma_start3A_83 : memref<1x128xi32, #tpu.memory_space<vmem>> -> memref<128xi32, #tpu.memory_space<vmem>>
        %dma_start3A_85 = arith.constant 0 : i32
        %dma_start3A_86 = arith.constant 0 : i32
        %dma_start3A_87 = tpu.memref_slice %arg2[%dma_start3A_85, %dma_start3A_86] : memref<10240x128xf32, #tpu.memory_space<hbm>> -> memref<10240x128xf32, #tpu.memory_space<hbm>>
        tpu.enqueue_indirect_dma source(%dma_start3A_87 : memref<10240x128xf32, #tpu.memory_space<hbm>>) target(%arg9 : memref<128x128xf32, #tpu.memory_space<vmem>>) offsets(%dma_start3A_84 : memref<128xi32, #tpu.memory_space<vmem>>) semaphore(%arg12 : memref<!tpu.dma_semaphore, #tpu.memory_space<semaphore_mem>>)
      } else {
      }
      %add3A_70 = arith.constant 1 : i32
      %add3A_71 = arith.addi %mul3A_52, %add3A_70 : i32
      %dma_wait3A_72 = arith.constant 0 : i32
      %dma_wait3A_73 = tpu.memref_slice %arg7[%add3A_71, %dma_wait3A_72] : memref<40x128xi32, #tpu.memory_space<vmem>> -> memref<1x128xi32, #tpu.memory_space<vmem>>
      %dma_wait3A_74 = tpu.memref_squeeze %dma_wait3A_73 : memref<1x128xi32, #tpu.memory_space<vmem>> -> memref<128xi32, #tpu.memory_space<vmem>>
      %dma_wait3A_75 = arith.constant 0 : i32
      %dma_wait3A_76 = arith.constant 0 : i32
      %dma_wait3A_77 = tpu.memref_slice %arg2[%dma_wait3A_75, %dma_wait3A_76] : memref<10240x128xf32, #tpu.memory_space<hbm>> -> memref<10240x128xf32, #tpu.memory_space<hbm>>
      tpu.wait_indirect_dma semaphore(%arg13 : memref<!tpu.dma_semaphore, #tpu.memory_space<semaphore_mem>>) src(%dma_wait3A_77 : memref<10240x128xf32, #tpu.memory_space<hbm>>) dst(%arg10 : memref<128x128xf32, #tpu.memory_space<vmem>>)
      %add3A_78 = arith.constant 1 : i32
      %add3A_79 = arith.addi %mul3A_52, %add3A_78 : i32
      "tpu.region"() ({
        %run_scoped3A = tpu.sem_alloc : memref<!tpu.dma_semaphore, #tpu.memory_space<semaphore_mem>>
        %dma_start3A_80 = arith.constant 0 : i32
        %dma_start3A_81 = tpu.memref_slice %arg8[%add3A_79, %dma_start3A_80] : memref<40x128xi32, #tpu.memory_space<vmem>> -> memref<1x128xi32, #tpu.memory_space<vmem>>
        %dma_start3A_82 = tpu.memref_squeeze %dma_start3A_81 : memref<1x128xi32, #tpu.memory_space<vmem>> -> memref<128xi32, #tpu.memory_space<vmem>>
        %dma_start3A_83 = arith.constant 0 : i32
        %dma_start3A_84 = arith.constant 0 : i32
        %dma_start3A_85 = tpu.memref_slice %arg11[%dma_start3A_83, %dma_start3A_84] : memref<10240x128xf32, #tpu.memory_space<vmem_shared>> -> memref<10240x128xf32, #tpu.memory_space<vmem_shared>>
        tpu.enqueue_indirect_dma source(%arg10 : memref<128x128xf32, #tpu.memory_space<vmem>>) target(%dma_start3A_85 : memref<10240x128xf32, #tpu.memory_space<vmem_shared>>) offsets(%dma_start3A_82 : memref<128xi32, #tpu.memory_space<vmem>>) semaphore(%run_scoped3A : memref<!tpu.dma_semaphore, #tpu.memory_space<semaphore_mem>>) {add = true}
        %dma_wait3A_86 = arith.constant 0 : i32
        %dma_wait3A_87 = tpu.memref_slice %arg8[%add3A_79, %dma_wait3A_86] : memref<40x128xi32, #tpu.memory_space<vmem>> -> memref<1x128xi32, #tpu.memory_space<vmem>>
        %dma_wait3A_88 = tpu.memref_squeeze %dma_wait3A_87 : memref<1x128xi32, #tpu.memory_space<vmem>> -> memref<128xi32, #tpu.memory_space<vmem>>
        %dma_wait3A_89 = arith.constant 0 : i32
        %dma_wait3A_90 = arith.constant 0 : i32
        %dma_wait3A_91 = tpu.memref_slice %arg11[%dma_wait3A_89, %dma_wait3A_90] : memref<10240x128xf32, #tpu.memory_space<vmem_shared>> -> memref<10240x128xf32, #tpu.memory_space<vmem_shared>>
        tpu.wait_indirect_dma semaphore(%run_scoped3A : memref<!tpu.dma_semaphore, #tpu.memory_space<semaphore_mem>>) src(%arg10 : memref<128x128xf32, #tpu.memory_space<vmem>>) dst(%dma_wait3A_91 : memref<10240x128xf32, #tpu.memory_space<vmem_shared>>)
        tpu.yield
      }) : () -> ()
    }
    %scan3A_44 = arith.constant 20 : i32
    %barrier3A_45 = arith.constant 0 : index
    tpu.barrier barrier_id(%barrier3A_45)
    %mul3A_46 = arith.constant 640 : i32
    %mul3A_47 = arith.muli %arg1, %mul3A_46 : i32
    %mul3A_48 = arith.constant 640 : i32
    %mul3A_49 = arith.muli %arg1, %mul3A_48 : i32
    "tpu.region"() ({
      %run_scoped3A = tpu.sem_alloc : memref<!tpu.dma_semaphore, #tpu.memory_space<semaphore_mem>>
      %dma_start3A_50 = arith.constant 0 : i32
      %dma_start3A_51 = tpu.memref_slice %arg6[%arg0, %mul3A_49, %dma_start3A_50] : memref<2x10240x128xf32, #tpu.memory_space<hbm>> -> memref<1x640x128xf32, #tpu.memory_space<hbm>>
      %dma_start3A_52 = tpu.memref_squeeze %dma_start3A_51 : memref<1x640x128xf32, #tpu.memory_space<hbm>> -> memref<640x128xf32, #tpu.memory_space<hbm>>
      %dma_start3A_53 = arith.constant 0 : i32
      %dma_start3A_54 = tpu.memref_slice %arg11[%mul3A_47, %dma_start3A_53] : memref<10240x128xf32, #tpu.memory_space<vmem_shared>> -> memref<640x128xf32, #tpu.memory_space<vmem_shared>>
      tpu.enqueue_dma source(%dma_start3A_54 : memref<640x128xf32, #tpu.memory_space<vmem_shared>>) target(%dma_start3A_52 : memref<640x128xf32, #tpu.memory_space<hbm>>) target_semaphore(%run_scoped3A : memref<!tpu.dma_semaphore, #tpu.memory_space<semaphore_mem>>)
      %dma_wait3A = arith.constant 0 : i32
      %dma_wait3A_55 = tpu.memref_slice %arg6[%arg0, %mul3A_49, %dma_wait3A] : memref<2x10240x128xf32, #tpu.memory_space<hbm>> -> memref<1x640x128xf32, #tpu.memory_space<hbm>>
      %dma_wait3A_56 = tpu.memref_squeeze %dma_wait3A_55 : memref<1x640x128xf32, #tpu.memory_space<hbm>> -> memref<640x128xf32, #tpu.memory_space<hbm>>
      %dma_wait3A_57 = arith.constant 0 : i32
      %dma_wait3A_58 = tpu.memref_slice %arg11[%mul3A_47, %dma_wait3A_57] : memref<10240x128xf32, #tpu.memory_space<vmem_shared>> -> memref<640x128xf32, #tpu.memory_space<vmem_shared>>
      tpu.wait_dma2 semaphore(%run_scoped3A : memref<!tpu.dma_semaphore, #tpu.memory_space<semaphore_mem>>) src(%dma_wait3A_58 : memref<640x128xf32, #tpu.memory_space<vmem_shared>>) dst(%dma_wait3A_56 : memref<640x128xf32, #tpu.memory_space<hbm>>)
      tpu.yield
    }) : () -> ()
    return
  }
}

#map = affine_map<(d0, d1) -> (0, 0)>
#map1 = affine_map<(d0, d1) -> (0, 0, 0)>
module attributes {stable_mosaic.version = 14 : i64} {
  func.func @k(%arg0: i32, %arg1: i32, %arg2: memref<10240x128xf32, #tpu.memory_space<hbm>>, %arg3: memref<2560x128xi32, #tpu.memory_space<hbm>>, %arg4: memref<2560x128xi32, #tpu.memory_space<hbm>>, %arg5: memref<10240x128xf32, #tpu.memory_space<hbm>>, %arg6: memref<2x10240x128xf32, #tpu.memory_space<hbm>>, %arg7: memref<40x128xi32, #tpu.memory_space<vmem>>, %arg8: memref<40x128xi32, #tpu.memory_space<vmem>>, %arg9: memref<128x128xf32, #tpu.memory_space<vmem>>, %arg10: memref<128x128xf32, #tpu.memory_space<vmem>>, %arg11: memref<10240x128xf32, #tpu.memory_space<vmem_shared>>, %arg12: memref<!tpu.dma_semaphore, #tpu.memory_space<semaphore_mem>>, %arg13: memref<!tpu.dma_semaphore, #tpu.memory_space<semaphore_mem>>) attributes {dimension_semantics = [#tpu.dimension_semantics<core_parallel>, #tpu.dimension_semantics<subcore_parallel>], iteration_bounds = array<i64: 2, 16>, scalar_prefetch = 0 : i64, scratch_operands = 7 : i64, tpu.core_type = #tpu.core_type<sc_vector_subcore>, window_params = [{transform_indices = #map}, {transform_indices = #map}, {transform_indices = #map}, {transform_indices = #map}, {transform_indices = #map1}]} {
    %mul3A = arith.constant 2 : i32
    %mul3A_0 = arith.muli %arg1, %mul3A : i32
    %add3A = arith.addi %mul3A_0, %arg0 : i32
    %mul3A_1 = arith.constant 640 : i32
    %mul3A_2 = arith.muli %arg1, %mul3A_1 : i32
    %mul3A_3 = arith.constant 640 : i32
    %mul3A_4 = arith.muli %arg1, %mul3A_3 : i32
    "tpu.region"() ({
      %run_scoped3A = tpu.sem_alloc : memref<!tpu.dma_semaphore, #tpu.memory_space<semaphore_mem>>
      %dma_start3A_50 = arith.constant 0 : i32
      %dma_start3A_51 = tpu.memref_slice %arg11[%mul3A_4, %dma_start3A_50] : memref<10240x128xf32, #tpu.memory_space<vmem_shared>> -> memref<640x128xf32, #tpu.memory_space<vmem_shared>>
      %dma_start3A_52 = arith.constant 0 : i32
      %dma_start3A_53 = tpu.memref_slice %arg5[%mul3A_2, %dma_start3A_52] : memref<10240x128xf32, #tpu.memory_space<hbm>> -> memref<640x128xf32, #tpu.memory_space<hbm>>
      tpu.enqueue_dma source(%dma_start3A_53 : memref<640x128xf32, #tpu.memory_space<hbm>>) target(%dma_start3A_51 : memref<640x128xf32, #tpu.memory_space<vmem_shared>>) target_semaphore(%run_scoped3A : memref<!tpu.dma_semaphore, #tpu.memory_space<semaphore_mem>>)
      %dma_wait3A = arith.constant 0 : i32
      %dma_wait3A_54 = tpu.memref_slice %arg11[%mul3A_4, %dma_wait3A] : memref<10240x128xf32, #tpu.memory_space<vmem_shared>> -> memref<640x128xf32, #tpu.memory_space<vmem_shared>>
      %dma_wait3A_55 = arith.constant 0 : i32
      %dma_wait3A_56 = tpu.memref_slice %arg5[%mul3A_2, %dma_wait3A_55] : memref<10240x128xf32, #tpu.memory_space<hbm>> -> memref<640x128xf32, #tpu.memory_space<hbm>>
      tpu.wait_dma2 semaphore(%run_scoped3A : memref<!tpu.dma_semaphore, #tpu.memory_space<semaphore_mem>>) src(%dma_wait3A_56 : memref<640x128xf32, #tpu.memory_space<hbm>>) dst(%dma_wait3A_54 : memref<640x128xf32, #tpu.memory_space<vmem_shared>>)
      tpu.yield
    }) : () -> ()
    %barrier3A = arith.constant 0 : index
    tpu.barrier barrier_id(%barrier3A)
    %mul3A_5 = arith.constant 80 : i32
    %mul3A_6 = arith.muli %add3A, %mul3A_5 : i32
    %add3A_7 = arith.constant 0 : i32
    %add3A_8 = arith.addi %mul3A_6, %add3A_7 : i32
    "tpu.region"() ({
      %run_scoped3A = tpu.sem_alloc : memref<!tpu.dma_semaphore, #tpu.memory_space<semaphore_mem>>
      %dma_start3A_50 = arith.constant 0 : i32
      %dma_start3A_51 = tpu.memref_slice %arg3[%add3A_8, %dma_start3A_50] : memref<2560x128xi32, #tpu.memory_space<hbm>> -> memref<40x128xi32, #tpu.memory_space<hbm>>
      %dma_start3A_52 = arith.constant 0 : i32
      %dma_start3A_53 = tpu.memref_slice %arg3[%add3A_8, %dma_start3A_52] : memref<2560x128xi32, #tpu.memory_space<hbm>> -> memref<40x128xi32, #tpu.memory_space<hbm>>
      tpu.enqueue_dma source(%dma_start3A_53 : memref<40x128xi32, #tpu.memory_space<hbm>>) target(%arg7 : memref<40x128xi32, #tpu.memory_space<vmem>>) target_semaphore(%run_scoped3A : memref<!tpu.dma_semaphore, #tpu.memory_space<semaphore_mem>>)
      %dma_wait3A = arith.constant 0 : i32
      %dma_wait3A_54 = tpu.memref_slice %arg3[%add3A_8, %dma_wait3A] : memref<2560x128xi32, #tpu.memory_space<hbm>> -> memref<40x128xi32, #tpu.memory_space<hbm>>
      %dma_wait3A_55 = arith.constant 0 : i32
      %dma_wait3A_56 = tpu.memref_slice %arg3[%add3A_8, %dma_wait3A_55] : memref<2560x128xi32, #tpu.memory_space<hbm>> -> memref<40x128xi32, #tpu.memory_space<hbm>>
      tpu.wait_dma2 semaphore(%run_scoped3A : memref<!tpu.dma_semaphore, #tpu.memory_space<semaphore_mem>>) src(%dma_wait3A_56 : memref<40x128xi32, #tpu.memory_space<hbm>>) dst(%arg7 : memref<40x128xi32, #tpu.memory_space<vmem>>)
      tpu.yield
    }) : () -> ()
    %mul3A_9 = arith.constant 80 : i32
    %mul3A_10 = arith.muli %add3A, %mul3A_9 : i32
    %add3A_11 = arith.constant 0 : i32
    %add3A_12 = arith.addi %mul3A_10, %add3A_11 : i32
    "tpu.region"() ({
      %run_scoped3A = tpu.sem_alloc : memref<!tpu.dma_semaphore, #tpu.memory_space<semaphore_mem>>
      %dma_start3A_50 = arith.constant 0 : i32
      %dma_start3A_51 = tpu.memref_slice %arg4[%add3A_12, %dma_start3A_50] : memref<2560x128xi32, #tpu.memory_space<hbm>> -> memref<40x128xi32, #tpu.memory_space<hbm>>
      %dma_start3A_52 = arith.constant 0 : i32
      %dma_start3A_53 = tpu.memref_slice %arg4[%add3A_12, %dma_start3A_52] : memref<2560x128xi32, #tpu.memory_space<hbm>> -> memref<40x128xi32, #tpu.memory_space<hbm>>
      tpu.enqueue_dma source(%dma_start3A_53 : memref<40x128xi32, #tpu.memory_space<hbm>>) target(%arg8 : memref<40x128xi32, #tpu.memory_space<vmem>>) target_semaphore(%run_scoped3A : memref<!tpu.dma_semaphore, #tpu.memory_space<semaphore_mem>>)
      %dma_wait3A = arith.constant 0 : i32
      %dma_wait3A_54 = tpu.memref_slice %arg4[%add3A_12, %dma_wait3A] : memref<2560x128xi32, #tpu.memory_space<hbm>> -> memref<40x128xi32, #tpu.memory_space<hbm>>
      %dma_wait3A_55 = arith.constant 0 : i32
      %dma_wait3A_56 = tpu.memref_slice %arg4[%add3A_12, %dma_wait3A_55] : memref<2560x128xi32, #tpu.memory_space<hbm>> -> memref<40x128xi32, #tpu.memory_space<hbm>>
      tpu.wait_dma2 semaphore(%run_scoped3A : memref<!tpu.dma_semaphore, #tpu.memory_space<semaphore_mem>>) src(%dma_wait3A_56 : memref<40x128xi32, #tpu.memory_space<hbm>>) dst(%arg8 : memref<40x128xi32, #tpu.memory_space<vmem>>)
      tpu.yield
    }) : () -> ()
    %dma_start3A = arith.constant 0 : i32
    %dma_start3A_13 = arith.constant 0 : i32
    %dma_start3A_14 = tpu.memref_slice %arg7[%dma_start3A, %dma_start3A_13] : memref<40x128xi32, #tpu.memory_space<vmem>> -> memref<1x128xi32, #tpu.memory_space<vmem>>
    %dma_start3A_15 = tpu.memref_squeeze %dma_start3A_14 : memref<1x128xi32, #tpu.memory_space<vmem>> -> memref<128xi32, #tpu.memory_space<vmem>>
    %dma_start3A_16 = arith.constant 0 : i32
    %dma_start3A_17 = arith.constant 0 : i32
    %dma_start3A_18 = tpu.memref_slice %arg2[%dma_start3A_16, %dma_start3A_17] : memref<10240x128xf32, #tpu.memory_space<hbm>> -> memref<10240x128xf32, #tpu.memory_space<hbm>>
    tpu.enqueue_indirect_dma source(%dma_start3A_18 : memref<10240x128xf32, #tpu.memory_space<hbm>>) target(%arg9 : memref<128x128xf32, #tpu.memory_space<vmem>>) offsets(%dma_start3A_15 : memref<128xi32, #tpu.memory_space<vmem>>) semaphore(%arg12 : memref<!tpu.dma_semaphore, #tpu.memory_space<semaphore_mem>>)
    %scan3A = arith.constant 0 : i32
    %scan3A_19 = arith.constant 0 : i32
    %scan3A_20 = arith.constant 20 : i32
    %scan3A_21 = arith.addi %scan3A_19, %scan3A_20 : i32
    %scan3A_22 = arith.constant 1 : i32
    scf.for %scan3A_50 = %scan3A_19 to %scan3A_21 step %scan3A_22  : i32 {
      %mul3A_51 = arith.constant 2 : i32
      %mul3A_52 = arith.muli %mul3A_51, %scan3A_50 : i32
      %add3A_53 = arith.constant 1 : i32
      %add3A_54 = arith.addi %mul3A_52, %add3A_53 : i32
      %dma_start3A_55 = arith.constant 0 : i32
      %dma_start3A_56 = tpu.memref_slice %arg7[%add3A_54, %dma_start3A_55] : memref<40x128xi32, #tpu.memory_space<vmem>> -> memref<1x128xi32, #tpu.memory_space<vmem>>
      %dma_start3A_57 = tpu.memref_squeeze %dma_start3A_56 : memref<1x128xi32, #tpu.memory_space<vmem>> -> memref<128xi32, #tpu.memory_space<vmem>>
      %dma_start3A_58 = arith.constant 0 : i32
      %dma_start3A_59 = arith.constant 0 : i32
      %dma_start3A_60 = tpu.memref_slice %arg2[%dma_start3A_58, %dma_start3A_59] : memref<10240x128xf32, #tpu.memory_space<hbm>> -> memref<10240x128xf32, #tpu.memory_space<hbm>>
      tpu.enqueue_indirect_dma source(%dma_start3A_60 : memref<10240x128xf32, #tpu.memory_space<hbm>>) target(%arg10 : memref<128x128xf32, #tpu.memory_space<vmem>>) offsets(%dma_start3A_57 : memref<128xi32, #tpu.memory_space<vmem>>) semaphore(%arg13 : memref<!tpu.dma_semaphore, #tpu.memory_space<semaphore_mem>>)
      %dma_wait3A = arith.constant 0 : i32
      %dma_wait3A_61 = tpu.memref_slice %arg7[%mul3A_52, %dma_wait3A] : memref<40x128xi32, #tpu.memory_space<vmem>> -> memref<1x128xi32, #tpu.memory_space<vmem>>
      %dma_wait3A_62 = tpu.memref_squeeze %dma_wait3A_61 : memref<1x128xi32, #tpu.memory_space<vmem>> -> memref<128xi32, #tpu.memory_space<vmem>>
      %dma_wait3A_63 = arith.constant 0 : i32
      %dma_wait3A_64 = arith.constant 0 : i32
      %dma_wait3A_65 = tpu.memref_slice %arg2[%dma_wait3A_63, %dma_wait3A_64] : memref<10240x128xf32, #tpu.memory_space<hbm>> -> memref<10240x128xf32, #tpu.memory_space<hbm>>
      tpu.wait_indirect_dma semaphore(%arg12 : memref<!tpu.dma_semaphore, #tpu.memory_space<semaphore_mem>>) src(%dma_wait3A_65 : memref<10240x128xf32, #tpu.memory_space<hbm>>) dst(%arg9 : memref<128x128xf32, #tpu.memory_space<vmem>>)
      "tpu.region"() ({
        %run_scoped3A = tpu.sem_alloc : memref<!tpu.dma_semaphore, #tpu.memory_space<semaphore_mem>>
        %dma_start3A_80 = arith.constant 0 : i32
        %dma_start3A_81 = tpu.memref_slice %arg8[%mul3A_52, %dma_start3A_80] : memref<40x128xi32, #tpu.memory_space<vmem>> -> memref<1x128xi32, #tpu.memory_space<vmem>>
        %dma_start3A_82 = tpu.memref_squeeze %dma_start3A_81 : memref<1x128xi32, #tpu.memory_space<vmem>> -> memref<128xi32, #tpu.memory_space<vmem>>
        %dma_start3A_83 = arith.constant 0 : i32
        %dma_start3A_84 = arith.constant 0 : i32
        %dma_start3A_85 = tpu.memref_slice %arg11[%dma_start3A_83, %dma_start3A_84] : memref<10240x128xf32, #tpu.memory_space<vmem_shared>> -> memref<10240x128xf32, #tpu.memory_space<vmem_shared>>
        tpu.enqueue_indirect_dma source(%arg9 : memref<128x128xf32, #tpu.memory_space<vmem>>) target(%dma_start3A_85 : memref<10240x128xf32, #tpu.memory_space<vmem_shared>>) offsets(%dma_start3A_82 : memref<128xi32, #tpu.memory_space<vmem>>) semaphore(%run_scoped3A : memref<!tpu.dma_semaphore, #tpu.memory_space<semaphore_mem>>) {add = true}
        %dma_wait3A_86 = arith.constant 0 : i32
        %dma_wait3A_87 = tpu.memref_slice %arg8[%mul3A_52, %dma_wait3A_86] : memref<40x128xi32, #tpu.memory_space<vmem>> -> memref<1x128xi32, #tpu.memory_space<vmem>>
        %dma_wait3A_88 = tpu.memref_squeeze %dma_wait3A_87 : memref<1x128xi32, #tpu.memory_space<vmem>> -> memref<128xi32, #tpu.memory_space<vmem>>
        %dma_wait3A_89 = arith.constant 0 : i32
        %dma_wait3A_90 = arith.constant 0 : i32
        %dma_wait3A_91 = tpu.memref_slice %arg11[%dma_wait3A_89, %dma_wait3A_90] : memref<10240x128xf32, #tpu.memory_space<vmem_shared>> -> memref<10240x128xf32, #tpu.memory_space<vmem_shared>>
        tpu.wait_indirect_dma semaphore(%run_scoped3A : memref<!tpu.dma_semaphore, #tpu.memory_space<semaphore_mem>>) src(%arg9 : memref<128x128xf32, #tpu.memory_space<vmem>>) dst(%dma_wait3A_91 : memref<10240x128xf32, #tpu.memory_space<vmem_shared>>)
        tpu.yield
      }) : () -> ()
      %add3A_66 = arith.constant 2 : i32
      %add3A_67 = arith.addi %mul3A_52, %add3A_66 : i32
      %lt3A = arith.constant 40 : i32
      %lt3A_68 = arith.cmpi slt, %add3A_67, %lt3A : i32
      %convert_element_type3A = arith.extui %lt3A_68 : i1 to i32
      %cond3A = arith.constant 0 : i32
      %cond3A_69 = arith.cmpi ne, %convert_element_type3A, %cond3A : i32
      scf.if %cond3A_69 {
        %add3A_80 = arith.constant 2 : i32
        %add3A_81 = arith.addi %mul3A_52, %add3A_80 : i32
        %dma_start3A_82 = arith.constant 0 : i32
        %dma_start3A_83 = tpu.memref_slice %arg7[%add3A_81, %dma_start3A_82] : memref<40x128xi32, #tpu.memory_space<vmem>> -> memref<1x128xi32, #tpu.memory_space<vmem>>
        %dma_start3A_84 = tpu.memref_squeeze %dma_start3A_83 : memref<1x128xi32, #tpu.memory_space<vmem>> -> memref<128xi32, #tpu.memory_space<vmem>>
        %dma_start3A_85 = arith.constant 0 : i32
        %dma_start3A_86 = arith.constant 0 : i32
        %dma_start3A_87 = tpu.memref_slice %arg2[%dma_start3A_85, %dma_start3A_86] : memref<10240x128xf32, #tpu.memory_space<hbm>> -> memref<10240x128xf32, #tpu.memory_space<hbm>>
        tpu.enqueue_indirect_dma source(%dma_start3A_87 : memref<10240x128xf32, #tpu.memory_space<hbm>>) target(%arg9 : memref<128x128xf32, #tpu.memory_space<vmem>>) offsets(%dma_start3A_84 : memref<128xi32, #tpu.memory_space<vmem>>) semaphore(%arg12 : memref<!tpu.dma_semaphore, #tpu.memory_space<semaphore_mem>>)
      } else {
      }
      %add3A_70 = arith.constant 1 : i32
      %add3A_71 = arith.addi %mul3A_52, %add3A_70 : i32
      %dma_wait3A_72 = arith.constant 0 : i32
      %dma_wait3A_73 = tpu.memref_slice %arg7[%add3A_71, %dma_wait3A_72] : memref<40x128xi32, #tpu.memory_space<vmem>> -> memref<1x128xi32, #tpu.memory_space<vmem>>
      %dma_wait3A_74 = tpu.memref_squeeze %dma_wait3A_73 : memref<1x128xi32, #tpu.memory_space<vmem>> -> memref<128xi32, #tpu.memory_space<vmem>>
      %dma_wait3A_75 = arith.constant 0 : i32
      %dma_wait3A_76 = arith.constant 0 : i32
      %dma_wait3A_77 = tpu.memref_slice %arg2[%dma_wait3A_75, %dma_wait3A_76] : memref<10240x128xf32, #tpu.memory_space<hbm>> -> memref<10240x128xf32, #tpu.memory_space<hbm>>
      tpu.wait_indirect_dma semaphore(%arg13 : memref<!tpu.dma_semaphore, #tpu.memory_space<semaphore_mem>>) src(%dma_wait3A_77 : memref<10240x128xf32, #tpu.memory_space<hbm>>) dst(%arg10 : memref<128x128xf32, #tpu.memory_space<vmem>>)
      %add3A_78 = arith.constant 1 : i32
      %add3A_79 = arith.addi %mul3A_52, %add3A_78 : i32
      "tpu.region"() ({
        %run_scoped3A = tpu.sem_alloc : memref<!tpu.dma_semaphore, #tpu.memory_space<semaphore_mem>>
        %dma_start3A_80 = arith.constant 0 : i32
        %dma_start3A_81 = tpu.memref_slice %arg8[%add3A_79, %dma_start3A_80] : memref<40x128xi32, #tpu.memory_space<vmem>> -> memref<1x128xi32, #tpu.memory_space<vmem>>
        %dma_start3A_82 = tpu.memref_squeeze %dma_start3A_81 : memref<1x128xi32, #tpu.memory_space<vmem>> -> memref<128xi32, #tpu.memory_space<vmem>>
        %dma_start3A_83 = arith.constant 0 : i32
        %dma_start3A_84 = arith.constant 0 : i32
        %dma_start3A_85 = tpu.memref_slice %arg11[%dma_start3A_83, %dma_start3A_84] : memref<10240x128xf32, #tpu.memory_space<vmem_shared>> -> memref<10240x128xf32, #tpu.memory_space<vmem_shared>>
        tpu.enqueue_indirect_dma source(%arg10 : memref<128x128xf32, #tpu.memory_space<vmem>>) target(%dma_start3A_85 : memref<10240x128xf32, #tpu.memory_space<vmem_shared>>) offsets(%dma_start3A_82 : memref<128xi32, #tpu.memory_space<vmem>>) semaphore(%run_scoped3A : memref<!tpu.dma_semaphore, #tpu.memory_space<semaphore_mem>>) {add = true}
        %dma_wait3A_86 = arith.constant 0 : i32
        %dma_wait3A_87 = tpu.memref_slice %arg8[%add3A_79, %dma_wait3A_86] : memref<40x128xi32, #tpu.memory_space<vmem>> -> memref<1x128xi32, #tpu.memory_space<vmem>>
        %dma_wait3A_88 = tpu.memref_squeeze %dma_wait3A_87 : memref<1x128xi32, #tpu.memory_space<vmem>> -> memref<128xi32, #tpu.memory_space<vmem>>
        %dma_wait3A_89 = arith.constant 0 : i32
        %dma_wait3A_90 = arith.constant 0 : i32
        %dma_wait3A_91 = tpu.memref_slice %arg11[%dma_wait3A_89, %dma_wait3A_90] : memref<10240x128xf32, #tpu.memory_space<vmem_shared>> -> memref<10240x128xf32, #tpu.memory_space<vmem_shared>>
        tpu.wait_indirect_dma semaphore(%run_scoped3A : memref<!tpu.dma_semaphore, #tpu.memory_space<semaphore_mem>>) src(%arg10 : memref<128x128xf32, #tpu.memory_space<vmem>>) dst(%dma_wait3A_91 : memref<10240x128xf32, #tpu.memory_space<vmem_shared>>)
        tpu.yield
      }) : () -> ()
    }
    %scan3A_23 = arith.constant 20 : i32
    %mul3A_24 = arith.constant 80 : i32
    %mul3A_25 = arith.muli %add3A, %mul3A_24 : i32
    %add3A_26 = arith.constant 40 : i32
    %add3A_27 = arith.addi %mul3A_25, %add3A_26 : i32
    "tpu.region"() ({
      %run_scoped3A = tpu.sem_alloc : memref<!tpu.dma_semaphore, #tpu.memory_space<semaphore_mem>>
      %dma_start3A_50 = arith.constant 0 : i32
      %dma_start3A_51 = tpu.memref_slice %arg3[%add3A_27, %dma_start3A_50] : memref<2560x128xi32, #tpu.memory_space<hbm>> -> memref<40x128xi32, #tpu.memory_space<hbm>>
      %dma_start3A_52 = arith.constant 0 : i32
      %dma_start3A_53 = tpu.memref_slice %arg3[%add3A_27, %dma_start3A_52] : memref<2560x128xi32, #tpu.memory_space<hbm>> -> memref<40x128xi32, #tpu.memory_space<hbm>>
      tpu.enqueue_dma source(%dma_start3A_53 : memref<40x128xi32, #tpu.memory_space<hbm>>) target(%arg7 : memref<40x128xi32, #tpu.memory_space<vmem>>) target_semaphore(%run_scoped3A : memref<!tpu.dma_semaphore, #tpu.memory_space<semaphore_mem>>)
      %dma_wait3A = arith.constant 0 : i32
      %dma_wait3A_54 = tpu.memref_slice %arg3[%add3A_27, %dma_wait3A] : memref<2560x128xi32, #tpu.memory_space<hbm>> -> memref<40x128xi32, #tpu.memory_space<hbm>>
      %dma_wait3A_55 = arith.constant 0 : i32
      %dma_wait3A_56 = tpu.memref_slice %arg3[%add3A_27, %dma_wait3A_55] : memref<2560x128xi32, #tpu.memory_space<hbm>> -> memref<40x128xi32, #tpu.memory_space<hbm>>
      tpu.wait_dma2 semaphore(%run_scoped3A : memref<!tpu.dma_semaphore, #tpu.memory_space<semaphore_mem>>) src(%dma_wait3A_56 : memref<40x128xi32, #tpu.memory_space<hbm>>) dst(%arg7 : memref<40x128xi32, #tpu.memory_space<vmem>>)
      tpu.yield
    }) : () -> ()
    %mul3A_28 = arith.constant 80 : i32
    %mul3A_29 = arith.muli %add3A, %mul3A_28 : i32
    %add3A_30 = arith.constant 40 : i32
    %add3A_31 = arith.addi %mul3A_29, %add3A_30 : i32
    "tpu.region"() ({
      %run_scoped3A = tpu.sem_alloc : memref<!tpu.dma_semaphore, #tpu.memory_space<semaphore_mem>>
      %dma_start3A_50 = arith.constant 0 : i32
      %dma_start3A_51 = tpu.memref_slice %arg4[%add3A_31, %dma_start3A_50] : memref<2560x128xi32, #tpu.memory_space<hbm>> -> memref<40x128xi32, #tpu.memory_space<hbm>>
      %dma_start3A_52 = arith.constant 0 : i32
      %dma_start3A_53 = tpu.memref_slice %arg4[%add3A_31, %dma_start3A_52] : memref<2560x128xi32, #tpu.memory_space<hbm>> -> memref<40x128xi32, #tpu.memory_space<hbm>>
      tpu.enqueue_dma source(%dma_start3A_53 : memref<40x128xi32, #tpu.memory_space<hbm>>) target(%arg8 : memref<40x128xi32, #tpu.memory_space<vmem>>) target_semaphore(%run_scoped3A : memref<!tpu.dma_semaphore, #tpu.memory_space<semaphore_mem>>)
      %dma_wait3A = arith.constant 0 : i32
      %dma_wait3A_54 = tpu.memref_slice %arg4[%add3A_31, %dma_wait3A] : memref<2560x128xi32, #tpu.memory_space<hbm>> -> memref<40x128xi32, #tpu.memory_space<hbm>>
      %dma_wait3A_55 = arith.constant 0 : i32
      %dma_wait3A_56 = tpu.memref_slice %arg4[%add3A_31, %dma_wait3A_55] : memref<2560x128xi32, #tpu.memory_space<hbm>> -> memref<40x128xi32, #tpu.memory_space<hbm>>
      tpu.wait_dma2 semaphore(%run_scoped3A : memref<!tpu.dma_semaphore, #tpu.memory_space<semaphore_mem>>) src(%dma_wait3A_56 : memref<40x128xi32, #tpu.memory_space<hbm>>) dst(%arg8 : memref<40x128xi32, #tpu.memory_space<vmem>>)
      tpu.yield
    }) : () -> ()
    %dma_start3A_32 = arith.constant 0 : i32
    %dma_start3A_33 = arith.constant 0 : i32
    %dma_start3A_34 = tpu.memref_slice %arg7[%dma_start3A_32, %dma_start3A_33] : memref<40x128xi32, #tpu.memory_space<vmem>> -> memref<1x128xi32, #tpu.memory_space<vmem>>
    %dma_start3A_35 = tpu.memref_squeeze %dma_start3A_34 : memref<1x128xi32, #tpu.memory_space<vmem>> -> memref<128xi32, #tpu.memory_space<vmem>>
    %dma_start3A_36 = arith.constant 0 : i32
    %dma_start3A_37 = arith.constant 0 : i32
    %dma_start3A_38 = tpu.memref_slice %arg2[%dma_start3A_36, %dma_start3A_37] : memref<10240x128xf32, #tpu.memory_space<hbm>> -> memref<10240x128xf32, #tpu.memory_space<hbm>>
    tpu.enqueue_indirect_dma source(%dma_start3A_38 : memref<10240x128xf32, #tpu.memory_space<hbm>>) target(%arg9 : memref<128x128xf32, #tpu.memory_space<vmem>>) offsets(%dma_start3A_35 : memref<128xi32, #tpu.memory_space<vmem>>) semaphore(%arg12 : memref<!tpu.dma_semaphore, #tpu.memory_space<semaphore_mem>>)
    %scan3A_39 = arith.constant 0 : i32
    %scan3A_40 = arith.constant 0 : i32
    %scan3A_41 = arith.constant 20 : i32
    %scan3A_42 = arith.addi %scan3A_40, %scan3A_41 : i32
    %scan3A_43 = arith.constant 1 : i32
    scf.for %scan3A_50 = %scan3A_40 to %scan3A_42 step %scan3A_43  : i32 {
      %mul3A_51 = arith.constant 2 : i32
      %mul3A_52 = arith.muli %mul3A_51, %scan3A_50 : i32
      %add3A_53 = arith.constant 1 : i32
      %add3A_54 = arith.addi %mul3A_52, %add3A_53 : i32
      %dma_start3A_55 = arith.constant 0 : i32
      %dma_start3A_56 = tpu.memref_slice %arg7[%add3A_54, %dma_start3A_55] : memref<40x128xi32, #tpu.memory_space<vmem>> -> memref<1x128xi32, #tpu.memory_space<vmem>>
      %dma_start3A_57 = tpu.memref_squeeze %dma_start3A_56 : memref<1x128xi32, #tpu.memory_space<vmem>> -> memref<128xi32, #tpu.memory_space<vmem>>
      %dma_start3A_58 = arith.constant 0 : i32
      %dma_start3A_59 = arith.constant 0 : i32
      %dma_start3A_60 = tpu.memref_slice %arg2[%dma_start3A_58, %dma_start3A_59] : memref<10240x128xf32, #tpu.memory_space<hbm>> -> memref<10240x128xf32, #tpu.memory_space<hbm>>
      tpu.enqueue_indirect_dma source(%dma_start3A_60 : memref<10240x128xf32, #tpu.memory_space<hbm>>) target(%arg10 : memref<128x128xf32, #tpu.memory_space<vmem>>) offsets(%dma_start3A_57 : memref<128xi32, #tpu.memory_space<vmem>>) semaphore(%arg13 : memref<!tpu.dma_semaphore, #tpu.memory_space<semaphore_mem>>)
      %dma_wait3A = arith.constant 0 : i32
      %dma_wait3A_61 = tpu.memref_slice %arg7[%mul3A_52, %dma_wait3A] : memref<40x128xi32, #tpu.memory_space<vmem>> -> memref<1x128xi32, #tpu.memory_space<vmem>>
      %dma_wait3A_62 = tpu.memref_squeeze %dma_wait3A_61 : memref<1x128xi32, #tpu.memory_space<vmem>> -> memref<128xi32, #tpu.memory_space<vmem>>
      %dma_wait3A_63 = arith.constant 0 : i32
      %dma_wait3A_64 = arith.constant 0 : i32
      %dma_wait3A_65 = tpu.memref_slice %arg2[%dma_wait3A_63, %dma_wait3A_64] : memref<10240x128xf32, #tpu.memory_space<hbm>> -> memref<10240x128xf32, #tpu.memory_space<hbm>>
      tpu.wait_indirect_dma semaphore(%arg12 : memref<!tpu.dma_semaphore, #tpu.memory_space<semaphore_mem>>) src(%dma_wait3A_65 : memref<10240x128xf32, #tpu.memory_space<hbm>>) dst(%arg9 : memref<128x128xf32, #tpu.memory_space<vmem>>)
      "tpu.region"() ({
        %run_scoped3A = tpu.sem_alloc : memref<!tpu.dma_semaphore, #tpu.memory_space<semaphore_mem>>
        %dma_start3A_80 = arith.constant 0 : i32
        %dma_start3A_81 = tpu.memref_slice %arg8[%mul3A_52, %dma_start3A_80] : memref<40x128xi32, #tpu.memory_space<vmem>> -> memref<1x128xi32, #tpu.memory_space<vmem>>
        %dma_start3A_82 = tpu.memref_squeeze %dma_start3A_81 : memref<1x128xi32, #tpu.memory_space<vmem>> -> memref<128xi32, #tpu.memory_space<vmem>>
        %dma_start3A_83 = arith.constant 0 : i32
        %dma_start3A_84 = arith.constant 0 : i32
        %dma_start3A_85 = tpu.memref_slice %arg11[%dma_start3A_83, %dma_start3A_84] : memref<10240x128xf32, #tpu.memory_space<vmem_shared>> -> memref<10240x128xf32, #tpu.memory_space<vmem_shared>>
        tpu.enqueue_indirect_dma source(%arg9 : memref<128x128xf32, #tpu.memory_space<vmem>>) target(%dma_start3A_85 : memref<10240x128xf32, #tpu.memory_space<vmem_shared>>) offsets(%dma_start3A_82 : memref<128xi32, #tpu.memory_space<vmem>>) semaphore(%run_scoped3A : memref<!tpu.dma_semaphore, #tpu.memory_space<semaphore_mem>>) {add = true}
        %dma_wait3A_86 = arith.constant 0 : i32
        %dma_wait3A_87 = tpu.memref_slice %arg8[%mul3A_52, %dma_wait3A_86] : memref<40x128xi32, #tpu.memory_space<vmem>> -> memref<1x128xi32, #tpu.memory_space<vmem>>
        %dma_wait3A_88 = tpu.memref_squeeze %dma_wait3A_87 : memref<1x128xi32, #tpu.memory_space<vmem>> -> memref<128xi32, #tpu.memory_space<vmem>>
        %dma_wait3A_89 = arith.constant 0 : i32
        %dma_wait3A_90 = arith.constant 0 : i32
        %dma_wait3A_91 = tpu.memref_slice %arg11[%dma_wait3A_89, %dma_wait3A_90] : memref<10240x128xf32, #tpu.memory_space<vmem_shared>> -> memref<10240x128xf32, #tpu.memory_space<vmem_shared>>
        tpu.wait_indirect_dma semaphore(%run_scoped3A : memref<!tpu.dma_semaphore, #tpu.memory_space<semaphore_mem>>) src(%arg9 : memref<128x128xf32, #tpu.memory_space<vmem>>) dst(%dma_wait3A_91 : memref<10240x128xf32, #tpu.memory_space<vmem_shared>>)
        tpu.yield
      }) : () -> ()
      %add3A_66 = arith.constant 2 : i32
      %add3A_67 = arith.addi %mul3A_52, %add3A_66 : i32
      %lt3A = arith.constant 40 : i32
      %lt3A_68 = arith.cmpi slt, %add3A_67, %lt3A : i32
      %convert_element_type3A = arith.extui %lt3A_68 : i1 to i32
      %cond3A = arith.constant 0 : i32
      %cond3A_69 = arith.cmpi ne, %convert_element_type3A, %cond3A : i32
      scf.if %cond3A_69 {
        %add3A_80 = arith.constant 2 : i32
        %add3A_81 = arith.addi %mul3A_52, %add3A_80 : i32
        %dma_start3A_82 = arith.constant 0 : i32
        %dma_start3A_83 = tpu.memref_slice %arg7[%add3A_81, %dma_start3A_82] : memref<40x128xi32, #tpu.memory_space<vmem>> -> memref<1x128xi32, #tpu.memory_space<vmem>>
        %dma_start3A_84 = tpu.memref_squeeze %dma_start3A_83 : memref<1x128xi32, #tpu.memory_space<vmem>> -> memref<128xi32, #tpu.memory_space<vmem>>
        %dma_start3A_85 = arith.constant 0 : i32
        %dma_start3A_86 = arith.constant 0 : i32
        %dma_start3A_87 = tpu.memref_slice %arg2[%dma_start3A_85, %dma_start3A_86] : memref<10240x128xf32, #tpu.memory_space<hbm>> -> memref<10240x128xf32, #tpu.memory_space<hbm>>
        tpu.enqueue_indirect_dma source(%dma_start3A_87 : memref<10240x128xf32, #tpu.memory_space<hbm>>) target(%arg9 : memref<128x128xf32, #tpu.memory_space<vmem>>) offsets(%dma_start3A_84 : memref<128xi32, #tpu.memory_space<vmem>>) semaphore(%arg12 : memref<!tpu.dma_semaphore, #tpu.memory_space<semaphore_mem>>)
      } else {
      }
      %add3A_70 = arith.constant 1 : i32
      %add3A_71 = arith.addi %mul3A_52, %add3A_70 : i32
      %dma_wait3A_72 = arith.constant 0 : i32
      %dma_wait3A_73 = tpu.memref_slice %arg7[%add3A_71, %dma_wait3A_72] : memref<40x128xi32, #tpu.memory_space<vmem>> -> memref<1x128xi32, #tpu.memory_space<vmem>>
      %dma_wait3A_74 = tpu.memref_squeeze %dma_wait3A_73 : memref<1x128xi32, #tpu.memory_space<vmem>> -> memref<128xi32, #tpu.memory_space<vmem>>
      %dma_wait3A_75 = arith.constant 0 : i32
      %dma_wait3A_76 = arith.constant 0 : i32
      %dma_wait3A_77 = tpu.memref_slice %arg2[%dma_wait3A_75, %dma_wait3A_76] : memref<10240x128xf32, #tpu.memory_space<hbm>> -> memref<10240x128xf32, #tpu.memory_space<hbm>>
      tpu.wait_indirect_dma semaphore(%arg13 : memref<!tpu.dma_semaphore, #tpu.memory_space<semaphore_mem>>) src(%dma_wait3A_77 : memref<10240x128xf32, #tpu.memory_space<hbm>>) dst(%arg10 : memref<128x128xf32, #tpu.memory_space<vmem>>)
      %add3A_78 = arith.constant 1 : i32
      %add3A_79 = arith.addi %mul3A_52, %add3A_78 : i32
      "tpu.region"() ({
        %run_scoped3A = tpu.sem_alloc : memref<!tpu.dma_semaphore, #tpu.memory_space<semaphore_mem>>
        %dma_start3A_80 = arith.constant 0 : i32
        %dma_start3A_81 = tpu.memref_slice %arg8[%add3A_79, %dma_start3A_80] : memref<40x128xi32, #tpu.memory_space<vmem>> -> memref<1x128xi32, #tpu.memory_space<vmem>>
        %dma_start3A_82 = tpu.memref_squeeze %dma_start3A_81 : memref<1x128xi32, #tpu.memory_space<vmem>> -> memref<128xi32, #tpu.memory_space<vmem>>
        %dma_start3A_83 = arith.constant 0 : i32
        %dma_start3A_84 = arith.constant 0 : i32
        %dma_start3A_85 = tpu.memref_slice %arg11[%dma_start3A_83, %dma_start3A_84] : memref<10240x128xf32, #tpu.memory_space<vmem_shared>> -> memref<10240x128xf32, #tpu.memory_space<vmem_shared>>
        tpu.enqueue_indirect_dma source(%arg10 : memref<128x128xf32, #tpu.memory_space<vmem>>) target(%dma_start3A_85 : memref<10240x128xf32, #tpu.memory_space<vmem_shared>>) offsets(%dma_start3A_82 : memref<128xi32, #tpu.memory_space<vmem>>) semaphore(%run_scoped3A : memref<!tpu.dma_semaphore, #tpu.memory_space<semaphore_mem>>) {add = true}
        %dma_wait3A_86 = arith.constant 0 : i32
        %dma_wait3A_87 = tpu.memref_slice %arg8[%add3A_79, %dma_wait3A_86] : memref<40x128xi32, #tpu.memory_space<vmem>> -> memref<1x128xi32, #tpu.memory_space<vmem>>
        %dma_wait3A_88 = tpu.memref_squeeze %dma_wait3A_87 : memref<1x128xi32, #tpu.memory_space<vmem>> -> memref<128xi32, #tpu.memory_space<vmem>>
        %dma_wait3A_89 = arith.constant 0 : i32
        %dma_wait3A_90 = arith.constant 0 : i32
        %dma_wait3A_91 = tpu.memref_slice %arg11[%dma_wait3A_89, %dma_wait3A_90] : memref<10240x128xf32, #tpu.memory_space<vmem_shared>> -> memref<10240x128xf32, #tpu.memory_space<vmem_shared>>
        tpu.wait_indirect_dma semaphore(%run_scoped3A : memref<!tpu.dma_semaphore, #tpu.memory_space<semaphore_mem>>) src(%arg10 : memref<128x128xf32, #tpu.memory_space<vmem>>) dst(%dma_wait3A_91 : memref<10240x128xf32, #tpu.memory_space<vmem_shared>>)
        tpu.yield
      }) : () -> ()
    }
    %scan3A_44 = arith.constant 20 : i32
    %barrier3A_45 = arith.constant 0 : index
    tpu.barrier barrier_id(%barrier3A_45)
    %mul3A_46 = arith.constant 640 : i32
    %mul3A_47 = arith.muli %arg1, %mul3A_46 : i32
    %mul3A_48 = arith.constant 640 : i32
    %mul3A_49 = arith.muli %arg1, %mul3A_48 : i32
    "tpu.region"() ({
      %run_scoped3A = tpu.sem_alloc : memref<!tpu.dma_semaphore, #tpu.memory_space<semaphore_mem>>
      %dma_start3A_50 = arith.constant 0 : i32
      %dma_start3A_51 = tpu.memref_slice %arg6[%arg0, %mul3A_49, %dma_start3A_50] : memref<2x10240x128xf32, #tpu.memory_space<hbm>> -> memref<1x640x128xf32, #tpu.memory_space<hbm>>
      %dma_start3A_52 = tpu.memref_squeeze %dma_start3A_51 : memref<1x640x128xf32, #tpu.memory_space<hbm>> -> memref<640x128xf32, #tpu.memory_space<hbm>>
      %dma_start3A_53 = arith.constant 0 : i32
      %dma_start3A_54 = tpu.memref_slice %arg11[%mul3A_47, %dma_start3A_53] : memref<10240x128xf32, #tpu.memory_space<vmem_shared>> -> memref<640x128xf32, #tpu.memory_space<vmem_shared>>
      tpu.enqueue_dma source(%dma_start3A_54 : memref<640x128xf32, #tpu.memory_space<vmem_shared>>) target(%dma_start3A_52 : memref<640x128xf32, #tpu.memory_space<hbm>>) target_semaphore(%run_scoped3A : memref<!tpu.dma_semaphore, #tpu.memory_space<semaphore_mem>>)
      %dma_wait3A = arith.constant 0 : i32
      %dma_wait3A_55 = tpu.memref_slice %arg6[%arg0, %mul3A_49, %dma_wait3A] : memref<2x10240x128xf32, #tpu.memory_space<hbm>> -> memref<1x640x128xf32, #tpu.memory_space<hbm>>
      %dma_wait3A_56 = tpu.memref_squeeze %dma_wait3A_55 : memref<1x640x128xf32, #tpu.memory_space<hbm>> -> memref<640x128xf32, #tpu.memory_space<hbm>>
      %dma_wait3A_57 = arith.constant 0 : i32
      %dma_wait3A_58 = tpu.memref_slice %arg11[%mul3A_47, %dma_wait3A_57] : memref<10240x128xf32, #tpu.memory_space<vmem_shared>> -> memref<640x128xf32, #tpu.memory_space<vmem_shared>>
      tpu.wait_dma2 semaphore(%run_scoped3A : memref<!tpu.dma_semaphore, #tpu.memory_space<semaphore_mem>>) src(%dma_wait3A_58 : memref<640x128xf32, #tpu.memory_space<vmem_shared>>) dst(%dma_wait3A_56 : memref<640x128xf32, #tpu.memory_space<hbm>>)
      tpu.yield
    }) : () -> ()
    return
  }
}

module attributes {stable_mosaic.version = 14 : i64} {
  func.func @_prep0_body(%arg0: i32, %arg1: memref<2x2048x128xf32, #tpu.memory_space<vmem>>, %arg2: memref<2048x128xf32, #tpu.memory_space<vmem>>, %arg3: memref<128x128xf32, #tpu.memory_space<vmem>>, %arg4: memref<2048x128xf32, #tpu.memory_space<vmem>>, %arg5: memref<2048x1xf32, #tpu.memory_space<vmem>>) attributes {dimension_semantics = [#tpu.dimension_semantics<arbitrary>], iteration_bounds = array<i64: 5>, scalar_prefetch = 0 : i64, scratch_operands = 0 : i64, tpu.core_type = #tpu.core_type<tc>, window_params = [{transform_indices = @transform_0, window_bounds = array<i64: 2, 2048, 128>}, {transform_indices = @transform_1, window_bounds = array<i64: 2048, 128>}, {pipeline_mode = #tpu.pipeline_mode<synchronous>, transform_indices = @transform_2, window_bounds = array<i64: 128, 128>}, {transform_indices = @transform_3, window_bounds = array<i64: 2048, 128>}, {transform_indices = @transform_4, window_bounds = array<i64: 2048, 1>}]} {
    %get3A = arith.constant 0 : index
    %get3A_0 = arith.constant 0 : index
    %get3A_1 = arith.constant 0 : index
    %get3A_2 = vector.load %arg1[%get3A, %get3A_0, %get3A_1] : memref<2x2048x128xf32, #tpu.memory_space<vmem>>, vector<1x2048x1xf32>
    %get3A_3 = vector.shape_cast %get3A_2 : vector<1x2048x1xf32> to vector<2048x1xf32>
    %get3A_4 = arith.constant 1 : index
    %get3A_5 = arith.constant 0 : index
    %get3A_6 = arith.constant 0 : index
    %get3A_7 = vector.load %arg1[%get3A_4, %get3A_5, %get3A_6] : memref<2x2048x128xf32, #tpu.memory_space<vmem>>, vector<1x2048x1xf32>
    %get3A_8 = vector.shape_cast %get3A_7 : vector<1x2048x1xf32> to vector<2048x1xf32>
    %add3A = arith.addf %get3A_3, %get3A_8 : vector<2048x1xf32>
    %add3A_9 = arith.constant 1.000000e+00 : f32
    %add3A_10 = vector.broadcast %add3A_9 : f32 to vector<2048x1xf32>
    %add3A_11 = arith.addf %add3A, %add3A_10 : vector<2048x1xf32>
    %rsqrt3A = math.rsqrt %add3A_11 : vector<2048x1xf32>
    %get3A_12 = arith.constant 0 : index
    %get3A_13 = arith.constant 0 : index
    %get3A_14 = vector.load %arg2[%get3A_12, %get3A_13] : memref<2048x128xf32, #tpu.memory_space<vmem>>, vector<2048x128xf32>
    %get3A_15 = arith.constant 0 : index
    %get3A_16 = arith.constant 0 : index
    %get3A_17 = vector.load %arg3[%get3A_15, %get3A_16] : memref<128x128xf32, #tpu.memory_space<vmem>>, vector<128x128xf32>
    %dot_general3A = arith.constant dense<0.000000e+00> : vector<2048x128xf32>
    %dot_general3A_18 = tpu.matmul %get3A_14, %get3A_17, %dot_general3A {dimension_numbers = #tpu.dot_dimension_numbers<[1], [0], [0], [1], [0, 0, 1, 1], [], []>, transpose_lhs_hint = false} : vector<2048x128xf32>, vector<128x128xf32>, vector<2048x128xf32> -> vector<2048x128xf32>
    %mul3A = vector.broadcast %rsqrt3A : vector<2048x1xf32> to vector<2048x128xf32>
    %mul3A_19 = arith.mulf %dot_general3A_18, %mul3A : vector<2048x128xf32>
    %swap3A = arith.constant 0 : index
    %swap3A_20 = arith.constant 0 : index
    %swap3A_21 = vector.load %arg4[%swap3A, %swap3A_20] : memref<2048x128xf32, #tpu.memory_space<vmem>>, vector<2048x128xf32>
    tpu.vector_store %arg4[%swap3A, %swap3A_20], %mul3A_19 {strides = array<i32>} : memref<2048x128xf32, #tpu.memory_space<vmem>>, vector<2048x128xf32>,
    %swap3A_22 = arith.constant 0 : index
    %swap3A_23 = arith.constant 0 : index
    %swap3A_24 = vector.load %arg5[%swap3A_22, %swap3A_23] : memref<2048x1xf32, #tpu.memory_space<vmem>>, vector<2048x1xf32>
    tpu.vector_store %arg5[%swap3A_22, %swap3A_23], %rsqrt3A {strides = array<i32>} : memref<2048x1xf32, #tpu.memory_space<vmem>>, vector<2048x1xf32>,
    return
  }
  func.func @transform_0(%arg0: i32) -> (i32, i32, i32) {
    %c0_i32 = arith.constant 0 : i32
    %c0_i32_0 = arith.constant 0 : i32
    %c0_i32_1 = arith.constant 0 : i32
    return %c0_i32, %arg0, %c0_i32_0 : i32, i32, i32
  }
  func.func @transform_1(%arg0: i32) -> (i32, i32) {
    %c0_i32 = arith.constant 0 : i32
    %c0_i32_0 = arith.constant 0 : i32
    return %arg0, %c0_i32 : i32, i32
  }
  func.func @transform_2(%arg0: i32) -> (i32, i32) {
    %c0_i32 = arith.constant 0 : i32
    %c0_i32_0 = arith.constant 0 : i32
    %c0_i32_1 = arith.constant 0 : i32
    return %c0_i32, %c0_i32_0 : i32, i32
  }
  func.func @transform_3(%arg0: i32) -> (i32, i32) {
    %c0_i32 = arith.constant 0 : i32
    %c0_i32_0 = arith.constant 0 : i32
    return %arg0, %c0_i32 : i32, i32
  }
  func.func @transform_4(%arg0: i32) -> (i32, i32) {
    %c0_i32 = arith.constant 0 : i32
    %c0_i32_0 = arith.constant 0 : i32
    return %arg0, %c0_i32 : i32, i32
  }
}

module attributes {stable_mosaic.version = 14 : i64} {
  func.func @_layer_body(%arg0: i32, %arg1: memref<2x2048x128xf32, #tpu.memory_space<vmem>>, %arg2: memref<2048x128xf32, #tpu.memory_space<vmem>>, %arg3: memref<2048x1xf32, #tpu.memory_space<vmem>>, %arg4: memref<1x128xf32, #tpu.memory_space<vmem>>, %arg5: memref<128x128xf32, #tpu.memory_space<vmem>>, %arg6: memref<2048x128xf32, #tpu.memory_space<vmem>>) attributes {dimension_semantics = [#tpu.dimension_semantics<arbitrary>], iteration_bounds = array<i64: 5>, scalar_prefetch = 0 : i64, scratch_operands = 0 : i64, tpu.core_type = #tpu.core_type<tc>, window_params = [{transform_indices = @transform_0, window_bounds = array<i64: 2, 2048, 128>}, {transform_indices = @transform_1, window_bounds = array<i64: 2048, 128>}, {transform_indices = @transform_2, window_bounds = array<i64: 2048, 1>}, {pipeline_mode = #tpu.pipeline_mode<synchronous>, transform_indices = @transform_3, window_bounds = array<i64: 1, 128>}, {pipeline_mode = #tpu.pipeline_mode<synchronous>, transform_indices = @transform_4, window_bounds = array<i64: 128, 128>}, {transform_indices = @transform_5, window_bounds = array<i64: 2048, 128>}]} {
    %get3A = arith.constant 0 : index
    %get3A_0 = arith.constant 0 : index
    %get3A_1 = arith.constant 0 : index
    %get3A_2 = vector.load %arg1[%get3A, %get3A_0, %get3A_1] : memref<2x2048x128xf32, #tpu.memory_space<vmem>>, vector<1x2048x128xf32>
    %get3A_3 = vector.shape_cast %get3A_2 : vector<1x2048x128xf32> to vector<2048x128xf32>
    %get3A_4 = arith.constant 1 : index
    %get3A_5 = arith.constant 0 : index
    %get3A_6 = arith.constant 0 : index
    %get3A_7 = vector.load %arg1[%get3A_4, %get3A_5, %get3A_6] : memref<2x2048x128xf32, #tpu.memory_space<vmem>>, vector<1x2048x128xf32>
    %get3A_8 = vector.shape_cast %get3A_7 : vector<1x2048x128xf32> to vector<2048x128xf32>
    %add3A = arith.addf %get3A_3, %get3A_8 : vector<2048x128xf32>
    %get3A_9 = arith.constant 0 : index
    %get3A_10 = arith.constant 0 : index
    %get3A_11 = vector.load %arg2[%get3A_9, %get3A_10] : memref<2048x128xf32, #tpu.memory_space<vmem>>, vector<2048x128xf32>
    %add3A_12 = arith.addf %add3A, %get3A_11 : vector<2048x128xf32>
    %get3A_13 = arith.constant 0 : index
    %get3A_14 = arith.constant 0 : index
    %get3A_15 = vector.load %arg3[%get3A_13, %get3A_14] : memref<2048x1xf32, #tpu.memory_space<vmem>>, vector<2048x1xf32>
    %mul3A = vector.broadcast %get3A_15 : vector<2048x1xf32> to vector<2048x128xf32>
    %mul3A_16 = arith.mulf %add3A_12, %mul3A : vector<2048x128xf32>
    %get3A_17 = arith.constant 0 : index
    %get3A_18 = arith.constant 0 : index
    %get3A_19 = vector.load %arg4[%get3A_17, %get3A_18] : memref<1x128xf32, #tpu.memory_space<vmem>>, vector<1x128xf32>
    %add3A_20 = vector.broadcast %get3A_19 : vector<1x128xf32> to vector<2048x128xf32>
    %add3A_21 = arith.addf %mul3A_16, %add3A_20 : vector<2048x128xf32>
    %max3A = arith.constant 0.000000e+00 : f32
    %max3A_22 = vector.broadcast %max3A : f32 to vector<2048x128xf32>
    %max3A_23 = arith.maximumf %add3A_21, %max3A_22 : vector<2048x128xf32>
    %get3A_24 = arith.constant 0 : index
    %get3A_25 = arith.constant 0 : index
    %get3A_26 = vector.load %arg5[%get3A_24, %get3A_25] : memref<128x128xf32, #tpu.memory_space<vmem>>, vector<128x128xf32>
    %dot_general3A = arith.constant dense<0.000000e+00> : vector<2048x128xf32>
    %dot_general3A_27 = tpu.matmul %max3A_23, %get3A_26, %dot_general3A {dimension_numbers = #tpu.dot_dimension_numbers<[1], [0], [0], [1], [0, 0, 1, 1], [], []>, transpose_lhs_hint = false} : vector<2048x128xf32>, vector<128x128xf32>, vector<2048x128xf32> -> vector<2048x128xf32>
    %get3A_28 = arith.constant 0 : index
    %get3A_29 = arith.constant 0 : index
    %get3A_30 = vector.load %arg3[%get3A_28, %get3A_29] : memref<2048x1xf32, #tpu.memory_space<vmem>>, vector<2048x1xf32>
    %mul3A_31 = vector.broadcast %get3A_30 : vector<2048x1xf32> to vector<2048x128xf32>
    %mul3A_32 = arith.mulf %dot_general3A_27, %mul3A_31 : vector<2048x128xf32>
    %swap3A = arith.constant 0 : index
    %swap3A_33 = arith.constant 0 : index
    %swap3A_34 = vector.load %arg6[%swap3A, %swap3A_33] : memref<2048x128xf32, #tpu.memory_space<vmem>>, vector<2048x128xf32>
    tpu.vector_store %arg6[%swap3A, %swap3A_33], %mul3A_32 {strides = array<i32>} : memref<2048x128xf32, #tpu.memory_space<vmem>>, vector<2048x128xf32>,
    return
  }
  func.func @transform_0(%arg0: i32) -> (i32, i32, i32) {
    %c0_i32 = arith.constant 0 : i32
    %c0_i32_0 = arith.constant 0 : i32
    %c0_i32_1 = arith.constant 0 : i32
    return %c0_i32, %arg0, %c0_i32_0 : i32, i32, i32
  }
  func.func @transform_1(%arg0: i32) -> (i32, i32) {
    %c0_i32 = arith.constant 0 : i32
    %c0_i32_0 = arith.constant 0 : i32
    return %arg0, %c0_i32 : i32, i32
  }
  func.func @transform_2(%arg0: i32) -> (i32, i32) {
    %c0_i32 = arith.constant 0 : i32
    %c0_i32_0 = arith.constant 0 : i32
    return %arg0, %c0_i32 : i32, i32
  }
  func.func @transform_3(%arg0: i32) -> (i32, i32) {
    %c0_i32 = arith.constant 0 : i32
    %c0_i32_0 = arith.constant 0 : i32
    %c0_i32_1 = arith.constant 0 : i32
    return %c0_i32, %c0_i32_0 : i32, i32
  }
  func.func @transform_4(%arg0: i32) -> (i32, i32) {
    %c0_i32 = arith.constant 0 : i32
    %c0_i32_0 = arith.constant 0 : i32
    %c0_i32_1 = arith.constant 0 : i32
    return %c0_i32, %c0_i32_0 : i32, i32
  }
  func.func @transform_5(%arg0: i32) -> (i32, i32) {
    %c0_i32 = arith.constant 0 : i32
    %c0_i32_0 = arith.constant 0 : i32
    return %arg0, %c0_i32 : i32, i32
  }
}

module attributes {stable_mosaic.version = 14 : i64} {
  func.func @_final_body(%arg0: i32, %arg1: memref<2x2048x128xf32, #tpu.memory_space<vmem>>, %arg2: memref<2048x128xf32, #tpu.memory_space<vmem>>, %arg3: memref<2048x1xf32, #tpu.memory_space<vmem>>, %arg4: memref<1x128xf32, #tpu.memory_space<vmem>>, %arg5: memref<1x2048xi32, #tpu.memory_space<vmem>>, %arg6: memref<128x10xf32, #tpu.memory_space<vmem>>, %arg7: memref<1x10xf32, #tpu.memory_space<vmem>>, %arg8: memref<64x10xf32, #tpu.memory_space<vmem>>, %arg9: memref<64x128xf32, #tpu.memory_space<vmem>>, %arg10: memref<64x1xf32, #tpu.memory_space<vmem>>) attributes {dimension_semantics = [#tpu.dimension_semantics<arbitrary>], iteration_bounds = array<i64: 5>, scalar_prefetch = 0 : i64, scratch_operands = 2 : i64, tpu.core_type = #tpu.core_type<tc>, window_params = [{transform_indices = @transform_0, window_bounds = array<i64: 2, 2048, 128>}, {transform_indices = @transform_1, window_bounds = array<i64: 2048, 128>}, {transform_indices = @transform_2, window_bounds = array<i64: 2048, 1>}, {pipeline_mode = #tpu.pipeline_mode<synchronous>, transform_indices = @transform_3, window_bounds = array<i64: 1, 128>}, {transform_indices = @transform_4, window_bounds = array<i64: 1, 2048>}, {pipeline_mode = #tpu.pipeline_mode<synchronous>, transform_indices = @transform_5, window_bounds = array<i64: 128, 10>}, {pipeline_mode = #tpu.pipeline_mode<synchronous>, transform_indices = @transform_6, window_bounds = array<i64: 1, 10>}, {pipeline_mode = #tpu.pipeline_mode<synchronous>, transform_indices = @transform_7, window_bounds = array<i64: 64, 10>}]} {
    %eq3A = arith.constant 0 : i32
    %eq3A_0 = arith.cmpi eq, %arg0, %eq3A : i32
    %convert_element_type3A = arith.extui %eq3A_0 : i1 to i32
    %cond3A = arith.constant 0 : i32
    %cond3A_1 = arith.cmpi ne, %convert_element_type3A, %cond3A : i32
    scf.if %cond3A_1 {
      %broadcast_in_dim3A_51 = arith.constant 0.000000e+00 : f32
      %broadcast_in_dim3A_52 = vector.broadcast %broadcast_in_dim3A_51 : f32 to vector<64x128xf32>
      %swap3A_53 = arith.constant 0 : index
      %swap3A_54 = arith.constant 0 : index
      %swap3A_55 = vector.load %arg9[%swap3A_53, %swap3A_54] : memref<64x128xf32, #tpu.memory_space<vmem>>, vector<64x128xf32>
      tpu.vector_store %arg9[%swap3A_53, %swap3A_54], %broadcast_in_dim3A_52 {strides = array<i32>} : memref<64x128xf32, #tpu.memory_space<vmem>>, vector<64x128xf32>,
      %broadcast_in_dim3A_56 = arith.constant 0.000000e+00 : f32
      %broadcast_in_dim3A_57 = vector.broadcast %broadcast_in_dim3A_56 : f32 to vector<64x1xf32>
      %swap3A_58 = arith.constant 0 : index
      %swap3A_59 = arith.constant 0 : index
      %swap3A_60 = vector.load %arg10[%swap3A_58, %swap3A_59] : memref<64x1xf32, #tpu.memory_space<vmem>>, vector<64x1xf32>
      tpu.vector_store %arg10[%swap3A_58, %swap3A_59], %broadcast_in_dim3A_57 {strides = array<i32>} : memref<64x1xf32, #tpu.memory_space<vmem>>, vector<64x1xf32>,
    } else {
    }
    %get3A = arith.constant 0 : index
    %get3A_2 = arith.constant 0 : index
    %get3A_3 = arith.constant 0 : index
    %get3A_4 = vector.load %arg1[%get3A, %get3A_2, %get3A_3] : memref<2x2048x128xf32, #tpu.memory_space<vmem>>, vector<1x2048x128xf32>
    %get3A_5 = vector.shape_cast %get3A_4 : vector<1x2048x128xf32> to vector<2048x128xf32>
    %get3A_6 = arith.constant 1 : index
    %get3A_7 = arith.constant 0 : index
    %get3A_8 = arith.constant 0 : index
    %get3A_9 = vector.load %arg1[%get3A_6, %get3A_7, %get3A_8] : memref<2x2048x128xf32, #tpu.memory_space<vmem>>, vector<1x2048x128xf32>
    %get3A_10 = vector.shape_cast %get3A_9 : vector<1x2048x128xf32> to vector<2048x128xf32>
    %add3A = arith.addf %get3A_5, %get3A_10 : vector<2048x128xf32>
    %get3A_11 = arith.constant 0 : index
    %get3A_12 = arith.constant 0 : index
    %get3A_13 = vector.load %arg2[%get3A_11, %get3A_12] : memref<2048x128xf32, #tpu.memory_space<vmem>>, vector<2048x128xf32>
    %add3A_14 = arith.addf %add3A, %get3A_13 : vector<2048x128xf32>
    %get3A_15 = arith.constant 0 : index
    %get3A_16 = arith.constant 0 : index
    %get3A_17 = vector.load %arg3[%get3A_15, %get3A_16] : memref<2048x1xf32, #tpu.memory_space<vmem>>, vector<2048x1xf32>
    %mul3A = vector.broadcast %get3A_17 : vector<2048x1xf32> to vector<2048x128xf32>
    %mul3A_18 = arith.mulf %add3A_14, %mul3A : vector<2048x128xf32>
    %get3A_19 = arith.constant 0 : index
    %get3A_20 = arith.constant 0 : index
    %get3A_21 = vector.load %arg4[%get3A_19, %get3A_20] : memref<1x128xf32, #tpu.memory_space<vmem>>, vector<1x128xf32>
    %add3A_22 = vector.broadcast %get3A_21 : vector<1x128xf32> to vector<2048x128xf32>
    %add3A_23 = arith.addf %mul3A_18, %add3A_22 : vector<2048x128xf32>
    %get3A_24 = arith.constant 0 : index
    %get3A_25 = arith.constant 0 : index
    %get3A_26 = vector.load %arg5[%get3A_24, %get3A_25] : memref<1x2048xi32, #tpu.memory_space<vmem>>, vector<1x2048xi32>
    %iota3A = tpu.iota {dimensions = array<i32: 0>} : vector<64x2048xi32>
    %eq3A_27 = vector.broadcast %get3A_26 : vector<1x2048xi32> to vector<64x2048xi32>
    %eq3A_28 = arith.cmpi eq, %eq3A_27, %iota3A : vector<64x2048xi32>
    %convert_element_type3A_29 = arith.extui %eq3A_28 : vector<64x2048xi1> to vector<64x2048xi32>
    %convert_element_type3A_30 = arith.sitofp %convert_element_type3A_29 : vector<64x2048xi32> to vector<64x2048xf32>
    %get3A_31 = arith.constant 0 : index
    %get3A_32 = arith.constant 0 : index
    %get3A_33 = vector.load %arg9[%get3A_31, %get3A_32] : memref<64x128xf32, #tpu.memory_space<vmem>>, vector<64x128xf32>
    %dot_general3A = arith.constant dense<0.000000e+00> : vector<64x128xf32>
    %dot_general3A_34 = tpu.matmul %convert_element_type3A_30, %add3A_23, %dot_general3A {dimension_numbers = #tpu.dot_dimension_numbers<[1], [0], [0], [1], [0, 0, 1, 1], [], []>, transpose_lhs_hint = false} : vector<64x2048xf32>, vector<2048x128xf32>, vector<64x128xf32> -> vector<64x128xf32>
    %add3A_35 = arith.addf %get3A_33, %dot_general3A_34 : vector<64x128xf32>
    %swap3A = arith.constant 0 : index
    %swap3A_36 = arith.constant 0 : index
    %swap3A_37 = vector.load %arg9[%swap3A, %swap3A_36] : memref<64x128xf32, #tpu.memory_space<vmem>>, vector<64x128xf32>
    tpu.vector_store %arg9[%swap3A, %swap3A_36], %add3A_35 {strides = array<i32>} : memref<64x128xf32, #tpu.memory_space<vmem>>, vector<64x128xf32>,
    %get3A_38 = arith.constant 0 : index
    %get3A_39 = arith.constant 0 : index
    %get3A_40 = vector.load %arg10[%get3A_38, %get3A_39] : memref<64x1xf32, #tpu.memory_space<vmem>>, vector<64x1xf32>
    %reduce_sum3A = arith.constant dense<0.000000e+00> : vector<64xf32>
    %reduce_sum3A_41 = vector.multi_reduction <add>, %convert_element_type3A_30, %reduce_sum3A [1] : vector<64x2048xf32> to vector<64xf32>
    %broadcast_in_dim3A = vector.shape_cast %reduce_sum3A_41 : vector<64xf32> to vector<64x1xf32>
    %add3A_42 = arith.addf %get3A_40, %broadcast_in_dim3A : vector<64x1xf32>
    %swap3A_43 = arith.constant 0 : index
    %swap3A_44 = arith.constant 0 : index
    %swap3A_45 = vector.load %arg10[%swap3A_43, %swap3A_44] : memref<64x1xf32, #tpu.memory_space<vmem>>, vector<64x1xf32>
    tpu.vector_store %arg10[%swap3A_43, %swap3A_44], %add3A_42 {strides = array<i32>} : memref<64x1xf32, #tpu.memory_space<vmem>>, vector<64x1xf32>,
    %eq3A_46 = arith.constant 4 : i32
    %eq3A_47 = arith.cmpi eq, %arg0, %eq3A_46 : i32
    %convert_element_type3A_48 = arith.extui %eq3A_47 : i1 to i32
    %cond3A_49 = arith.constant 0 : i32
    %cond3A_50 = arith.cmpi ne, %convert_element_type3A_48, %cond3A_49 : i32
    scf.if %cond3A_50 {
      %get3A_51 = arith.constant 0 : index
      %get3A_52 = arith.constant 0 : index
      %get3A_53 = vector.load %arg9[%get3A_51, %get3A_52] : memref<64x128xf32, #tpu.memory_space<vmem>>, vector<64x128xf32>
      %get3A_54 = arith.constant 0 : index
      %get3A_55 = arith.constant 0 : index
      %get3A_56 = vector.load %arg10[%get3A_54, %get3A_55] : memref<64x1xf32, #tpu.memory_space<vmem>>, vector<64x1xf32>
      %max3A = arith.constant 1.000000e+00 : f32
      %max3A_57 = vector.broadcast %max3A : f32 to vector<64x1xf32>
      %max3A_58 = arith.maximumf %get3A_56, %max3A_57 : vector<64x1xf32>
      %div3A = vector.broadcast %max3A_58 : vector<64x1xf32> to vector<64x128xf32>
      %div3A_59 = arith.divf %get3A_53, %div3A : vector<64x128xf32>
      %get3A_60 = arith.constant 0 : index
      %get3A_61 = arith.constant 0 : index
      %get3A_62 = vector.load %arg6[%get3A_60, %get3A_61] : memref<128x10xf32, #tpu.memory_space<vmem>>, vector<128x10xf32>
      %dot_general3A_63 = arith.constant dense<0.000000e+00> : vector<64x10xf32>
      %dot_general3A_64 = tpu.matmul %div3A_59, %get3A_62, %dot_general3A_63 {dimension_numbers = #tpu.dot_dimension_numbers<[1], [0], [0], [1], [0, 0, 1, 1], [], []>, transpose_lhs_hint = false} : vector<64x128xf32>, vector<128x10xf32>, vector<64x10xf32> -> vector<64x10xf32>
      %get3A_65 = arith.constant 0 : index
      %get3A_66 = arith.constant 0 : index
      %get3A_67 = vector.load %arg7[%get3A_65, %get3A_66] : memref<1x10xf32, #tpu.memory_space<vmem>>, vector<1x10xf32>
      %add3A_68 = vector.broadcast %get3A_67 : vector<1x10xf32> to vector<64x10xf32>
      %add3A_69 = arith.addf %dot_general3A_64, %add3A_68 : vector<64x10xf32>
      %reduce_max3A = arith.constant dense<0xFF800000> : vector<64xf32>
      %reduce_max3A_70 = vector.multi_reduction <maximumf>, %add3A_69, %reduce_max3A [1] : vector<64x10xf32> to vector<64xf32>
      %broadcast_in_dim3A_71 = vector.shape_cast %reduce_max3A_70 : vector<64xf32> to vector<64x1xf32>
      %sub3A = vector.broadcast %broadcast_in_dim3A_71 : vector<64x1xf32> to vector<64x10xf32>
      %sub3A_72 = arith.subf %add3A_69, %sub3A : vector<64x10xf32>
      %exp3A = math.exp %sub3A_72 : vector<64x10xf32>
      %reduce_sum3A_73 = arith.constant dense<0.000000e+00> : vector<64xf32>
      %reduce_sum3A_74 = vector.multi_reduction <add>, %exp3A, %reduce_sum3A_73 [1] : vector<64x10xf32> to vector<64xf32>
      %broadcast_in_dim3A_75 = vector.shape_cast %reduce_sum3A_74 : vector<64xf32> to vector<64x1xf32>
      %div3A_76 = vector.broadcast %broadcast_in_dim3A_75 : vector<64x1xf32> to vector<64x10xf32>
      %div3A_77 = arith.divf %exp3A, %div3A_76 : vector<64x10xf32>
      %swap3A_78 = arith.constant 0 : index
      %swap3A_79 = arith.constant 0 : index
      %swap3A_80 = vector.load %arg8[%swap3A_78, %swap3A_79] : memref<64x10xf32, #tpu.memory_space<vmem>>, vector<64x10xf32>
      tpu.vector_store %arg8[%swap3A_78, %swap3A_79], %div3A_77 {strides = array<i32>} : memref<64x10xf32, #tpu.memory_space<vmem>>, vector<64x10xf32>,
    } else {
    }
    return
  }
  func.func @transform_0(%arg0: i32) -> (i32, i32, i32) {
    %c0_i32 = arith.constant 0 : i32
    %c0_i32_0 = arith.constant 0 : i32
    %c0_i32_1 = arith.constant 0 : i32
    return %c0_i32, %arg0, %c0_i32_0 : i32, i32, i32
  }
  func.func @transform_1(%arg0: i32) -> (i32, i32) {
    %c0_i32 = arith.constant 0 : i32
    %c0_i32_0 = arith.constant 0 : i32
    return %arg0, %c0_i32 : i32, i32
  }
  func.func @transform_2(%arg0: i32) -> (i32, i32) {
    %c0_i32 = arith.constant 0 : i32
    %c0_i32_0 = arith.constant 0 : i32
    return %arg0, %c0_i32 : i32, i32
  }
  func.func @transform_3(%arg0: i32) -> (i32, i32) {
    %c0_i32 = arith.constant 0 : i32
    %c0_i32_0 = arith.constant 0 : i32
    %c0_i32_1 = arith.constant 0 : i32
    return %c0_i32, %c0_i32_0 : i32, i32
  }
  func.func @transform_4(%arg0: i32) -> (i32, i32) {
    %c0_i32 = arith.constant 0 : i32
    %c0_i32_0 = arith.constant 0 : i32
    return %c0_i32, %arg0 : i32, i32
  }
  func.func @transform_5(%arg0: i32) -> (i32, i32) {
    %c0_i32 = arith.constant 0 : i32
    %c0_i32_0 = arith.constant 0 : i32
    %c0_i32_1 = arith.constant 0 : i32
    return %c0_i32, %c0_i32_0 : i32, i32
  }
  func.func @transform_6(%arg0: i32) -> (i32, i32) {
    %c0_i32 = arith.constant 0 : i32
    %c0_i32_0 = arith.constant 0 : i32
    %c0_i32_1 = arith.constant 0 : i32
    return %c0_i32, %c0_i32_0 : i32, i32
  }
  func.func @transform_7(%arg0: i32) -> (i32, i32) {
    %c0_i32 = arith.constant 0 : i32
    %c0_i32_0 = arith.constant 0 : i32
    %c0_i32_1 = arith.constant 0 : i32
    return %c0_i32, %c0_i32_0 : i32, i32
  }
}

</mosaic_0001>

<sc_bundles>
// kernel: kernel.10.cloned.1.call-start
scs
__scs_entry_jumppad:
0x0: {  	(pc) =	sbr.rel $0x88, $3  }
0x1: {  	(tag) =	ssettag $0x0;
	lr =	simm.s32 $0x1  }
0x2: {  	[smem:$0x3F96] =	sst lr;
	_ =	strace $0xD0000000  }
0x3: {  	_ = 	snop  }
0x4: {  	_ = 	snop  }
0x5: {  	_ = 	snop  }
0x6: {  	_ = 	snop  }
0x7: {  	_ = 	snop  }
__scs_overlays_trampoline_lowered:
0x8: {  	[smem:$0x3FA5] =	sst s0  }
0x9: {  	[smem:$0x3FA6] =	sst s1  }
0xa: {  	[smem:$0x3FA7] =	sst s2  }
0xb: {  	[smem:$0x3FA8] =	sst s3  }
0xc: {  	[smem:$0x3FA9] =	sst s4  }
0xd: {  	[smem:$0x3FAA] =	sst s5  }
0xe: {  	[smem:$0x3FAB] =	sst s6  }
0xf: {  	[smem:$0x3FAC] =	sst s7  }
0x10: {  	[smem:$0x3FAD] =	sst s8  }
0x11: {  	[smem:$0x3FAE] =	sst s9;
	s0 =	simm.s32 @!p0 $0x0  }
0x12: {  	s1 =	sld [smem:$0x3F94];
	s0 =	simm.s32 @p0 $0x1  }
0x13: {  	[smem:$0x3FAF] =	sst s0;
	s0 =	simm.s32 @!p1 $0x0  }
0x14: {  	s2 =	sld [smem:$0x3F93];
	s0 =	simm.s32 @p1 $0x1  }
0x15: {  	[smem:$0x3FB0] =	sst s0;
	s0 =	simm.s32 @!p2 $0x0  }
0x16: {  	s3 =	sld [smem:$0x3FDB];
	s0 =	simm.s32 @p2 $0x1  }
0x17: {  	s4 =	simm.s32 $0x1BF5;
	[smem:$0x3FB2] =	sst s0  }
0x18: {  	s0 =	sld [smem:$0x3F95];
	_ =	swait.ge [sflag:s4], $0x0  }
0x19: {  	s7 =	sld [smem:$0x3F96]  }
0x1a: {  	s8 =	sadd.s32 $0xFFFFE003, lr  }
0x1b: {  	s9 =	sadd.s32 $0xFFFFFEF7, lr;
	s5 =	simm.s32 $0xFFFFFFFF;
	p2 =	slt.u32 s8, $0xFFFFF086  }
0x1c: {  	p1 =	slt.u32 s9, $0xF7A;
	s5 =	simm.s32 @!p2 $0x0  }
0x1d: {  	s5 =	simm.s32 @p1 $0x1;
	p0 =	seq.s32 s7, s2  }
0x1e: {  	s7 =	smul.u32 @!p0 $0xF7A, s2;
	p2 =	seq.s32 @!p0 s5, $0x0  }
0x1f: {  	s9 =	smul.u32 $0xF7A, s1;
	s8 =	simm.s32 @!p0 $0x1BF5;
	p2 =	por !p2, p0  }
0x20: {  	[sflag:s8] =	ssyncset.s32 @!p0 $0xFFFFF086;
	s6 =	sadd.s32 @!p0 s3, s7;
	s7 =	simm.s32 @!p0 $0x108  }
0x21: {  	s3 =	sadd.s32 s3, s9;
	s6 =	sadd.s32 @!p0 $0x88, s6;
	s7 =	simm.s32 @p2 $0x1082  }
0x22: {  	[simem:s7], [sflag:s8] =	dma.local @!p0 [hbm:s6], $0xF7A  }
0x23: {  	s9 =	sor.u32 $0xD0000000, s2;
	s6 =	simm.s32 $0x108;
	_ =	swait.ge @!p0 [sflag:s8], $0x0  }
0x24: {  	s3 =	sadd.s32 $0x88, s3;
	s6 =	simm.s32 @!p1 $0x1082;
	[sflag:s4] =	ssyncset.s32 $0xFFFFF086  }
0x25: {  	[simem:s6], [sflag:s4] =	dma.local [hbm:s3], $0xF7A  }
0x26: {  	[smem:$0x3F96] =	sst s1;
	(tag) =	ssettag s2;
	_ =	strace s9  }
0x27: {  	s1 =	sld [smem:$0x3FA6]  }
0x28: {  	s2 =	sld [smem:$0x3FA7]  }
0x29: {  	s4 =	sld [smem:$0x3FA9]  }
0x2a: {  	p0 =	seq.s32 s5, $0x0;
	s5 =	sld [smem:$0x3FAA]  }
0x2b: {  	s6 =	sld [smem:$0x3FAB]  }
0x2c: {  	s7 =	sld [smem:$0x3FAC]  }
0x2d: {  	s3 =	simm.s32 $0x108;
	s8 =	sld [smem:$0x3FAD]  }
0x2e: {  	s3 =	simm.s32 @!p0 $0x1082;
	s9 =	sld [smem:$0x3FAE]  }
0x2f: {  	lr =	sadd.s32 s0, s3;
	s0 =	sld [smem:$0x3FA5]  }
0x30: {  	s3 =	sld [smem:$0x3FA8]  }
0x31: {  	[smem:$0x3FB1] =	sst s10  }
0x32: {  	s10 =	sld [smem:$0x3FAF];
	_ =	sdelay $0x3  }
0x33: {  	p0 =	seq.s32 s10, $0x1;
	s10 =	sld [smem:$0x3FB1];
	_ =	sdelay $0x3  }
0x34: {  	[smem:$0x3FB1] =	sst s10  }
0x35: {  	s10 =	sld [smem:$0x3FB0];
	_ =	sdelay $0x3  }
0x36: {  	p1 =	seq.s32 s10, $0x1;
	s10 =	sld [smem:$0x3FB1];
	_ =	sdelay $0x3  }
0x37: {  	[smem:$0x3FB1] =	sst s10  }
0x38: {  	s10 =	sld [smem:$0x3FB2]  }
0x39: {  	_ = 	snop;
	(pc) =	sbr.ind lr, $3  }
0x3a: {  	_ = 	snop  }
0x3b: {  	_ = 	snop  }
0x3c: {  	p2 =	seq.s32 s10, $0x1;
	s10 =	sld [smem:$0x3FB1]  }
0x3d: {  	_ =	shalt  }
0x3e: {  	_ =	shalt  }
0x3f: {  	_ =	shalt  }
0x40: {  	_ =	shalt  }
0x41: {  	_ =	shalt  }
0x42: {  	_ =	shalt  }
0x43: {  	_ =	shalt  }
0x44: {  	_ =	shalt  }
0x45: {  	_ =	shalt  }
0x46: {  	_ =	shalt  }
0x47: {  	_ =	shalt  }
0x48: {  	_ =	shalt  }
0x49: {  	_ =	shalt  }
0x4a: {  	_ =	shalt  }
0x4b: {  	_ =	shalt  }
0x4c: {  	_ =	shalt  }
0x4d: {  	_ =	shalt  }
0x4e: {  	_ =	shalt  }
0x4f: {  	_ =	shalt  }
0x50: {  	_ =	shalt  }
0x51: {  	_ =	shalt  }
0x52: {  	_ =	shalt  }
0x53: {  	_ =	shalt  }
0x54: {  	_ =	shalt  }
0x55: {  	_ =	shalt  }
0x56: {  	_ =	shalt  }
0x57: {  	_ =	shalt  }
0x58: {  	_ =	shalt  }
0x59: {  	_ =	shalt  }
0x5a: {  	_ =	shalt  }
0x5b: {  	_ =	shalt  }
0x5c: {  	_ =	shalt  }
0x5d: {  	_ =	shalt  }
0x5e: {  	_ =	shalt  }
0x5f: {  	_ =	shalt  }
0x60: {  	_ =	shalt  }
0x61: {  	_ =	shalt  }
0x62: {  	_ =	shalt  }
0x63: {  	_ =	shalt  }
0x64: {  	_ =	shalt  }
0x65: {  	_ =	shalt  }
0x66: {  	_ =	shalt  }
0x67: {  	_ =	shalt  }
0x68: {  	_ =	shalt  }
0x69: {  	_ =	shalt  }
0x6a: {  	_ =	shalt  }
0x6b: {  	_ =	shalt  }
0x6c: {  	_ =	shalt  }
0x6d: {  	_ =	shalt  }
0x6e: {  	_ =	shalt  }
0x6f: {  	_ =	shalt  }
0x70: {  	_ =	shalt  }
0x71: {  	_ =	shalt  }
0x72: {  	_ =	shalt  }
0x73: {  	_ =	shalt  }
0x74: {  	_ =	shalt  }
0x75: {  	_ =	shalt  }
0x76: {  	_ =	shalt  }
0x77: {  	_ =	shalt  }
0x78: {  	_ =	shalt  }
0x79: {  	_ =	shalt  }
0x7a: {  	_ =	shalt  }
0x7b: {  	_ =	shalt  }
0x7c: {  	_ =	shalt  }
0x7d: {  	_ =	shalt  }
0x7e: {  	_ =	shalt  }
0x7f: {  	_ =	shalt  }
0x80: {  	_ =	shalt  }
0x81: {  	_ =	shalt  }
0x82: {  	_ =	shalt  }
0x83: {  	_ =	shalt  }
0x84: {  	_ =	shalt  }
0x85: {  	_ =	shalt  }
0x86: {  	_ =	shalt  }
0x87: {  	_ =	shalt  }
.Lfunc_end0:
.L_simem_size_0:
called_computation_lowered:
.L_overlay_start_0:
0x88: {  	s2 =	sld [smem:$0x3FD9]  }
0x89: {  	s3 =	sld [smem:$0x3FFE];
	_ =	sdelay $0x1  }
0x8a: {  	s1 =	srdreg.scid  }
0x8b: {  	s0 =	sand.u32 $0x1, s1  }
0x8c: {  	s16 =	sshll.u32 s0, $0xA;
	s2 =	sadd.s32 s3, s2  }
0x8d: {  	s2 =	sadd.s32 s2, s16  }
0x8e: {  	[smem:$0x3FBD] =	sst s2  }
0x8f: {  	_ = 	snop  }
0x90: {  	(tm) =	ssettm $0x1  }
0x91: {  	s17 =	sld [smem:$0x3FFB];
	_ =	sdelay $0x3  }
0x92: {  	_ =	strace s17  }
0x93: {  	s2 =	sld [smem:$0x3FFC];
	_ =	sdelay $0x3  }
0x94: {  	_ =	strace s2  }
0x95: {  	s2 =	sld [smem:$0x3FFD];
	_ =	sdelay $0x3  }
0x96: {  	_ =	strace s2  }
0x97: {  	_ =	strace $0x8FFFFFFF  }
0x98: {  	s18 =	sld [smem:$0x3FDB];
	_ =	sdelay $0x1  }
0x99: {  	s19 =	simm.s32 $_scs_section_size  }
0x9a: {  	s4 =	simm.s32 $_size__tile_overlayer_lowered;
	s5 =	simm.s32 $_tile_overlayer_lowered  }
0x9b: {  	s22 =	simm.s32 $0x1BFF;
	s21 =	sshll.u32 s5, $0x1;
	s2 =	sadd.s32 s19, s18  }
0x9c: {  	s6 =	simm.s32 $0x0;
	s20 =	sshll.u32 s4, $0x1;
	s4 =	sadd.s32 s21, s2  }
0x9d: {  	[timem:s6], [sflag:s22] =	dma.local [hbm:s4], s20  }
0x9e: {  	_ =	swait.ge [sflag:s22], s20  }
0x9f: {  	s3 =	ssub.s32 $0x0, s20;
	[sflag:s22] =	ssyncset.done $0x0  }
0xa0: {  	[sflag:s22] =	ssyncadd.s32 s3;
	_ =	sdelay $0x1  }
0xa1: {  	s23 =	simm.s32 $0x1B8B  }
0xa2: {  	_ =	swait.ge [sflag:s23], $0x1  }
0xa3: {  	[sflag:s23] =	ssyncset.done $0x0  }
0xa4: {  	s25 =	simm.s32 $0x1B8E;
	s24 =	sld [smem:$0x3FFE];
	[sflag:s23] =	ssyncadd.s32 $0xFFFFFFFF  }
0xa5: {  	s26 =	simm.s32 $execute0_lowered;
	[smem:$0x3FD2] =	sst s25  }
0xa6: {  	s4 =	sshll.u32 s26, $0x1;
	_ =	strace $0x80000046;
	[dreg:$0x1] =	wrdreg $0xFFFFFFFF  }
0xa7: {  	s28 =	simm.s32 $_size_execute0_lowered;
	s2 =	sadd.s32 s2, s4;
	[dreg:$0x0] =	wrdreg $0x0  }
0xa8: {  	s4 =	sshll.u32 s28, $0x1;
	[dreg:$0x2] =	wrdreg s2  }
0xa9: {  	[dreg:$0x3] =	wrdreg s4  }
0xaa: {  	[dreg:$0x4] =	wrdreg $0xC0  }
0xab: {  	_ =	task [dreg:s6], $0x5FFFF  }
0xac: {  	[dreg:$0x1] =	wrdreg $0xFFFFFFFF  }
0xad: {  	[dreg:$0x0] =	wrdreg $0x60  }
0xae: {  	[dreg:$0x2] =	wrdreg s24  }
0xaf: {  	[dreg:$0x3] =	wrdreg $0x68000  }
0xb0: {  	[dreg:$0x4] =	wrdreg $0x9  }
0xb1: {  	_ =	task.clear_ibuf [dreg:s6], $0x5FFFF;
	_ =	strace $0x90000046  }
0xb2: {  	s29 =	simm.s32 $0x9;
	_ =	strace $0x80000048  }
0xb3: {  	_ =	swait.ge [sflag:s29], $0x1  }
0xb4: {  	[sflag:s29] =	ssyncadd.s32 $0xFFFFFFFF  }
0xb5: {  	_ =	strace $0x90000048  }
0xb6: {  	_ =	sfence  }
0xb7: {  	s30 =	sld [smem:$0x0];
	_ =	sdelay $0x2  }
0xb8: {  	s31 =	sshll.u32 s1, $0xD;
	s1 =	sshrl.u32 s1, $0x2  }
0xb9: {  	s3 =	sand.u32 $0x4000, s31;
	s1 =	sadd.s32 s1, s30  }
0xba: {  	s0 =	sor.u32 s3, s0;
	s1 =	sshll.u32 s1, $0x11  }
0xbb: {  	s0 =	sor.u32 s1, s0  }
0xbc: {  	s0 =	sadd.s32 $0x8F2B, s0  }
0xbd: {  	[sflag:s0] =	ssyncadd.remote.s32 $0x1  }
0xbe: {  	_ =	sfence.sel $0xFFFF  }
0xbf: {  	[dreg:$0x0] =	wrdreg $0xFFFFFFFF;
	(pc) =	sbr.abs _section_cstart, $3  }
0xc0: {  	[dreg:$0x1] =	wrdreg $0xFFFFFFFF  }
0xc1: {  	_ =	task.clear_ibuf [dreg:s6], $0x2FFFF;
	_ =	strace $0x9FFFFFFF  }
0xc2: {  	(tm) =	ssettm $0x7FFFFFFF  }
0xc3: {  	_ =	shalt  }
tec
execute0_lowered:
.L_overlay_start_1:
0x0: {  	(tag) =	ssettag $0x1  }
0x1: {  	s1 =	srdreg.scid;
	s5 =	rddreg [dreg:$0x0]  }
0x2: {  	s0 =	stileid.u32;
	s2 =	rddreg [dreg:$0x1];
	s3 =	simm.s32 $0x0  }
0x3: {  	s14 =	simm.s32 $0x0;
	s4 =	sand.u32 $0x1, s1;
	s1 =	rddreg [dreg:$0x2]  }
0x4: {  	s25 =	sshll.u32 s0, $0x1;
	s7 =	smul.u32 $0x14000, s0;
	[smem:$0x7FF] =	sst s3  }
0x5: {  	s29 =	smul.u32 $0x50000, s0;
	s31 =	sshll.u32 s0, $0x6;
	s6 =	sor.u32 s4, s25  }
0x6: {  	s9 =	smul.u32 $0x140000, s4;
	_ =	strace $0x80000047;
	s28 =	ssub.s32 $0x2, s4  }
0x7: {  	s4 =	sadd.s32 $0x3F400, s5;
	s6 =	smul.u32 $0x500, s6;
	s8 =	sshrl.u32 s7, $0x3  }
0x8: {  	s11 =	sshrl.u32 s28, $0x1;
	s30 =	sshrl.u32 s29, $0x2;
	s26 =	sadd.s32 s8, s5  }
0x9: {  	s7 =	sadd.s32 s7, s9;
	s11 =	ssub.s32 s28, s11;
	s13 =	sadd.s32 s30, s2  }
0xa: {  	s10 =	sadd.s32 s6, s5;
	s7 =	sshrl.u32 s7, $0x3;
	s6 =	sor.u32 $0x1C01, s31  }
0xb: {  	s9 =	smax.u32 s11, $0x1;
	s11 =	simm.s32 $0x1;
	s12 =	sadd.s32 s7, s5  }
0xc: {  	s5 =	sadd.s32 $0x17400, s26;
	s7 =	sadd.s32 $0xD400, s10;
	s10 =	sshrl.u32 s13, $0x3  }
0xd: {  	s13 =	simm.s32 $0x80;
	s8 =	sadd.s32 $0x3FC00, s12;
	s12 =	simm.s32 $0x2800  }
.LBB2_1:
0xe: {  	[spmem:s10], [sflag:s6] =	dma.local [hbm:s5], $0x2800  }
0xf: {  	_ =	swait.ge [sflag:s11], $0x2800  }
0x10: {  	[sflag:s11] =	ssyncset.done $0x0  }
0x11: {  	[sflag:s11] =	ssyncadd.s32 $0xFFFFD800  }
0x12: {  	[tilespmem:s12], [sflag:$0x1] =	stream.linear.gather [hbm4b:s4+s3], $0x4000, $0x38;
	[tilespmem:$0x1A800] =	vst v63  }
0x13: {  	_ =	swait.ge [sflag:s11], $0x4000  }
0x14: {  	[sflag:s11] =	ssyncset.done $0x0  }
0x15: {  	[sflag:s11] =	ssyncadd.s32 $0xFFFFC000  }
0x16: {  	[tilespmem:s3], [sflag:$0x1] =	stream.linear.gather [hbm4b:s7+s3], $0x2800, $0x38;
	[tilespmem:$0x1A800] =	vst v63  }
0x17: {  	_ =	swait.ge [sflag:s11], $0x2800  }
0x18: {  	[sflag:s11] =	ssyncset.done $0x0  }
0x19: {  	[sflag:s11] =	ssyncadd.s32 $0xFFFFD800  }
0x1a: {  	s15 =	simm.s32 $0x0;
	[bflag:$0x0] =	sbarrier.arrive $0xFFFF  }
0x1b: {  	[spmem:s2] =	stream.indirect.scatter.add.f32 [tilespmem:s12], [sflag:$0x1], $0x80, s15, s13, $0xb8;
	[tilespmem:$0x1A800] =	vst v63  }
0x1c: {  	_ =	swait.ge [sflag:s11], $0x4000  }
0x1d: {  	s15 =	simm.s32 $0x200;
	[sflag:s11] =	ssyncset.done $0x0  }
.LBB2_2:
0x1e: {  	s16 =	sshra.s32 s15, $0x2;
	[sflag:s11] =	ssyncadd.s32 $0xFFFFC000;
	p0 =	sne.s32 s15, $0x9E00  }
0x1f: {  	[spmem:s2] =	stream.indirect.scatter.add.f32 [tilespmem:s12], [sflag:$0x1], $0x80, s16, s13, $0xb8;
	[tilespmem:$0x1A800] =	vst v63  }
.Ltmp0:
0x20: {  	_ = 	snop;
	(pc) =	sbr.rel @p0 .LBB2_2-.Ltmp0, $4  }
0x21: {  	_ = 	snop  }
0x22: {  	s15 =	sadd.s32 $0x200, s15  }
0x23: {  	_ =	swait.ge [sflag:s11], $0x4000  }
0x24: {  	[sflag:s11] =	ssyncset.done $0x0  }
0x25: {  	s14 =	sadd.s32 $0x1, s14  }
0x26: {  	[sflag:s11] =	ssyncadd.s32 $0xFFFFC000;
	p0 =	sne.s32 s14, s9  }
.Ltmp1:
0x27: {  	[bflag:$0x0] =	sbarrier.arrive $0xFFFF;
	(pc) =	sbr.rel @p0 .LBB2_1-.Ltmp1, $4  }
0x28: {  	[hbm:s8], [sflag:s6] =	dma.local [spmem:s10], $0x2800  }
0x29: {  	_ =	swait.ge [sflag:s11], $0x2800  }
0x2a: {  	[sflag:s11] =	ssyncset.done $0x0  }
0x2b: {  	[sflag:s11] =	ssyncadd.s32 $0xFFFFD800  }
0x2c: {  	_ =	sfence.sel $0x180000  }
0x2d: {  	[bflag:$0x0] =	sbarrier.arrive $0xFFFF  }
0x2e: {  	p0 =	sne.s32 s0, $0x0;
	_ =	strace $0x90000047  }
0x2f: {  	s0 =	sadd.s32 @!p0 $0x100000, s1;
	[bflag:$0x2] =	sbarrier.arrive $0xFFFF  }
0x30: {  	[sflag:s0] =	ssyncadd.tile.s32 @!p0 $0x1;
	_ =	shalt  }
.Lfunc_end2:
_tile_overlayer_lowered:
.L_overlay_start_2:
0x31: {  	(tag) =	ssettag $0x2  }
0x32: {  	s0 =	rddreg [dreg:$0x0];
	s2 =	stileid.u32  }
0x33: {  	s1 =	rddreg [dreg:$0x1];
	p0 =	sne.s32 s2, $0x0  }
0x34: {  	s3 =	rddreg [dreg:$0x2];
	[bflag:$0x3] =	sbarrier.arrive $0xFFFF;
	s2 =	simm.s32 @!p0 $0x1C01  }
0x35: {  	[timem:s3], [sflag:s2] =	dma.local @!p0 [hbm:s0], s1  }
0x36: {  	s0 =	simm.s32 @!p0 $0x1  }
0x37: {  	_ =	swait.ge @!p0 [sflag:s0], s1  }
0x38: {  	s1 =	ssub.s32 @!p0 $0x0, s1;
	[sflag:s0] =	ssyncset.done @!p0 $0x0  }
0x39: {  	[sflag:s0] =	ssyncadd.s32 @!p0 s1  }
0x3a: {  	[bflag:$0x3] =	sbarrier.arrive $0xFFFF  }
0x3b: {  	_ =	shalt  }

// kernel: kernel.13.cloned.1.call-start
scs
__scs_entry_jumppad:
0x0: {  	(pc) =	sbr.rel $0x88, $3  }
0x1: {  	(tag) =	ssettag $0x0;
	lr =	simm.s32 $0x1  }
0x2: {  	[smem:$0x3F96] =	sst lr;
	_ =	strace $0xD0000000  }
0x3: {  	_ = 	snop  }
0x4: {  	_ = 	snop  }
0x5: {  	_ = 	snop  }
0x6: {  	_ = 	snop  }
0x7: {  	_ = 	snop  }
__scs_overlays_trampoline_lowered:
0x8: {  	[smem:$0x3FA5] =	sst s0  }
0x9: {  	[smem:$0x3FA6] =	sst s1  }
0xa: {  	[smem:$0x3FA7] =	sst s2  }
0xb: {  	[smem:$0x3FA8] =	sst s3  }
0xc: {  	[smem:$0x3FA9] =	sst s4  }
0xd: {  	[smem:$0x3FAA] =	sst s5  }
0xe: {  	[smem:$0x3FAB] =	sst s6  }
0xf: {  	[smem:$0x3FAC] =	sst s7  }
0x10: {  	[smem:$0x3FAD] =	sst s8  }
0x11: {  	[smem:$0x3FAE] =	sst s9;
	s0 =	simm.s32 @!p0 $0x0  }
0x12: {  	s1 =	sld [smem:$0x3F94];
	s0 =	simm.s32 @p0 $0x1  }
0x13: {  	[smem:$0x3FAF] =	sst s0;
	s0 =	simm.s32 @!p1 $0x0  }
0x14: {  	s2 =	sld [smem:$0x3F93];
	s0 =	simm.s32 @p1 $0x1  }
0x15: {  	[smem:$0x3FB0] =	sst s0;
	s0 =	simm.s32 @!p2 $0x0  }
0x16: {  	s3 =	sld [smem:$0x3FDB];
	s0 =	simm.s32 @p2 $0x1  }
0x17: {  	s4 =	simm.s32 $0x1BF5;
	[smem:$0x3FB2] =	sst s0  }
0x18: {  	s0 =	sld [smem:$0x3F95];
	_ =	swait.ge [sflag:s4], $0x0  }
0x19: {  	s7 =	sld [smem:$0x3F96]  }
0x1a: {  	s8 =	sadd.s32 $0xFFFFE003, lr  }
0x1b: {  	s9 =	sadd.s32 $0xFFFFFEF7, lr;
	s5 =	simm.s32 $0xFFFFFFFF;
	p2 =	slt.u32 s8, $0xFFFFF086  }
0x1c: {  	p1 =	slt.u32 s9, $0xF7A;
	s5 =	simm.s32 @!p2 $0x0  }
0x1d: {  	s5 =	simm.s32 @p1 $0x1;
	p0 =	seq.s32 s7, s2  }
0x1e: {  	s7 =	smul.u32 @!p0 $0xF7A, s2;
	p2 =	seq.s32 @!p0 s5, $0x0  }
0x1f: {  	s9 =	smul.u32 $0xF7A, s1;
	s8 =	simm.s32 @!p0 $0x1BF5;
	p2 =	por !p2, p0  }
0x20: {  	[sflag:s8] =	ssyncset.s32 @!p0 $0xFFFFF086;
	s6 =	sadd.s32 @!p0 s3, s7;
	s7 =	simm.s32 @!p0 $0x108  }
0x21: {  	s3 =	sadd.s32 s3, s9;
	s6 =	sadd.s32 @!p0 $0x88, s6;
	s7 =	simm.s32 @p2 $0x1082  }
0x22: {  	[simem:s7], [sflag:s8] =	dma.local @!p0 [hbm:s6], $0xF7A  }
0x23: {  	s9 =	sor.u32 $0xD0000000, s2;
	s6 =	simm.s32 $0x108;
	_ =	swait.ge @!p0 [sflag:s8], $0x0  }
0x24: {  	s3 =	sadd.s32 $0x88, s3;
	s6 =	simm.s32 @!p1 $0x1082;
	[sflag:s4] =	ssyncset.s32 $0xFFFFF086  }
0x25: {  	[simem:s6], [sflag:s4] =	dma.local [hbm:s3], $0xF7A  }
0x26: {  	[smem:$0x3F96] =	sst s1;
	(tag) =	ssettag s2;
	_ =	strace s9  }
0x27: {  	s1 =	sld [smem:$0x3FA6]  }
0x28: {  	s2 =	sld [smem:$0x3FA7]  }
0x29: {  	s4 =	sld [smem:$0x3FA9]  }
0x2a: {  	p0 =	seq.s32 s5, $0x0;
	s5 =	sld [smem:$0x3FAA]  }
0x2b: {  	s6 =	sld [smem:$0x3FAB]  }
0x2c: {  	s7 =	sld [smem:$0x3FAC]  }
0x2d: {  	s3 =	simm.s32 $0x108;
	s8 =	sld [smem:$0x3FAD]  }
0x2e: {  	s3 =	simm.s32 @!p0 $0x1082;
	s9 =	sld [smem:$0x3FAE]  }
0x2f: {  	lr =	sadd.s32 s0, s3;
	s0 =	sld [smem:$0x3FA5]  }
0x30: {  	s3 =	sld [smem:$0x3FA8]  }
0x31: {  	[smem:$0x3FB1] =	sst s10  }
0x32: {  	s10 =	sld [smem:$0x3FAF];
	_ =	sdelay $0x3  }
0x33: {  	p0 =	seq.s32 s10, $0x1;
	s10 =	sld [smem:$0x3FB1];
	_ =	sdelay $0x3  }
0x34: {  	[smem:$0x3FB1] =	sst s10  }
0x35: {  	s10 =	sld [smem:$0x3FB0];
	_ =	sdelay $0x3  }
0x36: {  	p1 =	seq.s32 s10, $0x1;
	s10 =	sld [smem:$0x3FB1];
	_ =	sdelay $0x3  }
0x37: {  	[smem:$0x3FB1] =	sst s10  }
0x38: {  	s10 =	sld [smem:$0x3FB2]  }
0x39: {  	_ = 	snop;
	(pc) =	sbr.ind lr, $3  }
0x3a: {  	_ = 	snop  }
0x3b: {  	_ = 	snop  }
0x3c: {  	p2 =	seq.s32 s10, $0x1;
	s10 =	sld [smem:$0x3FB1]  }
0x3d: {  	_ =	shalt  }
0x3e: {  	_ =	shalt  }
0x3f: {  	_ =	shalt  }
0x40: {  	_ =	shalt  }
0x41: {  	_ =	shalt  }
0x42: {  	_ =	shalt  }
0x43: {  	_ =	shalt  }
0x44: {  	_ =	shalt  }
0x45: {  	_ =	shalt  }
0x46: {  	_ =	shalt  }
0x47: {  	_ =	shalt  }
0x48: {  	_ =	shalt  }
0x49: {  	_ =	shalt  }
0x4a: {  	_ =	shalt  }
0x4b: {  	_ =	shalt  }
0x4c: {  	_ =	shalt  }
0x4d: {  	_ =	shalt  }
0x4e: {  	_ =	shalt  }
0x4f: {  	_ =	shalt  }
0x50: {  	_ =	shalt  }
0x51: {  	_ =	shalt  }
0x52: {  	_ =	shalt  }
0x53: {  	_ =	shalt  }
0x54: {  	_ =	shalt  }
0x55: {  	_ =	shalt  }
0x56: {  	_ =	shalt  }
0x57: {  	_ =	shalt  }
0x58: {  	_ =	shalt  }
0x59: {  	_ =	shalt  }
0x5a: {  	_ =	shalt  }
0x5b: {  	_ =	shalt  }
0x5c: {  	_ =	shalt  }
0x5d: {  	_ =	shalt  }
0x5e: {  	_ =	shalt  }
0x5f: {  	_ =	shalt  }
0x60: {  	_ =	shalt  }
0x61: {  	_ =	shalt  }
0x62: {  	_ =	shalt  }
0x63: {  	_ =	shalt  }
0x64: {  	_ =	shalt  }
0x65: {  	_ =	shalt  }
0x66: {  	_ =	shalt  }
0x67: {  	_ =	shalt  }
0x68: {  	_ =	shalt  }
0x69: {  	_ =	shalt  }
0x6a: {  	_ =	shalt  }
0x6b: {  	_ =	shalt  }
0x6c: {  	_ =	shalt  }
0x6d: {  	_ =	shalt  }
0x6e: {  	_ =	shalt  }
0x6f: {  	_ =	shalt  }
0x70: {  	_ =	shalt  }
0x71: {  	_ =	shalt  }
0x72: {  	_ =	shalt  }
0x73: {  	_ =	shalt  }
0x74: {  	_ =	shalt  }
0x75: {  	_ =	shalt  }
0x76: {  	_ =	shalt  }
0x77: {  	_ =	shalt  }
0x78: {  	_ =	shalt  }
0x79: {  	_ =	shalt  }
0x7a: {  	_ =	shalt  }
0x7b: {  	_ =	shalt  }
0x7c: {  	_ =	shalt  }
0x7d: {  	_ =	shalt  }
0x7e: {  	_ =	shalt  }
0x7f: {  	_ =	shalt  }
0x80: {  	_ =	shalt  }
0x81: {  	_ =	shalt  }
0x82: {  	_ =	shalt  }
0x83: {  	_ =	shalt  }
0x84: {  	_ =	shalt  }
0x85: {  	_ =	shalt  }
0x86: {  	_ =	shalt  }
0x87: {  	_ =	shalt  }
.Lfunc_end0:
.L_simem_size_0:
called_computation.1_lowered:
.L_overlay_start_0:
0x88: {  	s2 =	sld [smem:$0x3FD9]  }
0x89: {  	s3 =	sld [smem:$0x3FFE];
	_ =	sdelay $0x1  }
0x8a: {  	s1 =	srdreg.scid  }
0x8b: {  	s0 =	sand.u32 $0x1, s1  }
0x8c: {  	s16 =	sshll.u32 s0, $0xA;
	s2 =	sadd.s32 s3, s2  }
0x8d: {  	s2 =	sadd.s32 s2, s16  }
0x8e: {  	[smem:$0x3FBD] =	sst s2  }
0x8f: {  	_ = 	snop  }
0x90: {  	(tm) =	ssettm $0x1  }
0x91: {  	s17 =	sld [smem:$0x3FFB];
	_ =	sdelay $0x3  }
0x92: {  	_ =	strace s17  }
0x93: {  	s2 =	sld [smem:$0x3FFC];
	_ =	sdelay $0x3  }
0x94: {  	_ =	strace s2  }
0x95: {  	s2 =	sld [smem:$0x3FFD];
	_ =	sdelay $0x3  }
0x96: {  	_ =	strace s2  }
0x97: {  	_ =	strace $0x8FFFFFFF  }
0x98: {  	s18 =	sld [smem:$0x3FDB];
	_ =	sdelay $0x1  }
0x99: {  	s19 =	simm.s32 $_scs_section_size  }
0x9a: {  	s4 =	simm.s32 $_size__tile_overlayer_lowered;
	s5 =	simm.s32 $_tile_overlayer_lowered  }
0x9b: {  	s22 =	simm.s32 $0x1BFF;
	s21 =	sshll.u32 s5, $0x1;
	s2 =	sadd.s32 s19, s18  }
0x9c: {  	s6 =	simm.s32 $0x0;
	s20 =	sshll.u32 s4, $0x1;
	s4 =	sadd.s32 s21, s2  }
0x9d: {  	[timem:s6], [sflag:s22] =	dma.local [hbm:s4], s20  }
0x9e: {  	_ =	swait.ge [sflag:s22], s20  }
0x9f: {  	s3 =	ssub.s32 $0x0, s20;
	[sflag:s22] =	ssyncset.done $0x0  }
0xa0: {  	[sflag:s22] =	ssyncadd.s32 s3;
	_ =	sdelay $0x1  }
0xa1: {  	s23 =	simm.s32 $0x1B8B  }
0xa2: {  	_ =	swait.ge [sflag:s23], $0x1  }
0xa3: {  	[sflag:s23] =	ssyncset.done $0x0  }
0xa4: {  	s25 =	simm.s32 $0x1B8E;
	s24 =	sld [smem:$0x3FFE];
	[sflag:s23] =	ssyncadd.s32 $0xFFFFFFFF  }
0xa5: {  	s26 =	simm.s32 $execute0_lowered;
	[smem:$0x3FD2] =	sst s25  }
0xa6: {  	s4 =	sshll.u32 s26, $0x1;
	_ =	strace $0x80000049;
	[dreg:$0x1] =	wrdreg $0xFFFFFFFF  }
0xa7: {  	s28 =	simm.s32 $_size_execute0_lowered;
	s2 =	sadd.s32 s2, s4;
	[dreg:$0x0] =	wrdreg $0x0  }
0xa8: {  	s4 =	sshll.u32 s28, $0x1;
	[dreg:$0x2] =	wrdreg s2  }
0xa9: {  	[dreg:$0x3] =	wrdreg s4  }
0xaa: {  	[dreg:$0x4] =	wrdreg $0xC0  }
0xab: {  	_ =	task [dreg:s6], $0x5FFFF  }
0xac: {  	[dreg:$0x1] =	wrdreg $0xFFFFFFFF  }
0xad: {  	[dreg:$0x0] =	wrdreg $0x60  }
0xae: {  	[dreg:$0x2] =	wrdreg s24  }
0xaf: {  	[dreg:$0x3] =	wrdreg $0xA8000  }
0xb0: {  	[dreg:$0x4] =	wrdreg $0x9  }
0xb1: {  	_ =	task.clear_ibuf [dreg:s6], $0x5FFFF;
	_ =	strace $0x90000049  }
0xb2: {  	s29 =	simm.s32 $0x9;
	_ =	strace $0x8000004B  }
0xb3: {  	_ =	swait.ge [sflag:s29], $0x1  }
0xb4: {  	[sflag:s29] =	ssyncadd.s32 $0xFFFFFFFF  }
0xb5: {  	_ =	strace $0x9000004B  }
0xb6: {  	_ =	sfence  }
0xb7: {  	s30 =	sld [smem:$0x0];
	_ =	sdelay $0x2  }
0xb8: {  	s31 =	sshll.u32 s1, $0xD;
	s1 =	sshrl.u32 s1, $0x2  }
0xb9: {  	s3 =	sand.u32 $0x4000, s31;
	s1 =	sadd.s32 s1, s30  }
0xba: {  	s0 =	sor.u32 s3, s0;
	s1 =	sshll.u32 s1, $0x11  }
0xbb: {  	s0 =	sor.u32 s1, s0  }
0xbc: {  	s0 =	sadd.s32 $0x8F2B, s0  }
0xbd: {  	[sflag:s0] =	ssyncadd.remote.s32 $0x1  }
0xbe: {  	_ =	sfence.sel $0xFFFF  }
0xbf: {  	[dreg:$0x0] =	wrdreg $0xFFFFFFFF;
	(pc) =	sbr.abs _section_cstart, $3  }
0xc0: {  	[dreg:$0x1] =	wrdreg $0xFFFFFFFF  }
0xc1: {  	_ =	task.clear_ibuf [dreg:s6], $0x2FFFF;
	_ =	strace $0x9FFFFFFF  }
0xc2: {  	(tm) =	ssettm $0x7FFFFFFF  }
0xc3: {  	_ =	shalt  }
tec
execute0_lowered:
.L_overlay_start_1:
0x0: {  	(tag) =	ssettag $0x1  }
0x1: {  	s5 =	rddreg [dreg:$0x0]  }
0x2: {  	s2 =	rddreg [dreg:$0x1]  }
0x3: {  	s0 =	rddreg [dreg:$0x2];
	s3 =	simm.s32 $0x0  }
0x4: {  	s1 =	stileid.u32;
	s4 =	srdreg.scid;
	s17 =	simm.s32 $0x2800  }
0x5: {  	s18 =	simm.s32 $0x6800;
	s19 =	simm.s32 $0x1;
	s20 =	simm.s32 $0x2  }
0x6: {  	s21 =	simm.s32 $0x1380;
	s22 =	simm.s32 $0x2700;
	s23 =	simm.s32 $0x2780  }
0x7: {  	s24 =	simm.s32 $0x0;
	[smem:$0x7FF] =	sst s3;
	s6 =	smul.u32 $0x14000, s1  }
0x8: {  	s7 =	sand.u32 $0x1, s4;
	s4 =	sadd.s32 $0x3F400, s5;
	s10 =	sadd.s32 $0x3400, s5  }
0x9: {  	s11 =	sadd.s32 $0xD400, s5;
	s25 =	sshll.u32 s1, $0x1;
	s12 =	smul.u32 $0x50000, s1  }
0xa: {  	s28 =	sshll.u32 s1, $0x6;
	_ =	strace $0x8000004A;
	s9 =	smul.u32 $0x140000, s7  }
0xb: {  	s13 =	ssub.s32 $0x2, s7;
	s7 =	sor.u32 s7, s25;
	s8 =	sshrl.u32 s6, $0x3  }
0xc: {  	s26 =	sshrl.u32 s13, $0x1;
	s12 =	sshrl.u32 s12, $0x2;
	s14 =	smul.u32 $0x2800, s7  }
0xd: {  	s29 =	smul.u32 $0x500, s7;
	s8 =	sadd.s32 s8, s5;
	s6 =	sadd.s32 s6, s9  }
0xe: {  	s13 =	ssub.s32 s13, s26;
	s16 =	sadd.s32 s12, s2;
	s6 =	sshrl.u32 s6, $0x3  }
0xf: {  	s30 =	sshrl.u32 s14, $0x3;
	s7 =	sadd.s32 s10, s29;
	s12 =	smax.u32 s13, $0x1  }
0x10: {  	s13 =	sshrl.u32 s16, $0x3;
	s14 =	simm.s32 $0x3;
	s16 =	simm.s32 $0x80  }
0x11: {  	s15 =	sadd.s32 s6, s5;
	s5 =	sadd.s32 $0x17400, s8;
	s31 =	sadd.s32 $0x280, s30  }
0x12: {  	s6 =	sor.u32 $0x1C03, s28;
	s8 =	sadd.s32 s11, s29;
	s9 =	sadd.s32 s10, s31  }
0x13: {  	s10 =	sadd.s32 s11, s31;
	s11 =	sadd.s32 $0x67400, s15;
	s15 =	simm.s32 $0x1400  }
.LBB2_1:
0x14: {  	[spmem:s13], [sflag:s6] =	dma.local [hbm:s5], $0x2800  }
0x15: {  	_ =	swait.ge [sflag:s14], $0x2800  }
0x16: {  	[sflag:s14] =	ssyncset.done $0x0  }
0x17: {  	[sflag:s14] =	ssyncadd.s32 $0xFFFFD800  }
0x18: {  	[bflag:$0x0] =	sbarrier.arrive $0xFFFF  }
0x19: {  	[tilespmem:s3], [sflag:$0x3] =	stream.linear.gather [hbm4b:s7+s3], $0x1400, $0x38;
	[tilespmem:$0x1E800] =	vst v63  }
0x1a: {  	_ =	swait.ge [sflag:s14], $0x1400  }
0x1b: {  	[sflag:s14] =	ssyncset.done $0x0  }
0x1c: {  	[sflag:s14] =	ssyncadd.s32 $0xFFFFEC00  }
0x1d: {  	[tilespmem:s15], [sflag:$0x3] =	stream.linear.gather [hbm4b:s8+s3], $0x1400, $0x38;
	[tilespmem:$0x1E800] =	vst v63  }
0x1e: {  	_ =	swait.ge [sflag:s14], $0x1400  }
0x1f: {  	[sflag:s14] =	ssyncset.done $0x0  }
0x20: {  	[sflag:s14] =	ssyncadd.s32 $0xFFFFEC00  }
0x21: {  	[tilespmem:s17], [sflag:$0x1] =	stream.indirect.gather [hbm4b:s4+s16], $0x80, s3, s16, $0xb8;
	[tilespmem:$0x1E800] =	vst v63  }
0x22: {  	s25 =	simm.s32 $0x80  }
0x23: {  	[tilespmem:s18], [sflag:$0x2] =	stream.indirect.gather [hbm4b:s4+s16], $0x80, s25, s16, $0xb8;
	[tilespmem:$0x1E800] =	vst v63  }
0x24: {  	_ =	swait.ge [sflag:s19], $0x4000  }
0x25: {  	[sflag:s19] =	ssyncset.done $0x0  }
0x26: {  	s29 =	simm.s32 $0x1400;
	[sflag:s19] =	ssyncadd.s32 $0xFFFFC000  }
0x27: {  	[spmem:s2] =	stream.indirect.scatter.add.f32 [tilespmem:s17], [sflag:$0x3], $0x80, s29, s16, $0xb8;
	[tilespmem:$0x1E800] =	vst v63  }
0x28: {  	_ =	swait.ge [sflag:s14], $0x4000  }
0x29: {  	[sflag:s14] =	ssyncset.done $0x0  }
0x2a: {  	s30 =	simm.s32 $0x100;
	[sflag:s14] =	ssyncadd.s32 $0xFFFFC000  }
0x2b: {  	[tilespmem:s17], [sflag:$0x1] =	stream.indirect.gather [hbm4b:s4+s16], $0x80, s30, s16, $0xb8;
	[tilespmem:$0x1E800] =	vst v63  }
0x2c: {  	_ =	swait.ge [sflag:s20], $0x4000  }
0x2d: {  	[sflag:s20] =	ssyncset.done $0x0  }
0x2e: {  	s31 =	simm.s32 $0x1480;
	[sflag:s20] =	ssyncadd.s32 $0xFFFFC000  }
0x2f: {  	[spmem:s2] =	stream.indirect.scatter.add.f32 [tilespmem:s18], [sflag:$0x3], $0x80, s31, s16, $0xb8;
	[tilespmem:$0x1E800] =	vst v63  }
0x30: {  	_ =	swait.ge [sflag:s14], $0x4000  }
0x31: {  	s26 =	simm.s32 $0x800;
	s25 =	simm.s32 $0x100;
	[sflag:s14] =	ssyncset.done $0x0  }
.LBB2_2:
0x32: {  	s28 =	sadd.s32 $0x80, s25  }
0x33: {  	[sflag:s14] =	ssyncadd.s32 $0xFFFFC000;
	s29 =	smov.u32 s26;
	s30 =	sadd.s32 $0x400, s26  }
0x34: {  	[tilespmem:s18], [sflag:$0x2] =	stream.indirect.gather [hbm4b:s4+s16], $0x80, s28, s16, $0xb8;
	[tilespmem:$0x1E800] =	vst v63  }
0x35: {  	p0 =	sne.s32 s26, $0x4800;
	_ =	swait.ge [sflag:s19], $0x4000  }
0x36: {  	[sflag:s19] =	ssyncset.done $0x0  }
0x37: {  	s26 =	sadd.s32 $0x1400, s25;
	[sflag:s19] =	ssyncadd.s32 $0xFFFFC000  }
0x38: {  	[spmem:s2] =	stream.indirect.scatter.add.f32 [tilespmem:s17], [sflag:$0x3], $0x80, s26, s16, $0xb8;
	[tilespmem:$0x1E800] =	vst v63  }
0x39: {  	_ =	swait.ge [sflag:s14], $0x4000  }
0x3a: {  	[sflag:s14] =	ssyncset.done $0x0  }
0x3b: {  	s26 =	sadd.s32 $0x100, s25;
	[sflag:s14] =	ssyncadd.s32 $0xFFFFC000  }
0x3c: {  	[tilespmem:s17], [sflag:$0x1] =	stream.indirect.gather [hbm4b:s4+s16], $0x80, s26, s16, $0xb8;
	[tilespmem:$0x1E800] =	vst v63  }
0x3d: {  	_ =	swait.ge [sflag:s20], $0x4000  }
.Ltmp0:
0x3e: {  	[sflag:s20] =	ssyncset.done $0x0;
	(pc) =	sbr.rel @p0 .LBB2_2-.Ltmp0, $4  }
0x3f: {  	s25 =	sadd.s32 $0x1480, s25;
	[sflag:s20] =	ssyncadd.s32 $0xFFFFC000  }
0x40: {  	[spmem:s2] =	stream.indirect.scatter.add.f32 [tilespmem:s18], [sflag:$0x3], $0x80, s25, s16, $0xb8;
	[tilespmem:$0x1E800] =	vst v63  }
0x41: {  	_ =	swait.ge [sflag:s14], $0x4000  }
0x42: {  	s26 =	smov.u32 s30;
	s25 =	sshra.s32 s29, $0x2;
	[sflag:s14] =	ssyncset.done $0x0  }
0x43: {  	s26 =	sadd.s32 $0x80, s25;
	[sflag:s14] =	ssyncadd.s32 $0xFFFFC000  }
0x44: {  	[tilespmem:s18], [sflag:$0x2] =	stream.indirect.gather [hbm4b:s4+s16], $0x80, s26, s16, $0xb8;
	[tilespmem:$0x1E800] =	vst v63  }
0x45: {  	_ =	swait.ge [sflag:s19], $0x4000  }
0x46: {  	[sflag:s19] =	ssyncset.done $0x0  }
0x47: {  	s29 =	sadd.s32 $0x1400, s25;
	[sflag:s19] =	ssyncadd.s32 $0xFFFFC000  }
0x48: {  	[spmem:s2] =	stream.indirect.scatter.add.f32 [tilespmem:s17], [sflag:$0x3], $0x80, s29, s16, $0xb8;
	[tilespmem:$0x1E800] =	vst v63  }
0x49: {  	_ =	swait.ge [sflag:s14], $0x4000  }
0x4a: {  	[sflag:s14] =	ssyncset.done $0x0  }
0x4b: {  	s30 =	sadd.s32 $0x100, s25;
	[sflag:s14] =	ssyncadd.s32 $0xFFFFC000  }
0x4c: {  	[tilespmem:s17], [sflag:$0x1] =	stream.indirect.gather [hbm4b:s4+s16], $0x80, s30, s16, $0xb8;
	[tilespmem:$0x1E800] =	vst v63  }
0x4d: {  	_ =	swait.ge [sflag:s20], $0x4000  }
0x4e: {  	[sflag:s20] =	ssyncset.done $0x0  }
0x4f: {  	s31 =	sadd.s32 $0x1480, s25;
	[sflag:s20] =	ssyncadd.s32 $0xFFFFC000  }
0x50: {  	[spmem:s2] =	stream.indirect.scatter.add.f32 [tilespmem:s18], [sflag:$0x3], $0x80, s31, s16, $0xb8;
	[tilespmem:$0x1E800] =	vst v63  }
0x51: {  	_ =	swait.ge [sflag:s14], $0x4000  }
0x52: {  	[sflag:s14] =	ssyncset.done $0x0  }
0x53: {  	[sflag:s14] =	ssyncadd.s32 $0xFFFFC000  }
0x54: {  	[tilespmem:s18], [sflag:$0x2] =	stream.indirect.gather [hbm4b:s4+s16], $0x80, s21, s16, $0xb8;
	[tilespmem:$0x1E800] =	vst v63  }
0x55: {  	_ =	swait.ge [sflag:s19], $0x4000  }
0x56: {  	[sflag:s19] =	ssyncset.done $0x0  }
0x57: {  	[sflag:s19] =	ssyncadd.s32 $0xFFFFC000  }
0x58: {  	[spmem:s2] =	stream.indirect.scatter.add.f32 [tilespmem:s17], [sflag:$0x3], $0x80, s22, s16, $0xb8;
	[tilespmem:$0x1E800] =	vst v63  }
0x59: {  	_ =	swait.ge [sflag:s14], $0x4000  }
0x5a: {  	[sflag:s14] =	ssyncset.done $0x0  }
0x5b: {  	[sflag:s14] =	ssyncadd.s32 $0xFFFFC000  }
0x5c: {  	_ =	swait.ge [sflag:s20], $0x4000  }
0x5d: {  	[sflag:s20] =	ssyncset.done $0x0  }
0x5e: {  	[sflag:s20] =	ssyncadd.s32 $0xFFFFC000  }
0x5f: {  	[spmem:s2] =	stream.indirect.scatter.add.f32 [tilespmem:s18], [sflag:$0x3], $0x80, s23, s16, $0xb8;
	[tilespmem:$0x1E800] =	vst v63  }
0x60: {  	_ =	swait.ge [sflag:s14], $0x4000  }
0x61: {  	[sflag:s14] =	ssyncset.done $0x0  }
0x62: {  	s26 =	simm.s32 $0x0;
	[sflag:s14] =	ssyncadd.s32 $0xFFFFC000  }
0x63: {  	[tilespmem:s26], [sflag:$0x3] =	stream.linear.gather [hbm4b:s9+s26], $0x1400, $0x38;
	[tilespmem:$0x1E800] =	vst v63  }
0x64: {  	_ =	swait.ge [sflag:s14], $0x1400  }
0x65: {  	[sflag:s14] =	ssyncset.done $0x0  }
0x66: {  	[sflag:s14] =	ssyncadd.s32 $0xFFFFEC00  }
0x67: {  	[tilespmem:s15], [sflag:$0x3] =	stream.linear.gather [hbm4b:s10+s26], $0x1400, $0x38;
	[tilespmem:$0x1E800] =	vst v63  }
0x68: {  	_ =	swait.ge [sflag:s14], $0x1400  }
0x69: {  	[sflag:s14] =	ssyncset.done $0x0  }
0x6a: {  	[sflag:s14] =	ssyncadd.s32 $0xFFFFEC00  }
0x6b: {  	[tilespmem:s17], [sflag:$0x1] =	stream.indirect.gather [hbm4b:s4+s16], $0x80, s26, s16, $0xb8;
	[tilespmem:$0x1E800] =	vst v63  }
0x6c: {  	s28 =	simm.s32 $0x80  }
0x6d: {  	[tilespmem:s18], [sflag:$0x2] =	stream.indirect.gather [hbm4b:s4+s16], $0x80, s28, s16, $0xb8;
	[tilespmem:$0x1E800] =	vst v63  }
0x6e: {  	_ =	swait.ge [sflag:s19], $0x4000  }
0x6f: {  	[sflag:s19] =	ssyncset.done $0x0  }
0x70: {  	s29 =	simm.s32 $0x1400;
	[sflag:s19] =	ssyncadd.s32 $0xFFFFC000  }
0x71: {  	[spmem:s2] =	stream.indirect.scatter.add.f32 [tilespmem:s17], [sflag:$0x3], $0x80, s29, s16, $0xb8;
	[tilespmem:$0x1E800] =	vst v63  }
0x72: {  	_ =	swait.ge [sflag:s14], $0x4000  }
0x73: {  	[sflag:s14] =	ssyncset.done $0x0  }
0x74: {  	s30 =	simm.s32 $0x100;
	[sflag:s14] =	ssyncadd.s32 $0xFFFFC000  }
0x75: {  	[tilespmem:s17], [sflag:$0x1] =	stream.indirect.gather [hbm4b:s4+s16], $0x80, s30, s16, $0xb8;
	[tilespmem:$0x1E800] =	vst v63  }
0x76: {  	_ =	swait.ge [sflag:s20], $0x4000  }
0x77: {  	[sflag:s20] =	ssyncset.done $0x0  }
0x78: {  	s31 =	simm.s32 $0x1480;
	[sflag:s20] =	ssyncadd.s32 $0xFFFFC000  }
0x79: {  	[spmem:s2] =	stream.indirect.scatter.add.f32 [tilespmem:s18], [sflag:$0x3], $0x80, s31, s16, $0xb8;
	[tilespmem:$0x1E800] =	vst v63  }
0x7a: {  	_ =	swait.ge [sflag:s14], $0x4000  }
0x7b: {  	s25 =	simm.s32 $0x100;
	s26 =	simm.s32 $0x800;
	[sflag:s14] =	ssyncset.done $0x0  }
.LBB2_4:
0x7c: {  	s28 =	sadd.s32 $0x80, s25  }
0x7d: {  	[sflag:s14] =	ssyncadd.s32 $0xFFFFC000;
	s29 =	smov.u32 s26;
	s30 =	sadd.s32 $0x400, s26  }
0x7e: {  	[tilespmem:s18], [sflag:$0x2] =	stream.indirect.gather [hbm4b:s4+s16], $0x80, s28, s16, $0xb8;
	[tilespmem:$0x1E800] =	vst v63  }
0x7f: {  	p0 =	sne.s32 s26, $0x4800;
	_ =	swait.ge [sflag:s19], $0x4000  }
0x80: {  	[sflag:s19] =	ssyncset.done $0x0  }
0x81: {  	s26 =	sadd.s32 $0x1400, s25;
	[sflag:s19] =	ssyncadd.s32 $0xFFFFC000  }
0x82: {  	[spmem:s2] =	stream.indirect.scatter.add.f32 [tilespmem:s17], [sflag:$0x3], $0x80, s26, s16, $0xb8;
	[tilespmem:$0x1E800] =	vst v63  }
0x83: {  	_ =	swait.ge [sflag:s14], $0x4000  }
0x84: {  	[sflag:s14] =	ssyncset.done $0x0  }
0x85: {  	s26 =	sadd.s32 $0x100, s25;
	[sflag:s14] =	ssyncadd.s32 $0xFFFFC000  }
0x86: {  	[tilespmem:s17], [sflag:$0x1] =	stream.indirect.gather [hbm4b:s4+s16], $0x80, s26, s16, $0xb8;
	[tilespmem:$0x1E800] =	vst v63  }
0x87: {  	_ =	swait.ge [sflag:s20], $0x4000  }
.Ltmp1:
0x88: {  	[sflag:s20] =	ssyncset.done $0x0;
	(pc) =	sbr.rel @p0 .LBB2_4-.Ltmp1, $4  }
0x89: {  	s25 =	sadd.s32 $0x1480, s25;
	[sflag:s20] =	ssyncadd.s32 $0xFFFFC000  }
0x8a: {  	[spmem:s2] =	stream.indirect.scatter.add.f32 [tilespmem:s18], [sflag:$0x3], $0x80, s25, s16, $0xb8;
	[tilespmem:$0x1E800] =	vst v63  }
0x8b: {  	_ =	swait.ge [sflag:s14], $0x4000  }
0x8c: {  	s26 =	smov.u32 s30;
	s25 =	sshra.s32 s29, $0x2;
	[sflag:s14] =	ssyncset.done $0x0  }
0x8d: {  	s26 =	sadd.s32 $0x80, s25;
	[sflag:s14] =	ssyncadd.s32 $0xFFFFC000  }
0x8e: {  	[tilespmem:s18], [sflag:$0x2] =	stream.indirect.gather [hbm4b:s4+s16], $0x80, s26, s16, $0xb8;
	[tilespmem:$0x1E800] =	vst v63  }
0x8f: {  	_ =	swait.ge [sflag:s19], $0x4000  }
0x90: {  	[sflag:s19] =	ssyncset.done $0x0  }
0x91: {  	s29 =	sadd.s32 $0x1400, s25;
	[sflag:s19] =	ssyncadd.s32 $0xFFFFC000  }
0x92: {  	[spmem:s2] =	stream.indirect.scatter.add.f32 [tilespmem:s17], [sflag:$0x3], $0x80, s29, s16, $0xb8;
	[tilespmem:$0x1E800] =	vst v63  }
0x93: {  	_ =	swait.ge [sflag:s14], $0x4000  }
0x94: {  	[sflag:s14] =	ssyncset.done $0x0  }
0x95: {  	s30 =	sadd.s32 $0x100, s25;
	[sflag:s14] =	ssyncadd.s32 $0xFFFFC000  }
0x96: {  	[tilespmem:s17], [sflag:$0x1] =	stream.indirect.gather [hbm4b:s4+s16], $0x80, s30, s16, $0xb8;
	[tilespmem:$0x1E800] =	vst v63  }
0x97: {  	_ =	swait.ge [sflag:s20], $0x4000  }
0x98: {  	[sflag:s20] =	ssyncset.done $0x0  }
0x99: {  	s31 =	sadd.s32 $0x1480, s25;
	[sflag:s20] =	ssyncadd.s32 $0xFFFFC000  }
0x9a: {  	[spmem:s2] =	stream.indirect.scatter.add.f32 [tilespmem:s18], [sflag:$0x3], $0x80, s31, s16, $0xb8;
	[tilespmem:$0x1E800] =	vst v63  }
0x9b: {  	_ =	swait.ge [sflag:s14], $0x4000  }
0x9c: {  	[sflag:s14] =	ssyncset.done $0x0  }
0x9d: {  	[sflag:s14] =	ssyncadd.s32 $0xFFFFC000  }
0x9e: {  	[tilespmem:s18], [sflag:$0x2] =	stream.indirect.gather [hbm4b:s4+s16], $0x80, s21, s16, $0xb8;
	[tilespmem:$0x1E800] =	vst v63  }
0x9f: {  	_ =	swait.ge [sflag:s19], $0x4000  }
0xa0: {  	[sflag:s19] =	ssyncset.done $0x0  }
0xa1: {  	[sflag:s19] =	ssyncadd.s32 $0xFFFFC000  }
0xa2: {  	[spmem:s2] =	stream.indirect.scatter.add.f32 [tilespmem:s17], [sflag:$0x3], $0x80, s22, s16, $0xb8;
	[tilespmem:$0x1E800] =	vst v63  }
0xa3: {  	_ =	swait.ge [sflag:s14], $0x4000  }
0xa4: {  	[sflag:s14] =	ssyncset.done $0x0  }
0xa5: {  	[sflag:s14] =	ssyncadd.s32 $0xFFFFC000  }
0xa6: {  	_ =	swait.ge [sflag:s20], $0x4000  }
0xa7: {  	[sflag:s20] =	ssyncset.done $0x0  }
0xa8: {  	[sflag:s20] =	ssyncadd.s32 $0xFFFFC000  }
0xa9: {  	[spmem:s2] =	stream.indirect.scatter.add.f32 [tilespmem:s18], [sflag:$0x3], $0x80, s23, s16, $0xb8;
	[tilespmem:$0x1E800] =	vst v63  }
0xaa: {  	_ =	swait.ge [sflag:s14], $0x4000  }
0xab: {  	s24 =	sadd.s32 $0x1, s24;
	[sflag:s14] =	ssyncset.done $0x0  }
0xac: {  	p0 =	sne.s32 s24, s12;
	[sflag:s14] =	ssyncadd.s32 $0xFFFFC000  }
.Ltmp2:
0xad: {  	[bflag:$0x0] =	sbarrier.arrive $0xFFFF;
	(pc) =	sbr.rel @p0 .LBB2_1-.Ltmp2, $4  }
0xae: {  	[hbm:s11], [sflag:s6] =	dma.local [spmem:s13], $0x2800  }
0xaf: {  	_ =	swait.ge [sflag:s14], $0x2800  }
0xb0: {  	[sflag:s14] =	ssyncset.done $0x0  }
0xb1: {  	[sflag:s14] =	ssyncadd.s32 $0xFFFFD800  }
0xb2: {  	_ =	sfence.sel $0x180000  }
0xb3: {  	[bflag:$0x0] =	sbarrier.arrive $0xFFFF  }
0xb4: {  	p0 =	sne.s32 s1, $0x0;
	_ =	strace $0x9000004A  }
0xb5: {  	s0 =	sadd.s32 @!p0 $0x100000, s0;
	[bflag:$0x2] =	sbarrier.arrive $0xFFFF  }
0xb6: {  	[sflag:s0] =	ssyncadd.tile.s32 @!p0 $0x1;
	_ =	shalt  }
.Lfunc_end2:
_tile_overlayer_lowered:
.L_overlay_start_2:
0xb7: {  	(tag) =	ssettag $0x2  }
0xb8: {  	s0 =	rddreg [dreg:$0x0];
	s2 =	stileid.u32  }
0xb9: {  	s1 =	rddreg [dreg:$0x1];
	p0 =	sne.s32 s2, $0x0  }
0xba: {  	s3 =	rddreg [dreg:$0x2];
	[bflag:$0x3] =	sbarrier.arrive $0xFFFF;
	s2 =	simm.s32 @!p0 $0x1C03  }
0xbb: {  	[timem:s3], [sflag:s2] =	dma.local @!p0 [hbm:s0], s1  }
0xbc: {  	s0 =	simm.s32 @!p0 $0x3  }
0xbd: {  	_ =	swait.ge @!p0 [sflag:s0], s1  }
0xbe: {  	s1 =	ssub.s32 @!p0 $0x0, s1;
	[sflag:s0] =	ssyncset.done @!p0 $0x0  }
0xbf: {  	[sflag:s0] =	ssyncadd.s32 @!p0 s1  }
0xc0: {  	[bflag:$0x3] =	sbarrier.arrive $0xFFFF  }
0xc1: {  	_ =	shalt  }

// kernel: kernel.16.cloned.1.call-start
scs
__scs_entry_jumppad:
0x0: {  	(pc) =	sbr.rel $0x88, $3  }
0x1: {  	(tag) =	ssettag $0x0;
	lr =	simm.s32 $0x1  }
0x2: {  	[smem:$0x3F96] =	sst lr;
	_ =	strace $0xD0000000  }
0x3: {  	_ = 	snop  }
0x4: {  	_ = 	snop  }
0x5: {  	_ = 	snop  }
0x6: {  	_ = 	snop  }
0x7: {  	_ = 	snop  }
__scs_overlays_trampoline_lowered:
0x8: {  	[smem:$0x3FA5] =	sst s0  }
0x9: {  	[smem:$0x3FA6] =	sst s1  }
0xa: {  	[smem:$0x3FA7] =	sst s2  }
0xb: {  	[smem:$0x3FA8] =	sst s3  }
0xc: {  	[smem:$0x3FA9] =	sst s4  }
0xd: {  	[smem:$0x3FAA] =	sst s5  }
0xe: {  	[smem:$0x3FAB] =	sst s6  }
0xf: {  	[smem:$0x3FAC] =	sst s7  }
0x10: {  	[smem:$0x3FAD] =	sst s8  }
0x11: {  	[smem:$0x3FAE] =	sst s9;
	s0 =	simm.s32 @!p0 $0x0  }
0x12: {  	s1 =	sld [smem:$0x3F94];
	s0 =	simm.s32 @p0 $0x1  }
0x13: {  	[smem:$0x3FAF] =	sst s0;
	s0 =	simm.s32 @!p1 $0x0  }
0x14: {  	s2 =	sld [smem:$0x3F93];
	s0 =	simm.s32 @p1 $0x1  }
0x15: {  	[smem:$0x3FB0] =	sst s0;
	s0 =	simm.s32 @!p2 $0x0  }
0x16: {  	s3 =	sld [smem:$0x3FDB];
	s0 =	simm.s32 @p2 $0x1  }
0x17: {  	s4 =	simm.s32 $0x1BF5;
	[smem:$0x3FB2] =	sst s0  }
0x18: {  	s0 =	sld [smem:$0x3F95];
	_ =	swait.ge [sflag:s4], $0x0  }
0x19: {  	s7 =	sld [smem:$0x3F96]  }
0x1a: {  	s8 =	sadd.s32 $0xFFFFE003, lr  }
0x1b: {  	s9 =	sadd.s32 $0xFFFFFEF7, lr;
	s5 =	simm.s32 $0xFFFFFFFF;
	p2 =	slt.u32 s8, $0xFFFFF086  }
0x1c: {  	p1 =	slt.u32 s9, $0xF7A;
	s5 =	simm.s32 @!p2 $0x0  }
0x1d: {  	s5 =	simm.s32 @p1 $0x1;
	p0 =	seq.s32 s7, s2  }
0x1e: {  	s7 =	smul.u32 @!p0 $0xF7A, s2;
	p2 =	seq.s32 @!p0 s5, $0x0  }
0x1f: {  	s9 =	smul.u32 $0xF7A, s1;
	s8 =	simm.s32 @!p0 $0x1BF5;
	p2 =	por !p2, p0  }
0x20: {  	[sflag:s8] =	ssyncset.s32 @!p0 $0xFFFFF086;
	s6 =	sadd.s32 @!p0 s3, s7;
	s7 =	simm.s32 @!p0 $0x108  }
0x21: {  	s3 =	sadd.s32 s3, s9;
	s6 =	sadd.s32 @!p0 $0x88, s6;
	s7 =	simm.s32 @p2 $0x1082  }
0x22: {  	[simem:s7], [sflag:s8] =	dma.local @!p0 [hbm:s6], $0xF7A  }
0x23: {  	s9 =	sor.u32 $0xD0000000, s2;
	s6 =	simm.s32 $0x108;
	_ =	swait.ge @!p0 [sflag:s8], $0x0  }
0x24: {  	s3 =	sadd.s32 $0x88, s3;
	s6 =	simm.s32 @!p1 $0x1082;
	[sflag:s4] =	ssyncset.s32 $0xFFFFF086  }
0x25: {  	[simem:s6], [sflag:s4] =	dma.local [hbm:s3], $0xF7A  }
0x26: {  	[smem:$0x3F96] =	sst s1;
	(tag) =	ssettag s2;
	_ =	strace s9  }
0x27: {  	s1 =	sld [smem:$0x3FA6]  }
0x28: {  	s2 =	sld [smem:$0x3FA7]  }
0x29: {  	s4 =	sld [smem:$0x3FA9]  }
0x2a: {  	p0 =	seq.s32 s5, $0x0;
	s5 =	sld [smem:$0x3FAA]  }
0x2b: {  	s6 =	sld [smem:$0x3FAB]  }
0x2c: {  	s7 =	sld [smem:$0x3FAC]  }
0x2d: {  	s3 =	simm.s32 $0x108;
	s8 =	sld [smem:$0x3FAD]  }
0x2e: {  	s3 =	simm.s32 @!p0 $0x1082;
	s9 =	sld [smem:$0x3FAE]  }
0x2f: {  	lr =	sadd.s32 s0, s3;
	s0 =	sld [smem:$0x3FA5]  }
0x30: {  	s3 =	sld [smem:$0x3FA8]  }
0x31: {  	[smem:$0x3FB1] =	sst s10  }
0x32: {  	s10 =	sld [smem:$0x3FAF];
	_ =	sdelay $0x3  }
0x33: {  	p0 =	seq.s32 s10, $0x1;
	s10 =	sld [smem:$0x3FB1];
	_ =	sdelay $0x3  }
0x34: {  	[smem:$0x3FB1] =	sst s10  }
0x35: {  	s10 =	sld [smem:$0x3FB0];
	_ =	sdelay $0x3  }
0x36: {  	p1 =	seq.s32 s10, $0x1;
	s10 =	sld [smem:$0x3FB1];
	_ =	sdelay $0x3  }
0x37: {  	[smem:$0x3FB1] =	sst s10  }
0x38: {  	s10 =	sld [smem:$0x3FB2]  }
0x39: {  	_ = 	snop;
	(pc) =	sbr.ind lr, $3  }
0x3a: {  	_ = 	snop  }
0x3b: {  	_ = 	snop  }
0x3c: {  	p2 =	seq.s32 s10, $0x1;
	s10 =	sld [smem:$0x3FB1]  }
0x3d: {  	_ =	shalt  }
0x3e: {  	_ =	shalt  }
0x3f: {  	_ =	shalt  }
0x40: {  	_ =	shalt  }
0x41: {  	_ =	shalt  }
0x42: {  	_ =	shalt  }
0x43: {  	_ =	shalt  }
0x44: {  	_ =	shalt  }
0x45: {  	_ =	shalt  }
0x46: {  	_ =	shalt  }
0x47: {  	_ =	shalt  }
0x48: {  	_ =	shalt  }
0x49: {  	_ =	shalt  }
0x4a: {  	_ =	shalt  }
0x4b: {  	_ =	shalt  }
0x4c: {  	_ =	shalt  }
0x4d: {  	_ =	shalt  }
0x4e: {  	_ =	shalt  }
0x4f: {  	_ =	shalt  }
0x50: {  	_ =	shalt  }
0x51: {  	_ =	shalt  }
0x52: {  	_ =	shalt  }
0x53: {  	_ =	shalt  }
0x54: {  	_ =	shalt  }
0x55: {  	_ =	shalt  }
0x56: {  	_ =	shalt  }
0x57: {  	_ =	shalt  }
0x58: {  	_ =	shalt  }
0x59: {  	_ =	shalt  }
0x5a: {  	_ =	shalt  }
0x5b: {  	_ =	shalt  }
0x5c: {  	_ =	shalt  }
0x5d: {  	_ =	shalt  }
0x5e: {  	_ =	shalt  }
0x5f: {  	_ =	shalt  }
0x60: {  	_ =	shalt  }
0x61: {  	_ =	shalt  }
0x62: {  	_ =	shalt  }
0x63: {  	_ =	shalt  }
0x64: {  	_ =	shalt  }
0x65: {  	_ =	shalt  }
0x66: {  	_ =	shalt  }
0x67: {  	_ =	shalt  }
0x68: {  	_ =	shalt  }
0x69: {  	_ =	shalt  }
0x6a: {  	_ =	shalt  }
0x6b: {  	_ =	shalt  }
0x6c: {  	_ =	shalt  }
0x6d: {  	_ =	shalt  }
0x6e: {  	_ =	shalt  }
0x6f: {  	_ =	shalt  }
0x70: {  	_ =	shalt  }
0x71: {  	_ =	shalt  }
0x72: {  	_ =	shalt  }
0x73: {  	_ =	shalt  }
0x74: {  	_ =	shalt  }
0x75: {  	_ =	shalt  }
0x76: {  	_ =	shalt  }
0x77: {  	_ =	shalt  }
0x78: {  	_ =	shalt  }
0x79: {  	_ =	shalt  }
0x7a: {  	_ =	shalt  }
0x7b: {  	_ =	shalt  }
0x7c: {  	_ =	shalt  }
0x7d: {  	_ =	shalt  }
0x7e: {  	_ =	shalt  }
0x7f: {  	_ =	shalt  }
0x80: {  	_ =	shalt  }
0x81: {  	_ =	shalt  }
0x82: {  	_ =	shalt  }
0x83: {  	_ =	shalt  }
0x84: {  	_ =	shalt  }
0x85: {  	_ =	shalt  }
0x86: {  	_ =	shalt  }
0x87: {  	_ =	shalt  }
.Lfunc_end0:
.L_simem_size_0:
called_computation.2_lowered:
.L_overlay_start_0:
0x88: {  	s2 =	sld [smem:$0x3FD9]  }
0x89: {  	s3 =	sld [smem:$0x3FFE];
	_ =	sdelay $0x1  }
0x8a: {  	s1 =	srdreg.scid  }
0x8b: {  	s0 =	sand.u32 $0x1, s1  }
0x8c: {  	s16 =	sshll.u32 s0, $0xA;
	s2 =	sadd.s32 s3, s2  }
0x8d: {  	s2 =	sadd.s32 s2, s16  }
0x8e: {  	[smem:$0x3FBD] =	sst s2  }
0x8f: {  	_ = 	snop  }
0x90: {  	(tm) =	ssettm $0x1  }
0x91: {  	s17 =	sld [smem:$0x3FFB];
	_ =	sdelay $0x3  }
0x92: {  	_ =	strace s17  }
0x93: {  	s2 =	sld [smem:$0x3FFC];
	_ =	sdelay $0x3  }
0x94: {  	_ =	strace s2  }
0x95: {  	s2 =	sld [smem:$0x3FFD];
	_ =	sdelay $0x3  }
0x96: {  	_ =	strace s2  }
0x97: {  	_ =	strace $0x8FFFFFFF  }
0x98: {  	s18 =	sld [smem:$0x3FDB];
	_ =	sdelay $0x1  }
0x99: {  	s19 =	simm.s32 $_scs_section_size  }
0x9a: {  	s4 =	simm.s32 $_size__tile_overlayer_lowered;
	s5 =	simm.s32 $_tile_overlayer_lowered  }
0x9b: {  	s22 =	simm.s32 $0x1BFF;
	s21 =	sshll.u32 s5, $0x1;
	s2 =	sadd.s32 s19, s18  }
0x9c: {  	s6 =	simm.s32 $0x0;
	s20 =	sshll.u32 s4, $0x1;
	s4 =	sadd.s32 s21, s2  }
0x9d: {  	[timem:s6], [sflag:s22] =	dma.local [hbm:s4], s20  }
0x9e: {  	_ =	swait.ge [sflag:s22], s20  }
0x9f: {  	s3 =	ssub.s32 $0x0, s20;
	[sflag:s22] =	ssyncset.done $0x0  }
0xa0: {  	[sflag:s22] =	ssyncadd.s32 s3;
	_ =	sdelay $0x1  }
0xa1: {  	s23 =	simm.s32 $0x1B8B  }
0xa2: {  	_ =	swait.ge [sflag:s23], $0x1  }
0xa3: {  	[sflag:s23] =	ssyncset.done $0x0  }
0xa4: {  	s25 =	simm.s32 $0x1B8E;
	s24 =	sld [smem:$0x3FFE];
	[sflag:s23] =	ssyncadd.s32 $0xFFFFFFFF  }
0xa5: {  	s26 =	simm.s32 $execute0_lowered;
	[smem:$0x3FD2] =	sst s25  }
0xa6: {  	s4 =	sshll.u32 s26, $0x1;
	_ =	strace $0x8000004C;
	[dreg:$0x1] =	wrdreg $0xFFFFFFFF  }
0xa7: {  	s28 =	simm.s32 $_size_execute0_lowered;
	s2 =	sadd.s32 s2, s4;
	[dreg:$0x0] =	wrdreg $0x0  }
0xa8: {  	s4 =	sshll.u32 s28, $0x1;
	[dreg:$0x2] =	wrdreg s2  }
0xa9: {  	[dreg:$0x3] =	wrdreg s4  }
0xaa: {  	[dreg:$0x4] =	wrdreg $0xC0  }
0xab: {  	_ =	task [dreg:s6], $0x5FFFF  }
0xac: {  	[dreg:$0x1] =	wrdreg $0xFFFFFFFF  }
0xad: {  	[dreg:$0x0] =	wrdreg $0x60  }
0xae: {  	[dreg:$0x2] =	wrdreg s24  }
0xaf: {  	[dreg:$0x3] =	wrdreg $0xA8000  }
0xb0: {  	[dreg:$0x4] =	wrdreg $0x9  }
0xb1: {  	_ =	task.clear_ibuf [dreg:s6], $0x5FFFF;
	_ =	strace $0x9000004C  }
0xb2: {  	s29 =	simm.s32 $0x9;
	_ =	strace $0x8000004E  }
0xb3: {  	_ =	swait.ge [sflag:s29], $0x1  }
0xb4: {  	[sflag:s29] =	ssyncadd.s32 $0xFFFFFFFF  }
0xb5: {  	_ =	strace $0x9000004E  }
0xb6: {  	_ =	sfence  }
0xb7: {  	s30 =	sld [smem:$0x0];
	_ =	sdelay $0x2  }
0xb8: {  	s31 =	sshll.u32 s1, $0xD;
	s1 =	sshrl.u32 s1, $0x2  }
0xb9: {  	s3 =	sand.u32 $0x4000, s31;
	s1 =	sadd.s32 s1, s30  }
0xba: {  	s0 =	sor.u32 s3, s0;
	s1 =	sshll.u32 s1, $0x11  }
0xbb: {  	s0 =	sor.u32 s1, s0  }
0xbc: {  	s0 =	sadd.s32 $0x8F2B, s0  }
0xbd: {  	[sflag:s0] =	ssyncadd.remote.s32 $0x1  }
0xbe: {  	_ =	sfence.sel $0xFFFF  }
0xbf: {  	[dreg:$0x0] =	wrdreg $0xFFFFFFFF;
	(pc) =	sbr.abs _section_cstart, $3  }
0xc0: {  	[dreg:$0x1] =	wrdreg $0xFFFFFFFF  }
0xc1: {  	_ =	task.clear_ibuf [dreg:s6], $0x2FFFF;
	_ =	strace $0x9FFFFFFF  }
0xc2: {  	(tm) =	ssettm $0x7FFFFFFF  }
0xc3: {  	_ =	shalt  }
tec
execute0_lowered:
.L_overlay_start_1:
0x0: {  	(tag) =	ssettag $0x1  }
0x1: {  	s5 =	rddreg [dreg:$0x0]  }
0x2: {  	s2 =	rddreg [dreg:$0x1]  }
0x3: {  	s0 =	rddreg [dreg:$0x2];
	s3 =	simm.s32 $0x0  }
0x4: {  	s1 =	stileid.u32;
	s4 =	srdreg.scid;
	s17 =	simm.s32 $0x2800  }
0x5: {  	s18 =	simm.s32 $0x6800;
	s19 =	simm.s32 $0x1;
	s20 =	simm.s32 $0x2  }
0x6: {  	s21 =	simm.s32 $0x1380;
	s22 =	simm.s32 $0x2700;
	s23 =	simm.s32 $0x2780  }
0x7: {  	s24 =	simm.s32 $0x0;
	[smem:$0x7FF] =	sst s3;
	s6 =	smul.u32 $0x14000, s1  }
0x8: {  	s7 =	sand.u32 $0x1, s4;
	s4 =	sadd.s32 $0x3F400, s5;
	s10 =	sadd.s32 $0x3400, s5  }
0x9: {  	s11 =	sadd.s32 $0xD400, s5;
	s25 =	sshll.u32 s1, $0x1;
	s12 =	smul.u32 $0x50000, s1  }
0xa: {  	s28 =	sshll.u32 s1, $0x6;
	_ =	strace $0x8000004D;
	s9 =	smul.u32 $0x140000, s7  }
0xb: {  	s13 =	ssub.s32 $0x2, s7;
	s7 =	sor.u32 s7, s25;
	s8 =	sshrl.u32 s6, $0x3  }
0xc: {  	s26 =	sshrl.u32 s13, $0x1;
	s12 =	sshrl.u32 s12, $0x2;
	s14 =	smul.u32 $0x2800, s7  }
0xd: {  	s29 =	smul.u32 $0x500, s7;
	s8 =	sadd.s32 s8, s5;
	s6 =	sadd.s32 s6, s9  }
0xe: {  	s13 =	ssub.s32 s13, s26;
	s16 =	sadd.s32 s12, s2;
	s6 =	sshrl.u32 s6, $0x3  }
0xf: {  	s30 =	sshrl.u32 s14, $0x3;
	s7 =	sadd.s32 s10, s29;
	s12 =	smax.u32 s13, $0x1  }
0x10: {  	s13 =	sshrl.u32 s16, $0x3;
	s14 =	simm.s32 $0x3;
	s16 =	simm.s32 $0x80  }
0x11: {  	s15 =	sadd.s32 s6, s5;
	s5 =	sadd.s32 $0x17400, s8;
	s31 =	sadd.s32 $0x280, s30  }
0x12: {  	s6 =	sor.u32 $0x1C03, s28;
	s8 =	sadd.s32 s11, s29;
	s9 =	sadd.s32 s10, s31  }
0x13: {  	s10 =	sadd.s32 s11, s31;
	s11 =	sadd.s32 $0x67400, s15;
	s15 =	simm.s32 $0x1400  }
.LBB2_1:
0x14: {  	[spmem:s13], [sflag:s6] =	dma.local [hbm:s5], $0x2800  }
0x15: {  	_ =	swait.ge [sflag:s14], $0x2800  }
0x16: {  	[sflag:s14] =	ssyncset.done $0x0  }
0x17: {  	[sflag:s14] =	ssyncadd.s32 $0xFFFFD800  }
0x18: {  	[bflag:$0x0] =	sbarrier.arrive $0xFFFF  }
0x19: {  	[tilespmem:s3], [sflag:$0x3] =	stream.linear.gather [hbm4b:s7+s3], $0x1400, $0x38;
	[tilespmem:$0x1E800] =	vst v63  }
0x1a: {  	_ =	swait.ge [sflag:s14], $0x1400  }
0x1b: {  	[sflag:s14] =	ssyncset.done $0x0  }
0x1c: {  	[sflag:s14] =	ssyncadd.s32 $0xFFFFEC00  }
0x1d: {  	[tilespmem:s15], [sflag:$0x3] =	stream.linear.gather [hbm4b:s8+s3], $0x1400, $0x38;
	[tilespmem:$0x1E800] =	vst v63  }
0x1e: {  	_ =	swait.ge [sflag:s14], $0x1400  }
0x1f: {  	[sflag:s14] =	ssyncset.done $0x0  }
0x20: {  	[sflag:s14] =	ssyncadd.s32 $0xFFFFEC00  }
0x21: {  	[tilespmem:s17], [sflag:$0x1] =	stream.indirect.gather [hbm4b:s4+s16], $0x80, s3, s16, $0xb8;
	[tilespmem:$0x1E800] =	vst v63  }
0x22: {  	s25 =	simm.s32 $0x80  }
0x23: {  	[tilespmem:s18], [sflag:$0x2] =	stream.indirect.gather [hbm4b:s4+s16], $0x80, s25, s16, $0xb8;
	[tilespmem:$0x1E800] =	vst v63  }
0x24: {  	_ =	swait.ge [sflag:s19], $0x4000  }
0x25: {  	[sflag:s19] =	ssyncset.done $0x0  }
0x26: {  	s29 =	simm.s32 $0x1400;
	[sflag:s19] =	ssyncadd.s32 $0xFFFFC000  }
0x27: {  	[spmem:s2] =	stream.indirect.scatter.add.f32 [tilespmem:s17], [sflag:$0x3], $0x80, s29, s16, $0xb8;
	[tilespmem:$0x1E800] =	vst v63  }
0x28: {  	_ =	swait.ge [sflag:s14], $0x4000  }
0x29: {  	[sflag:s14] =	ssyncset.done $0x0  }
0x2a: {  	s30 =	simm.s32 $0x100;
	[sflag:s14] =	ssyncadd.s32 $0xFFFFC000  }
0x2b: {  	[tilespmem:s17], [sflag:$0x1] =	stream.indirect.gather [hbm4b:s4+s16], $0x80, s30, s16, $0xb8;
	[tilespmem:$0x1E800] =	vst v63  }
0x2c: {  	_ =	swait.ge [sflag:s20], $0x4000  }
0x2d: {  	[sflag:s20] =	ssyncset.done $0x0  }
0x2e: {  	s31 =	simm.s32 $0x1480;
	[sflag:s20] =	ssyncadd.s32 $0xFFFFC000  }
0x2f: {  	[spmem:s2] =	stream.indirect.scatter.add.f32 [tilespmem:s18], [sflag:$0x3], $0x80, s31, s16, $0xb8;
	[tilespmem:$0x1E800] =	vst v63  }
0x30: {  	_ =	swait.ge [sflag:s14], $0x4000  }
0x31: {  	s26 =	simm.s32 $0x800;
	s25 =	simm.s32 $0x100;
	[sflag:s14] =	ssyncset.done $0x0  }
.LBB2_2:
0x32: {  	s28 =	sadd.s32 $0x80, s25  }
0x33: {  	[sflag:s14] =	ssyncadd.s32 $0xFFFFC000;
	s29 =	smov.u32 s26;
	s30 =	sadd.s32 $0x400, s26  }
0x34: {  	[tilespmem:s18], [sflag:$0x2] =	stream.indirect.gather [hbm4b:s4+s16], $0x80, s28, s16, $0xb8;
	[tilespmem:$0x1E800] =	vst v63  }
0x35: {  	p0 =	sne.s32 s26, $0x4800;
	_ =	swait.ge [sflag:s19], $0x4000  }
0x36: {  	[sflag:s19] =	ssyncset.done $0x0  }
0x37: {  	s26 =	sadd.s32 $0x1400, s25;
	[sflag:s19] =	ssyncadd.s32 $0xFFFFC000  }
0x38: {  	[spmem:s2] =	stream.indirect.scatter.add.f32 [tilespmem:s17], [sflag:$0x3], $0x80, s26, s16, $0xb8;
	[tilespmem:$0x1E800] =	vst v63  }
0x39: {  	_ =	swait.ge [sflag:s14], $0x4000  }
0x3a: {  	[sflag:s14] =	ssyncset.done $0x0  }
0x3b: {  	s26 =	sadd.s32 $0x100, s25;
	[sflag:s14] =	ssyncadd.s32 $0xFFFFC000  }
0x3c: {  	[tilespmem:s17], [sflag:$0x1] =	stream.indirect.gather [hbm4b:s4+s16], $0x80, s26, s16, $0xb8;
	[tilespmem:$0x1E800] =	vst v63  }
0x3d: {  	_ =	swait.ge [sflag:s20], $0x4000  }
.Ltmp0:
0x3e: {  	[sflag:s20] =	ssyncset.done $0x0;
	(pc) =	sbr.rel @p0 .LBB2_2-.Ltmp0, $4  }
0x3f: {  	s25 =	sadd.s32 $0x1480, s25;
	[sflag:s20] =	ssyncadd.s32 $0xFFFFC000  }
0x40: {  	[spmem:s2] =	stream.indirect.scatter.add.f32 [tilespmem:s18], [sflag:$0x3], $0x80, s25, s16, $0xb8;
	[tilespmem:$0x1E800] =	vst v63  }
0x41: {  	_ =	swait.ge [sflag:s14], $0x4000  }
0x42: {  	s26 =	smov.u32 s30;
	s25 =	sshra.s32 s29, $0x2;
	[sflag:s14] =	ssyncset.done $0x0  }
0x43: {  	s26 =	sadd.s32 $0x80, s25;
	[sflag:s14] =	ssyncadd.s32 $0xFFFFC000  }
0x44: {  	[tilespmem:s18], [sflag:$0x2] =	stream.indirect.gather [hbm4b:s4+s16], $0x80, s26, s16, $0xb8;
	[tilespmem:$0x1E800] =	vst v63  }
0x45: {  	_ =	swait.ge [sflag:s19], $0x4000  }
0x46: {  	[sflag:s19] =	ssyncset.done $0x0  }
0x47: {  	s29 =	sadd.s32 $0x1400, s25;
	[sflag:s19] =	ssyncadd.s32 $0xFFFFC000  }
0x48: {  	[spmem:s2] =	stream.indirect.scatter.add.f32 [tilespmem:s17], [sflag:$0x3], $0x80, s29, s16, $0xb8;
	[tilespmem:$0x1E800] =	vst v63  }
0x49: {  	_ =	swait.ge [sflag:s14], $0x4000  }
0x4a: {  	[sflag:s14] =	ssyncset.done $0x0  }
0x4b: {  	s30 =	sadd.s32 $0x100, s25;
	[sflag:s14] =	ssyncadd.s32 $0xFFFFC000  }
0x4c: {  	[tilespmem:s17], [sflag:$0x1] =	stream.indirect.gather [hbm4b:s4+s16], $0x80, s30, s16, $0xb8;
	[tilespmem:$0x1E800] =	vst v63  }
0x4d: {  	_ =	swait.ge [sflag:s20], $0x4000  }
0x4e: {  	[sflag:s20] =	ssyncset.done $0x0  }
0x4f: {  	s31 =	sadd.s32 $0x1480, s25;
	[sflag:s20] =	ssyncadd.s32 $0xFFFFC000  }
0x50: {  	[spmem:s2] =	stream.indirect.scatter.add.f32 [tilespmem:s18], [sflag:$0x3], $0x80, s31, s16, $0xb8;
	[tilespmem:$0x1E800] =	vst v63  }
0x51: {  	_ =	swait.ge [sflag:s14], $0x4000  }
0x52: {  	[sflag:s14] =	ssyncset.done $0x0  }
0x53: {  	[sflag:s14] =	ssyncadd.s32 $0xFFFFC000  }
0x54: {  	[tilespmem:s18], [sflag:$0x2] =	stream.indirect.gather [hbm4b:s4+s16], $0x80, s21, s16, $0xb8;
	[tilespmem:$0x1E800] =	vst v63  }
0x55: {  	_ =	swait.ge [sflag:s19], $0x4000  }
0x56: {  	[sflag:s19] =	ssyncset.done $0x0  }
0x57: {  	[sflag:s19] =	ssyncadd.s32 $0xFFFFC000  }
0x58: {  	[spmem:s2] =	stream.indirect.scatter.add.f32 [tilespmem:s17], [sflag:$0x3], $0x80, s22, s16, $0xb8;
	[tilespmem:$0x1E800] =	vst v63  }
0x59: {  	_ =	swait.ge [sflag:s14], $0x4000  }
0x5a: {  	[sflag:s14] =	ssyncset.done $0x0  }
0x5b: {  	[sflag:s14] =	ssyncadd.s32 $0xFFFFC000  }
0x5c: {  	_ =	swait.ge [sflag:s20], $0x4000  }
0x5d: {  	[sflag:s20] =	ssyncset.done $0x0  }
0x5e: {  	[sflag:s20] =	ssyncadd.s32 $0xFFFFC000  }
0x5f: {  	[spmem:s2] =	stream.indirect.scatter.add.f32 [tilespmem:s18], [sflag:$0x3], $0x80, s23, s16, $0xb8;
	[tilespmem:$0x1E800] =	vst v63  }
0x60: {  	_ =	swait.ge [sflag:s14], $0x4000  }
0x61: {  	[sflag:s14] =	ssyncset.done $0x0  }
0x62: {  	s26 =	simm.s32 $0x0;
	[sflag:s14] =	ssyncadd.s32 $0xFFFFC000  }
0x63: {  	[tilespmem:s26], [sflag:$0x3] =	stream.linear.gather [hbm4b:s9+s26], $0x1400, $0x38;
	[tilespmem:$0x1E800] =	vst v63  }
0x64: {  	_ =	swait.ge [sflag:s14], $0x1400  }
0x65: {  	[sflag:s14] =	ssyncset.done $0x0  }
0x66: {  	[sflag:s14] =	ssyncadd.s32 $0xFFFFEC00  }
0x67: {  	[tilespmem:s15], [sflag:$0x3] =	stream.linear.gather [hbm4b:s10+s26], $0x1400, $0x38;
	[tilespmem:$0x1E800] =	vst v63  }
0x68: {  	_ =	swait.ge [sflag:s14], $0x1400  }
0x69: {  	[sflag:s14] =	ssyncset.done $0x0  }
0x6a: {  	[sflag:s14] =	ssyncadd.s32 $0xFFFFEC00  }
0x6b: {  	[tilespmem:s17], [sflag:$0x1] =	stream.indirect.gather [hbm4b:s4+s16], $0x80, s26, s16, $0xb8;
	[tilespmem:$0x1E800] =	vst v63  }
0x6c: {  	s28 =	simm.s32 $0x80  }
0x6d: {  	[tilespmem:s18], [sflag:$0x2] =	stream.indirect.gather [hbm4b:s4+s16], $0x80, s28, s16, $0xb8;
	[tilespmem:$0x1E800] =	vst v63  }
0x6e: {  	_ =	swait.ge [sflag:s19], $0x4000  }
0x6f: {  	[sflag:s19] =	ssyncset.done $0x0  }
0x70: {  	s29 =	simm.s32 $0x1400;
	[sflag:s19] =	ssyncadd.s32 $0xFFFFC000  }
0x71: {  	[spmem:s2] =	stream.indirect.scatter.add.f32 [tilespmem:s17], [sflag:$0x3], $0x80, s29, s16, $0xb8;
	[tilespmem:$0x1E800] =	vst v63  }
0x72: {  	_ =	swait.ge [sflag:s14], $0x4000  }
0x73: {  	[sflag:s14] =	ssyncset.done $0x0  }
0x74: {  	s30 =	simm.s32 $0x100;
	[sflag:s14] =	ssyncadd.s32 $0xFFFFC000  }
0x75: {  	[tilespmem:s17], [sflag:$0x1] =	stream.indirect.gather [hbm4b:s4+s16], $0x80, s30, s16, $0xb8;
	[tilespmem:$0x1E800] =	vst v63  }
0x76: {  	_ =	swait.ge [sflag:s20], $0x4000  }
0x77: {  	[sflag:s20] =	ssyncset.done $0x0  }
0x78: {  	s31 =	simm.s32 $0x1480;
	[sflag:s20] =	ssyncadd.s32 $0xFFFFC000  }
0x79: {  	[spmem:s2] =	stream.indirect.scatter.add.f32 [tilespmem:s18], [sflag:$0x3], $0x80, s31, s16, $0xb8;
	[tilespmem:$0x1E800] =	vst v63  }
0x7a: {  	_ =	swait.ge [sflag:s14], $0x4000  }
0x7b: {  	s25 =	simm.s32 $0x100;
	s26 =	simm.s32 $0x800;
	[sflag:s14] =	ssyncset.done $0x0  }
.LBB2_4:
0x7c: {  	s28 =	sadd.s32 $0x80, s25  }
0x7d: {  	[sflag:s14] =	ssyncadd.s32 $0xFFFFC000;
	s29 =	smov.u32 s26;
	s30 =	sadd.s32 $0x400, s26  }
0x7e: {  	[tilespmem:s18], [sflag:$0x2] =	stream.indirect.gather [hbm4b:s4+s16], $0x80, s28, s16, $0xb8;
	[tilespmem:$0x1E800] =	vst v63  }
0x7f: {  	p0 =	sne.s32 s26, $0x4800;
	_ =	swait.ge [sflag:s19], $0x4000  }
0x80: {  	[sflag:s19] =	ssyncset.done $0x0  }
0x81: {  	s26 =	sadd.s32 $0x1400, s25;
	[sflag:s19] =	ssyncadd.s32 $0xFFFFC000  }
0x82: {  	[spmem:s2] =	stream.indirect.scatter.add.f32 [tilespmem:s17], [sflag:$0x3], $0x80, s26, s16, $0xb8;
	[tilespmem:$0x1E800] =	vst v63  }
0x83: {  	_ =	swait.ge [sflag:s14], $0x4000  }
0x84: {  	[sflag:s14] =	ssyncset.done $0x0  }
0x85: {  	s26 =	sadd.s32 $0x100, s25;
	[sflag:s14] =	ssyncadd.s32 $0xFFFFC000  }
0x86: {  	[tilespmem:s17], [sflag:$0x1] =	stream.indirect.gather [hbm4b:s4+s16], $0x80, s26, s16, $0xb8;
	[tilespmem:$0x1E800] =	vst v63  }
0x87: {  	_ =	swait.ge [sflag:s20], $0x4000  }
.Ltmp1:
0x88: {  	[sflag:s20] =	ssyncset.done $0x0;
	(pc) =	sbr.rel @p0 .LBB2_4-.Ltmp1, $4  }
0x89: {  	s25 =	sadd.s32 $0x1480, s25;
	[sflag:s20] =	ssyncadd.s32 $0xFFFFC000  }
0x8a: {  	[spmem:s2] =	stream.indirect.scatter.add.f32 [tilespmem:s18], [sflag:$0x3], $0x80, s25, s16, $0xb8;
	[tilespmem:$0x1E800] =	vst v63  }
0x8b: {  	_ =	swait.ge [sflag:s14], $0x4000  }
0x8c: {  	s26 =	smov.u32 s30;
	s25 =	sshra.s32 s29, $0x2;
	[sflag:s14] =	ssyncset.done $0x0  }
0x8d: {  	s26 =	sadd.s32 $0x80, s25;
	[sflag:s14] =	ssyncadd.s32 $0xFFFFC000  }
0x8e: {  	[tilespmem:s18], [sflag:$0x2] =	stream.indirect.gather [hbm4b:s4+s16], $0x80, s26, s16, $0xb8;
	[tilespmem:$0x1E800] =	vst v63  }
0x8f: {  	_ =	swait.ge [sflag:s19], $0x4000  }
0x90: {  	[sflag:s19] =	ssyncset.done $0x0  }
0x91: {  	s29 =	sadd.s32 $0x1400, s25;
	[sflag:s19] =	ssyncadd.s32 $0xFFFFC000  }
0x92: {  	[spmem:s2] =	stream.indirect.scatter.add.f32 [tilespmem:s17], [sflag:$0x3], $0x80, s29, s16, $0xb8;
	[tilespmem:$0x1E800] =	vst v63  }
0x93: {  	_ =	swait.ge [sflag:s14], $0x4000  }
0x94: {  	[sflag:s14] =	ssyncset.done $0x0  }
0x95: {  	s30 =	sadd.s32 $0x100, s25;
	[sflag:s14] =	ssyncadd.s32 $0xFFFFC000  }
0x96: {  	[tilespmem:s17], [sflag:$0x1] =	stream.indirect.gather [hbm4b:s4+s16], $0x80, s30, s16, $0xb8;
	[tilespmem:$0x1E800] =	vst v63  }
0x97: {  	_ =	swait.ge [sflag:s20], $0x4000  }
0x98: {  	[sflag:s20] =	ssyncset.done $0x0  }
0x99: {  	s31 =	sadd.s32 $0x1480, s25;
	[sflag:s20] =	ssyncadd.s32 $0xFFFFC000  }
0x9a: {  	[spmem:s2] =	stream.indirect.scatter.add.f32 [tilespmem:s18], [sflag:$0x3], $0x80, s31, s16, $0xb8;
	[tilespmem:$0x1E800] =	vst v63  }
0x9b: {  	_ =	swait.ge [sflag:s14], $0x4000  }
0x9c: {  	[sflag:s14] =	ssyncset.done $0x0  }
0x9d: {  	[sflag:s14] =	ssyncadd.s32 $0xFFFFC000  }
0x9e: {  	[tilespmem:s18], [sflag:$0x2] =	stream.indirect.gather [hbm4b:s4+s16], $0x80, s21, s16, $0xb8;
	[tilespmem:$0x1E800] =	vst v63  }
0x9f: {  	_ =	swait.ge [sflag:s19], $0x4000  }
0xa0: {  	[sflag:s19] =	ssyncset.done $0x0  }
0xa1: {  	[sflag:s19] =	ssyncadd.s32 $0xFFFFC000  }
0xa2: {  	[spmem:s2] =	stream.indirect.scatter.add.f32 [tilespmem:s17], [sflag:$0x3], $0x80, s22, s16, $0xb8;
	[tilespmem:$0x1E800] =	vst v63  }
0xa3: {  	_ =	swait.ge [sflag:s14], $0x4000  }
0xa4: {  	[sflag:s14] =	ssyncset.done $0x0  }
0xa5: {  	[sflag:s14] =	ssyncadd.s32 $0xFFFFC000  }
0xa6: {  	_ =	swait.ge [sflag:s20], $0x4000  }
0xa7: {  	[sflag:s20] =	ssyncset.done $0x0  }
0xa8: {  	[sflag:s20] =	ssyncadd.s32 $0xFFFFC000  }
0xa9: {  	[spmem:s2] =	stream.indirect.scatter.add.f32 [tilespmem:s18], [sflag:$0x3], $0x80, s23, s16, $0xb8;
	[tilespmem:$0x1E800] =	vst v63  }
0xaa: {  	_ =	swait.ge [sflag:s14], $0x4000  }
0xab: {  	s24 =	sadd.s32 $0x1, s24;
	[sflag:s14] =	ssyncset.done $0x0  }
0xac: {  	p0 =	sne.s32 s24, s12;
	[sflag:s14] =	ssyncadd.s32 $0xFFFFC000  }
.Ltmp2:
0xad: {  	[bflag:$0x0] =	sbarrier.arrive $0xFFFF;
	(pc) =	sbr.rel @p0 .LBB2_1-.Ltmp2, $4  }
0xae: {  	[hbm:s11], [sflag:s6] =	dma.local [spmem:s13], $0x2800  }
0xaf: {  	_ =	swait.ge [sflag:s14], $0x2800  }
0xb0: {  	[sflag:s14] =	ssyncset.done $0x0  }
0xb1: {  	[sflag:s14] =	ssyncadd.s32 $0xFFFFD800  }
0xb2: {  	_ =	sfence.sel $0x180000  }
0xb3: {  	[bflag:$0x0] =	sbarrier.arrive $0xFFFF  }
0xb4: {  	p0 =	sne.s32 s1, $0x0;
	_ =	strace $0x9000004D  }
0xb5: {  	s0 =	sadd.s32 @!p0 $0x100000, s0;
	[bflag:$0x2] =	sbarrier.arrive $0xFFFF  }
0xb6: {  	[sflag:s0] =	ssyncadd.tile.s32 @!p0 $0x1;
	_ =	shalt  }
.Lfunc_end2:
_tile_overlayer_lowered:
.L_overlay_start_2:
0xb7: {  	(tag) =	ssettag $0x2  }
0xb8: {  	s0 =	rddreg [dreg:$0x0];
	s2 =	stileid.u32  }
0xb9: {  	s1 =	rddreg [dreg:$0x1];
	p0 =	sne.s32 s2, $0x0  }
0xba: {  	s3 =	rddreg [dreg:$0x2];
	[bflag:$0x3] =	sbarrier.arrive $0xFFFF;
	s2 =	simm.s32 @!p0 $0x1C03  }
0xbb: {  	[timem:s3], [sflag:s2] =	dma.local @!p0 [hbm:s0], s1  }
0xbc: {  	s0 =	simm.s32 @!p0 $0x3  }
0xbd: {  	_ =	swait.ge @!p0 [sflag:s0], s1  }
0xbe: {  	s1 =	ssub.s32 @!p0 $0x0, s1;
	[sflag:s0] =	ssyncset.done @!p0 $0x0  }
0xbf: {  	[sflag:s0] =	ssyncadd.s32 @!p0 s1  }
0xc0: {  	[bflag:$0x3] =	sbarrier.arrive $0xFFFF  }
0xc1: {  	_ =	shalt  }

// kernel: kernel.19.cloned.1.call-start
scs
__scs_entry_jumppad:
0x0: {  	(pc) =	sbr.rel $0x88, $3  }
0x1: {  	(tag) =	ssettag $0x0;
	lr =	simm.s32 $0x1  }
0x2: {  	[smem:$0x3F96] =	sst lr;
	_ =	strace $0xD0000000  }
0x3: {  	_ = 	snop  }
0x4: {  	_ = 	snop  }
0x5: {  	_ = 	snop  }
0x6: {  	_ = 	snop  }
0x7: {  	_ = 	snop  }
__scs_overlays_trampoline_lowered:
0x8: {  	[smem:$0x3FA5] =	sst s0  }
0x9: {  	[smem:$0x3FA6] =	sst s1  }
0xa: {  	[smem:$0x3FA7] =	sst s2  }
0xb: {  	[smem:$0x3FA8] =	sst s3  }
0xc: {  	[smem:$0x3FA9] =	sst s4  }
0xd: {  	[smem:$0x3FAA] =	sst s5  }
0xe: {  	[smem:$0x3FAB] =	sst s6  }
0xf: {  	[smem:$0x3FAC] =	sst s7  }
0x10: {  	[smem:$0x3FAD] =	sst s8  }
0x11: {  	[smem:$0x3FAE] =	sst s9;
	s0 =	simm.s32 @!p0 $0x0  }
0x12: {  	s1 =	sld [smem:$0x3F94];
	s0 =	simm.s32 @p0 $0x1  }
0x13: {  	[smem:$0x3FAF] =	sst s0;
	s0 =	simm.s32 @!p1 $0x0  }
0x14: {  	s2 =	sld [smem:$0x3F93];
	s0 =	simm.s32 @p1 $0x1  }
0x15: {  	[smem:$0x3FB0] =	sst s0;
	s0 =	simm.s32 @!p2 $0x0  }
0x16: {  	s3 =	sld [smem:$0x3FDB];
	s0 =	simm.s32 @p2 $0x1  }
0x17: {  	s4 =	simm.s32 $0x1BF5;
	[smem:$0x3FB2] =	sst s0  }
0x18: {  	s0 =	sld [smem:$0x3F95];
	_ =	swait.ge [sflag:s4], $0x0  }
0x19: {  	s7 =	sld [smem:$0x3F96]  }
0x1a: {  	s8 =	sadd.s32 $0xFFFFE003, lr  }
0x1b: {  	s9 =	sadd.s32 $0xFFFFFEF7, lr;
	s5 =	simm.s32 $0xFFFFFFFF;
	p2 =	slt.u32 s8, $0xFFFFF086  }
0x1c: {  	p1 =	slt.u32 s9, $0xF7A;
	s5 =	simm.s32 @!p2 $0x0  }
0x1d: {  	s5 =	simm.s32 @p1 $0x1;
	p0 =	seq.s32 s7, s2  }
0x1e: {  	s7 =	smul.u32 @!p0 $0xF7A, s2;
	p2 =	seq.s32 @!p0 s5, $0x0  }
0x1f: {  	s9 =	smul.u32 $0xF7A, s1;
	s8 =	simm.s32 @!p0 $0x1BF5;
	p2 =	por !p2, p0  }
0x20: {  	[sflag:s8] =	ssyncset.s32 @!p0 $0xFFFFF086;
	s6 =	sadd.s32 @!p0 s3, s7;
	s7 =	simm.s32 @!p0 $0x108  }
0x21: {  	s3 =	sadd.s32 s3, s9;
	s6 =	sadd.s32 @!p0 $0x88, s6;
	s7 =	simm.s32 @p2 $0x1082  }
0x22: {  	[simem:s7], [sflag:s8] =	dma.local @!p0 [hbm:s6], $0xF7A  }
0x23: {  	s9 =	sor.u32 $0xD0000000, s2;
	s6 =	simm.s32 $0x108;
	_ =	swait.ge @!p0 [sflag:s8], $0x0  }
0x24: {  	s3 =	sadd.s32 $0x88, s3;
	s6 =	simm.s32 @!p1 $0x1082;
	[sflag:s4] =	ssyncset.s32 $0xFFFFF086  }
0x25: {  	[simem:s6], [sflag:s4] =	dma.local [hbm:s3], $0xF7A  }
0x26: {  	[smem:$0x3F96] =	sst s1;
	(tag) =	ssettag s2;
	_ =	strace s9  }
0x27: {  	s1 =	sld [smem:$0x3FA6]  }
0x28: {  	s2 =	sld [smem:$0x3FA7]  }
0x29: {  	s4 =	sld [smem:$0x3FA9]  }
0x2a: {  	p0 =	seq.s32 s5, $0x0;
	s5 =	sld [smem:$0x3FAA]  }
0x2b: {  	s6 =	sld [smem:$0x3FAB]  }
0x2c: {  	s7 =	sld [smem:$0x3FAC]  }
0x2d: {  	s3 =	simm.s32 $0x108;
	s8 =	sld [smem:$0x3FAD]  }
0x2e: {  	s3 =	simm.s32 @!p0 $0x1082;
	s9 =	sld [smem:$0x3FAE]  }
0x2f: {  	lr =	sadd.s32 s0, s3;
	s0 =	sld [smem:$0x3FA5]  }
0x30: {  	s3 =	sld [smem:$0x3FA8]  }
0x31: {  	[smem:$0x3FB1] =	sst s10  }
0x32: {  	s10 =	sld [smem:$0x3FAF];
	_ =	sdelay $0x3  }
0x33: {  	p0 =	seq.s32 s10, $0x1;
	s10 =	sld [smem:$0x3FB1];
	_ =	sdelay $0x3  }
0x34: {  	[smem:$0x3FB1] =	sst s10  }
0x35: {  	s10 =	sld [smem:$0x3FB0];
	_ =	sdelay $0x3  }
0x36: {  	p1 =	seq.s32 s10, $0x1;
	s10 =	sld [smem:$0x3FB1];
	_ =	sdelay $0x3  }
0x37: {  	[smem:$0x3FB1] =	sst s10  }
0x38: {  	s10 =	sld [smem:$0x3FB2]  }
0x39: {  	_ = 	snop;
	(pc) =	sbr.ind lr, $3  }
0x3a: {  	_ = 	snop  }
0x3b: {  	_ = 	snop  }
0x3c: {  	p2 =	seq.s32 s10, $0x1;
	s10 =	sld [smem:$0x3FB1]  }
0x3d: {  	_ =	shalt  }
0x3e: {  	_ =	shalt  }
0x3f: {  	_ =	shalt  }
0x40: {  	_ =	shalt  }
0x41: {  	_ =	shalt  }
0x42: {  	_ =	shalt  }
0x43: {  	_ =	shalt  }
0x44: {  	_ =	shalt  }
0x45: {  	_ =	shalt  }
0x46: {  	_ =	shalt  }
0x47: {  	_ =	shalt  }
0x48: {  	_ =	shalt  }
0x49: {  	_ =	shalt  }
0x4a: {  	_ =	shalt  }
0x4b: {  	_ =	shalt  }
0x4c: {  	_ =	shalt  }
0x4d: {  	_ =	shalt  }
0x4e: {  	_ =	shalt  }
0x4f: {  	_ =	shalt  }
0x50: {  	_ =	shalt  }
0x51: {  	_ =	shalt  }
0x52: {  	_ =	shalt  }
0x53: {  	_ =	shalt  }
0x54: {  	_ =	shalt  }
0x55: {  	_ =	shalt  }
0x56: {  	_ =	shalt  }
0x57: {  	_ =	shalt  }
0x58: {  	_ =	shalt  }
0x59: {  	_ =	shalt  }
0x5a: {  	_ =	shalt  }
0x5b: {  	_ =	shalt  }
0x5c: {  	_ =	shalt  }
0x5d: {  	_ =	shalt  }
0x5e: {  	_ =	shalt  }
0x5f: {  	_ =	shalt  }
0x60: {  	_ =	shalt  }
0x61: {  	_ =	shalt  }
0x62: {  	_ =	shalt  }
0x63: {  	_ =	shalt  }
0x64: {  	_ =	shalt  }
0x65: {  	_ =	shalt  }
0x66: {  	_ =	shalt  }
0x67: {  	_ =	shalt  }
0x68: {  	_ =	shalt  }
0x69: {  	_ =	shalt  }
0x6a: {  	_ =	shalt  }
0x6b: {  	_ =	shalt  }
0x6c: {  	_ =	shalt  }
0x6d: {  	_ =	shalt  }
0x6e: {  	_ =	shalt  }
0x6f: {  	_ =	shalt  }
0x70: {  	_ =	shalt  }
0x71: {  	_ =	shalt  }
0x72: {  	_ =	shalt  }
0x73: {  	_ =	shalt  }
0x74: {  	_ =	shalt  }
0x75: {  	_ =	shalt  }
0x76: {  	_ =	shalt  }
0x77: {  	_ =	shalt  }
0x78: {  	_ =	shalt  }
0x79: {  	_ =	shalt  }
0x7a: {  	_ =	shalt  }
0x7b: {  	_ =	shalt  }
0x7c: {  	_ =	shalt  }
0x7d: {  	_ =	shalt  }
0x7e: {  	_ =	shalt  }
0x7f: {  	_ =	shalt  }
0x80: {  	_ =	shalt  }
0x81: {  	_ =	shalt  }
0x82: {  	_ =	shalt  }
0x83: {  	_ =	shalt  }
0x84: {  	_ =	shalt  }
0x85: {  	_ =	shalt  }
0x86: {  	_ =	shalt  }
0x87: {  	_ =	shalt  }
.Lfunc_end0:
.L_simem_size_0:
called_computation.3_lowered:
.L_overlay_start_0:
0x88: {  	s2 =	sld [smem:$0x3FD9]  }
0x89: {  	s3 =	sld [smem:$0x3FFE];
	_ =	sdelay $0x1  }
0x8a: {  	s1 =	srdreg.scid  }
0x8b: {  	s0 =	sand.u32 $0x1, s1  }
0x8c: {  	s16 =	sshll.u32 s0, $0xA;
	s2 =	sadd.s32 s3, s2  }
0x8d: {  	s2 =	sadd.s32 s2, s16  }
0x8e: {  	[smem:$0x3FBD] =	sst s2  }
0x8f: {  	_ = 	snop  }
0x90: {  	(tm) =	ssettm $0x1  }
0x91: {  	s17 =	sld [smem:$0x3FFB];
	_ =	sdelay $0x3  }
0x92: {  	_ =	strace s17  }
0x93: {  	s2 =	sld [smem:$0x3FFC];
	_ =	sdelay $0x3  }
0x94: {  	_ =	strace s2  }
0x95: {  	s2 =	sld [smem:$0x3FFD];
	_ =	sdelay $0x3  }
0x96: {  	_ =	strace s2  }
0x97: {  	_ =	strace $0x8FFFFFFF  }
0x98: {  	s18 =	sld [smem:$0x3FDB];
	_ =	sdelay $0x1  }
0x99: {  	s19 =	simm.s32 $_scs_section_size  }
0x9a: {  	s4 =	simm.s32 $_size__tile_overlayer_lowered;
	s5 =	simm.s32 $_tile_overlayer_lowered  }
0x9b: {  	s22 =	simm.s32 $0x1BFF;
	s21 =	sshll.u32 s5, $0x1;
	s2 =	sadd.s32 s19, s18  }
0x9c: {  	s6 =	simm.s32 $0x0;
	s20 =	sshll.u32 s4, $0x1;
	s4 =	sadd.s32 s21, s2  }
0x9d: {  	[timem:s6], [sflag:s22] =	dma.local [hbm:s4], s20  }
0x9e: {  	_ =	swait.ge [sflag:s22], s20  }
0x9f: {  	s3 =	ssub.s32 $0x0, s20;
	[sflag:s22] =	ssyncset.done $0x0  }
0xa0: {  	[sflag:s22] =	ssyncadd.s32 s3;
	_ =	sdelay $0x1  }
0xa1: {  	s23 =	simm.s32 $0x1B8B  }
0xa2: {  	_ =	swait.ge [sflag:s23], $0x1  }
0xa3: {  	[sflag:s23] =	ssyncset.done $0x0  }
0xa4: {  	s25 =	simm.s32 $0x1B8E;
	s24 =	sld [smem:$0x3FFE];
	[sflag:s23] =	ssyncadd.s32 $0xFFFFFFFF  }
0xa5: {  	s26 =	simm.s32 $execute0_lowered;
	[smem:$0x3FD2] =	sst s25  }
0xa6: {  	s4 =	sshll.u32 s26, $0x1;
	_ =	strace $0x8000004F;
	[dreg:$0x1] =	wrdreg $0xFFFFFFFF  }
0xa7: {  	s28 =	simm.s32 $_size_execute0_lowered;
	s2 =	sadd.s32 s2, s4;
	[dreg:$0x0] =	wrdreg $0x0  }
0xa8: {  	s4 =	sshll.u32 s28, $0x1;
	[dreg:$0x2] =	wrdreg s2  }
0xa9: {  	[dreg:$0x3] =	wrdreg s4  }
0xaa: {  	[dreg:$0x4] =	wrdreg $0xC0  }
0xab: {  	_ =	task [dreg:s6], $0x5FFFF  }
0xac: {  	[dreg:$0x1] =	wrdreg $0xFFFFFFFF  }
0xad: {  	[dreg:$0x0] =	wrdreg $0x60  }
0xae: {  	[dreg:$0x2] =	wrdreg s24  }
0xaf: {  	[dreg:$0x3] =	wrdreg $0xA8000  }
0xb0: {  	[dreg:$0x4] =	wrdreg $0x9  }
0xb1: {  	_ =	task.clear_ibuf [dreg:s6], $0x5FFFF;
	_ =	strace $0x9000004F  }
0xb2: {  	s29 =	simm.s32 $0x9;
	_ =	strace $0x80000051  }
0xb3: {  	_ =	swait.ge [sflag:s29], $0x1  }
0xb4: {  	[sflag:s29] =	ssyncadd.s32 $0xFFFFFFFF  }
0xb5: {  	_ =	strace $0x90000051  }
0xb6: {  	_ =	sfence  }
0xb7: {  	s30 =	sld [smem:$0x0];
	_ =	sdelay $0x2  }
0xb8: {  	s31 =	sshll.u32 s1, $0xD;
	s1 =	sshrl.u32 s1, $0x2  }
0xb9: {  	s3 =	sand.u32 $0x4000, s31;
	s1 =	sadd.s32 s1, s30  }
0xba: {  	s0 =	sor.u32 s3, s0;
	s1 =	sshll.u32 s1, $0x11  }
0xbb: {  	s0 =	sor.u32 s1, s0  }
0xbc: {  	s0 =	sadd.s32 $0x8F2B, s0  }
0xbd: {  	[sflag:s0] =	ssyncadd.remote.s32 $0x1  }
0xbe: {  	_ =	sfence.sel $0xFFFF  }
0xbf: {  	[dreg:$0x0] =	wrdreg $0xFFFFFFFF;
	(pc) =	sbr.abs _section_cstart, $3  }
0xc0: {  	[dreg:$0x1] =	wrdreg $0xFFFFFFFF  }
0xc1: {  	_ =	task.clear_ibuf [dreg:s6], $0x2FFFF;
	_ =	strace $0x9FFFFFFF  }
0xc2: {  	(tm) =	ssettm $0x7FFFFFFF  }
0xc3: {  	_ =	shalt  }
tec
execute0_lowered:
.L_overlay_start_1:
0x0: {  	(tag) =	ssettag $0x1  }
0x1: {  	s5 =	rddreg [dreg:$0x0]  }
0x2: {  	s2 =	rddreg [dreg:$0x1]  }
0x3: {  	s0 =	rddreg [dreg:$0x2];
	s3 =	simm.s32 $0x0  }
0x4: {  	s1 =	stileid.u32;
	s4 =	srdreg.scid;
	s17 =	simm.s32 $0x2800  }
0x5: {  	s18 =	simm.s32 $0x6800;
	s19 =	simm.s32 $0x1;
	s20 =	simm.s32 $0x2  }
0x6: {  	s21 =	simm.s32 $0x1380;
	s22 =	simm.s32 $0x2700;
	s23 =	simm.s32 $0x2780  }
0x7: {  	s24 =	simm.s32 $0x0;
	[smem:$0x7FF] =	sst s3;
	s6 =	smul.u32 $0x14000, s1  }
0x8: {  	s7 =	sand.u32 $0x1, s4;
	s4 =	sadd.s32 $0x3F400, s5;
	s10 =	sadd.s32 $0x3400, s5  }
0x9: {  	s11 =	sadd.s32 $0xD400, s5;
	s25 =	sshll.u32 s1, $0x1;
	s12 =	smul.u32 $0x50000, s1  }
0xa: {  	s28 =	sshll.u32 s1, $0x6;
	_ =	strace $0x80000050;
	s9 =	smul.u32 $0x140000, s7  }
0xb: {  	s13 =	ssub.s32 $0x2, s7;
	s7 =	sor.u32 s7, s25;
	s8 =	sshrl.u32 s6, $0x3  }
0xc: {  	s26 =	sshrl.u32 s13, $0x1;
	s12 =	sshrl.u32 s12, $0x2;
	s14 =	smul.u32 $0x2800, s7  }
0xd: {  	s29 =	smul.u32 $0x500, s7;
	s8 =	sadd.s32 s8, s5;
	s6 =	sadd.s32 s6, s9  }
0xe: {  	s13 =	ssub.s32 s13, s26;
	s16 =	sadd.s32 s12, s2;
	s6 =	sshrl.u32 s6, $0x3  }
0xf: {  	s30 =	sshrl.u32 s14, $0x3;
	s7 =	sadd.s32 s10, s29;
	s12 =	smax.u32 s13, $0x1  }
0x10: {  	s13 =	sshrl.u32 s16, $0x3;
	s14 =	simm.s32 $0x3;
	s16 =	simm.s32 $0x80  }
0x11: {  	s15 =	sadd.s32 s6, s5;
	s5 =	sadd.s32 $0x17400, s8;
	s31 =	sadd.s32 $0x280, s30  }
0x12: {  	s6 =	sor.u32 $0x1C03, s28;
	s8 =	sadd.s32 s11, s29;
	s9 =	sadd.s32 s10, s31  }
0x13: {  	s10 =	sadd.s32 s11, s31;
	s11 =	sadd.s32 $0x67400, s15;
	s15 =	simm.s32 $0x1400  }
.LBB2_1:
0x14: {  	[spmem:s13], [sflag:s6] =	dma.local [hbm:s5], $0x2800  }
0x15: {  	_ =	swait.ge [sflag:s14], $0x2800  }
0x16: {  	[sflag:s14] =	ssyncset.done $0x0  }
0x17: {  	[sflag:s14] =	ssyncadd.s32 $0xFFFFD800  }
0x18: {  	[bflag:$0x0] =	sbarrier.arrive $0xFFFF  }
0x19: {  	[tilespmem:s3], [sflag:$0x3] =	stream.linear.gather [hbm4b:s7+s3], $0x1400, $0x38;
	[tilespmem:$0x1E800] =	vst v63  }
0x1a: {  	_ =	swait.ge [sflag:s14], $0x1400  }
0x1b: {  	[sflag:s14] =	ssyncset.done $0x0  }
0x1c: {  	[sflag:s14] =	ssyncadd.s32 $0xFFFFEC00  }
0x1d: {  	[tilespmem:s15], [sflag:$0x3] =	stream.linear.gather [hbm4b:s8+s3], $0x1400, $0x38;
	[tilespmem:$0x1E800] =	vst v63  }
0x1e: {  	_ =	swait.ge [sflag:s14], $0x1400  }
0x1f: {  	[sflag:s14] =	ssyncset.done $0x0  }
0x20: {  	[sflag:s14] =	ssyncadd.s32 $0xFFFFEC00  }
0x21: {  	[tilespmem:s17], [sflag:$0x1] =	stream.indirect.gather [hbm4b:s4+s16], $0x80, s3, s16, $0xb8;
	[tilespmem:$0x1E800] =	vst v63  }
0x22: {  	s25 =	simm.s32 $0x80  }
0x23: {  	[tilespmem:s18], [sflag:$0x2] =	stream.indirect.gather [hbm4b:s4+s16], $0x80, s25, s16, $0xb8;
	[tilespmem:$0x1E800] =	vst v63  }
0x24: {  	_ =	swait.ge [sflag:s19], $0x4000  }
0x25: {  	[sflag:s19] =	ssyncset.done $0x0  }
0x26: {  	s29 =	simm.s32 $0x1400;
	[sflag:s19] =	ssyncadd.s32 $0xFFFFC000  }
0x27: {  	[spmem:s2] =	stream.indirect.scatter.add.f32 [tilespmem:s17], [sflag:$0x3], $0x80, s29, s16, $0xb8;
	[tilespmem:$0x1E800] =	vst v63  }
0x28: {  	_ =	swait.ge [sflag:s14], $0x4000  }
0x29: {  	[sflag:s14] =	ssyncset.done $0x0  }
0x2a: {  	s30 =	simm.s32 $0x100;
	[sflag:s14] =	ssyncadd.s32 $0xFFFFC000  }
0x2b: {  	[tilespmem:s17], [sflag:$0x1] =	stream.indirect.gather [hbm4b:s4+s16], $0x80, s30, s16, $0xb8;
	[tilespmem:$0x1E800] =	vst v63  }
0x2c: {  	_ =	swait.ge [sflag:s20], $0x4000  }
0x2d: {  	[sflag:s20] =	ssyncset.done $0x0  }
0x2e: {  	s31 =	simm.s32 $0x1480;
	[sflag:s20] =	ssyncadd.s32 $0xFFFFC000  }
0x2f: {  	[spmem:s2] =	stream.indirect.scatter.add.f32 [tilespmem:s18], [sflag:$0x3], $0x80, s31, s16, $0xb8;
	[tilespmem:$0x1E800] =	vst v63  }
0x30: {  	_ =	swait.ge [sflag:s14], $0x4000  }
0x31: {  	s26 =	simm.s32 $0x800;
	s25 =	simm.s32 $0x100;
	[sflag:s14] =	ssyncset.done $0x0  }
.LBB2_2:
0x32: {  	s28 =	sadd.s32 $0x80, s25  }
0x33: {  	[sflag:s14] =	ssyncadd.s32 $0xFFFFC000;
	s29 =	smov.u32 s26;
	s30 =	sadd.s32 $0x400, s26  }
0x34: {  	[tilespmem:s18], [sflag:$0x2] =	stream.indirect.gather [hbm4b:s4+s16], $0x80, s28, s16, $0xb8;
	[tilespmem:$0x1E800] =	vst v63  }
0x35: {  	p0 =	sne.s32 s26, $0x4800;
	_ =	swait.ge [sflag:s19], $0x4000  }
0x36: {  	[sflag:s19] =	ssyncset.done $0x0  }
0x37: {  	s26 =	sadd.s32 $0x1400, s25;
	[sflag:s19] =	ssyncadd.s32 $0xFFFFC000  }
0x38: {  	[spmem:s2] =	stream.indirect.scatter.add.f32 [tilespmem:s17], [sflag:$0x3], $0x80, s26, s16, $0xb8;
	[tilespmem:$0x1E800] =	vst v63  }
0x39: {  	_ =	swait.ge [sflag:s14], $0x4000  }
0x3a: {  	[sflag:s14] =	ssyncset.done $0x0  }
0x3b: {  	s26 =	sadd.s32 $0x100, s25;
	[sflag:s14] =	ssyncadd.s32 $0xFFFFC000  }
0x3c: {  	[tilespmem:s17], [sflag:$0x1] =	stream.indirect.gather [hbm4b:s4+s16], $0x80, s26, s16, $0xb8;
	[tilespmem:$0x1E800] =	vst v63  }
0x3d: {  	_ =	swait.ge [sflag:s20], $0x4000  }
.Ltmp0:
0x3e: {  	[sflag:s20] =	ssyncset.done $0x0;
	(pc) =	sbr.rel @p0 .LBB2_2-.Ltmp0, $4  }
0x3f: {  	s25 =	sadd.s32 $0x1480, s25;
	[sflag:s20] =	ssyncadd.s32 $0xFFFFC000  }
0x40: {  	[spmem:s2] =	stream.indirect.scatter.add.f32 [tilespmem:s18], [sflag:$0x3], $0x80, s25, s16, $0xb8;
	[tilespmem:$0x1E800] =	vst v63  }
0x41: {  	_ =	swait.ge [sflag:s14], $0x4000  }
0x42: {  	s26 =	smov.u32 s30;
	s25 =	sshra.s32 s29, $0x2;
	[sflag:s14] =	ssyncset.done $0x0  }
0x43: {  	s26 =	sadd.s32 $0x80, s25;
	[sflag:s14] =	ssyncadd.s32 $0xFFFFC000  }
0x44: {  	[tilespmem:s18], [sflag:$0x2] =	stream.indirect.gather [hbm4b:s4+s16], $0x80, s26, s16, $0xb8;
	[tilespmem:$0x1E800] =	vst v63  }
0x45: {  	_ =	swait.ge [sflag:s19], $0x4000  }
0x46: {  	[sflag:s19] =	ssyncset.done $0x0  }
0x47: {  	s29 =	sadd.s32 $0x1400, s25;
	[sflag:s19] =	ssyncadd.s32 $0xFFFFC000  }
0x48: {  	[spmem:s2] =	stream.indirect.scatter.add.f32 [tilespmem:s17], [sflag:$0x3], $0x80, s29, s16, $0xb8;
	[tilespmem:$0x1E800] =	vst v63  }
0x49: {  	_ =	swait.ge [sflag:s14], $0x4000  }
0x4a: {  	[sflag:s14] =	ssyncset.done $0x0  }
0x4b: {  	s30 =	sadd.s32 $0x100, s25;
	[sflag:s14] =	ssyncadd.s32 $0xFFFFC000  }
0x4c: {  	[tilespmem:s17], [sflag:$0x1] =	stream.indirect.gather [hbm4b:s4+s16], $0x80, s30, s16, $0xb8;
	[tilespmem:$0x1E800] =	vst v63  }
0x4d: {  	_ =	swait.ge [sflag:s20], $0x4000  }
0x4e: {  	[sflag:s20] =	ssyncset.done $0x0  }
0x4f: {  	s31 =	sadd.s32 $0x1480, s25;
	[sflag:s20] =	ssyncadd.s32 $0xFFFFC000  }
0x50: {  	[spmem:s2] =	stream.indirect.scatter.add.f32 [tilespmem:s18], [sflag:$0x3], $0x80, s31, s16, $0xb8;
	[tilespmem:$0x1E800] =	vst v63  }
0x51: {  	_ =	swait.ge [sflag:s14], $0x4000  }
0x52: {  	[sflag:s14] =	ssyncset.done $0x0  }
0x53: {  	[sflag:s14] =	ssyncadd.s32 $0xFFFFC000  }
0x54: {  	[tilespmem:s18], [sflag:$0x2] =	stream.indirect.gather [hbm4b:s4+s16], $0x80, s21, s16, $0xb8;
	[tilespmem:$0x1E800] =	vst v63  }
0x55: {  	_ =	swait.ge [sflag:s19], $0x4000  }
0x56: {  	[sflag:s19] =	ssyncset.done $0x0  }
0x57: {  	[sflag:s19] =	ssyncadd.s32 $0xFFFFC000  }
0x58: {  	[spmem:s2] =	stream.indirect.scatter.add.f32 [tilespmem:s17], [sflag:$0x3], $0x80, s22, s16, $0xb8;
	[tilespmem:$0x1E800] =	vst v63  }
0x59: {  	_ =	swait.ge [sflag:s14], $0x4000  }
0x5a: {  	[sflag:s14] =	ssyncset.done $0x0  }
0x5b: {  	[sflag:s14] =	ssyncadd.s32 $0xFFFFC000  }
0x5c: {  	_ =	swait.ge [sflag:s20], $0x4000  }
0x5d: {  	[sflag:s20] =	ssyncset.done $0x0  }
0x5e: {  	[sflag:s20] =	ssyncadd.s32 $0xFFFFC000  }
0x5f: {  	[spmem:s2] =	stream.indirect.scatter.add.f32 [tilespmem:s18], [sflag:$0x3], $0x80, s23, s16, $0xb8;
	[tilespmem:$0x1E800] =	vst v63  }
0x60: {  	_ =	swait.ge [sflag:s14], $0x4000  }
0x61: {  	[sflag:s14] =	ssyncset.done $0x0  }
0x62: {  	s26 =	simm.s32 $0x0;
	[sflag:s14] =	ssyncadd.s32 $0xFFFFC000  }
0x63: {  	[tilespmem:s26], [sflag:$0x3] =	stream.linear.gather [hbm4b:s9+s26], $0x1400, $0x38;
	[tilespmem:$0x1E800] =	vst v63  }
0x64: {  	_ =	swait.ge [sflag:s14], $0x1400  }
0x65: {  	[sflag:s14] =	ssyncset.done $0x0  }
0x66: {  	[sflag:s14] =	ssyncadd.s32 $0xFFFFEC00  }
0x67: {  	[tilespmem:s15], [sflag:$0x3] =	stream.linear.gather [hbm4b:s10+s26], $0x1400, $0x38;
	[tilespmem:$0x1E800] =	vst v63  }
0x68: {  	_ =	swait.ge [sflag:s14], $0x1400  }
0x69: {  	[sflag:s14] =	ssyncset.done $0x0  }
0x6a: {  	[sflag:s14] =	ssyncadd.s32 $0xFFFFEC00  }
0x6b: {  	[tilespmem:s17], [sflag:$0x1] =	stream.indirect.gather [hbm4b:s4+s16], $0x80, s26, s16, $0xb8;
	[tilespmem:$0x1E800] =	vst v63  }
0x6c: {  	s28 =	simm.s32 $0x80  }
0x6d: {  	[tilespmem:s18], [sflag:$0x2] =	stream.indirect.gather [hbm4b:s4+s16], $0x80, s28, s16, $0xb8;
	[tilespmem:$0x1E800] =	vst v63  }
0x6e: {  	_ =	swait.ge [sflag:s19], $0x4000  }
0x6f: {  	[sflag:s19] =	ssyncset.done $0x0  }
0x70: {  	s29 =	simm.s32 $0x1400;
	[sflag:s19] =	ssyncadd.s32 $0xFFFFC000  }
0x71: {  	[spmem:s2] =	stream.indirect.scatter.add.f32 [tilespmem:s17], [sflag:$0x3], $0x80, s29, s16, $0xb8;
	[tilespmem:$0x1E800] =	vst v63  }
0x72: {  	_ =	swait.ge [sflag:s14], $0x4000  }
0x73: {  	[sflag:s14] =	ssyncset.done $0x0  }
0x74: {  	s30 =	simm.s32 $0x100;
	[sflag:s14] =	ssyncadd.s32 $0xFFFFC000  }
0x75: {  	[tilespmem:s17], [sflag:$0x1] =	stream.indirect.gather [hbm4b:s4+s16], $0x80, s30, s16, $0xb8;
	[tilespmem:$0x1E800] =	vst v63  }
0x76: {  	_ =	swait.ge [sflag:s20], $0x4000  }
0x77: {  	[sflag:s20] =	ssyncset.done $0x0  }
0x78: {  	s31 =	simm.s32 $0x1480;
	[sflag:s20] =	ssyncadd.s32 $0xFFFFC000  }
0x79: {  	[spmem:s2] =	stream.indirect.scatter.add.f32 [tilespmem:s18], [sflag:$0x3], $0x80, s31, s16, $0xb8;
	[tilespmem:$0x1E800] =	vst v63  }
0x7a: {  	_ =	swait.ge [sflag:s14], $0x4000  }
0x7b: {  	s25 =	simm.s32 $0x100;
	s26 =	simm.s32 $0x800;
	[sflag:s14] =	ssyncset.done $0x0  }
.LBB2_4:
0x7c: {  	s28 =	sadd.s32 $0x80, s25  }
0x7d: {  	[sflag:s14] =	ssyncadd.s32 $0xFFFFC000;
	s29 =	smov.u32 s26;
	s30 =	sadd.s32 $0x400, s26  }
0x7e: {  	[tilespmem:s18], [sflag:$0x2] =	stream.indirect.gather [hbm4b:s4+s16], $0x80, s28, s16, $0xb8;
	[tilespmem:$0x1E800] =	vst v63  }
0x7f: {  	p0 =	sne.s32 s26, $0x4800;
	_ =	swait.ge [sflag:s19], $0x4000  }
0x80: {  	[sflag:s19] =	ssyncset.done $0x0  }
0x81: {  	s26 =	sadd.s32 $0x1400, s25;
	[sflag:s19] =	ssyncadd.s32 $0xFFFFC000  }
0x82: {  	[spmem:s2] =	stream.indirect.scatter.add.f32 [tilespmem:s17], [sflag:$0x3], $0x80, s26, s16, $0xb8;
	[tilespmem:$0x1E800] =	vst v63  }
0x83: {  	_ =	swait.ge [sflag:s14], $0x4000  }
0x84: {  	[sflag:s14] =	ssyncset.done $0x0  }
0x85: {  	s26 =	sadd.s32 $0x100, s25;
	[sflag:s14] =	ssyncadd.s32 $0xFFFFC000  }
0x86: {  	[tilespmem:s17], [sflag:$0x1] =	stream.indirect.gather [hbm4b:s4+s16], $0x80, s26, s16, $0xb8;
	[tilespmem:$0x1E800] =	vst v63  }
0x87: {  	_ =	swait.ge [sflag:s20], $0x4000  }
.Ltmp1:
0x88: {  	[sflag:s20] =	ssyncset.done $0x0;
	(pc) =	sbr.rel @p0 .LBB2_4-.Ltmp1, $4  }
0x89: {  	s25 =	sadd.s32 $0x1480, s25;
	[sflag:s20] =	ssyncadd.s32 $0xFFFFC000  }
0x8a: {  	[spmem:s2] =	stream.indirect.scatter.add.f32 [tilespmem:s18], [sflag:$0x3], $0x80, s25, s16, $0xb8;
	[tilespmem:$0x1E800] =	vst v63  }
0x8b: {  	_ =	swait.ge [sflag:s14], $0x4000  }
0x8c: {  	s26 =	smov.u32 s30;
	s25 =	sshra.s32 s29, $0x2;
	[sflag:s14] =	ssyncset.done $0x0  }
0x8d: {  	s26 =	sadd.s32 $0x80, s25;
	[sflag:s14] =	ssyncadd.s32 $0xFFFFC000  }
0x8e: {  	[tilespmem:s18], [sflag:$0x2] =	stream.indirect.gather [hbm4b:s4+s16], $0x80, s26, s16, $0xb8;
	[tilespmem:$0x1E800] =	vst v63  }
0x8f: {  	_ =	swait.ge [sflag:s19], $0x4000  }
0x90: {  	[sflag:s19] =	ssyncset.done $0x0  }
0x91: {  	s29 =	sadd.s32 $0x1400, s25;
	[sflag:s19] =	ssyncadd.s32 $0xFFFFC000  }
0x92: {  	[spmem:s2] =	stream.indirect.scatter.add.f32 [tilespmem:s17], [sflag:$0x3], $0x80, s29, s16, $0xb8;
	[tilespmem:$0x1E800] =	vst v63  }
0x93: {  	_ =	swait.ge [sflag:s14], $0x4000  }
0x94: {  	[sflag:s14] =	ssyncset.done $0x0  }
0x95: {  	s30 =	sadd.s32 $0x100, s25;
	[sflag:s14] =	ssyncadd.s32 $0xFFFFC000  }
0x96: {  	[tilespmem:s17], [sflag:$0x1] =	stream.indirect.gather [hbm4b:s4+s16], $0x80, s30, s16, $0xb8;
	[tilespmem:$0x1E800] =	vst v63  }
0x97: {  	_ =	swait.ge [sflag:s20], $0x4000  }
0x98: {  	[sflag:s20] =	ssyncset.done $0x0  }
0x99: {  	s31 =	sadd.s32 $0x1480, s25;
	[sflag:s20] =	ssyncadd.s32 $0xFFFFC000  }
0x9a: {  	[spmem:s2] =	stream.indirect.scatter.add.f32 [tilespmem:s18], [sflag:$0x3], $0x80, s31, s16, $0xb8;
	[tilespmem:$0x1E800] =	vst v63  }
0x9b: {  	_ =	swait.ge [sflag:s14], $0x4000  }
0x9c: {  	[sflag:s14] =	ssyncset.done $0x0  }
0x9d: {  	[sflag:s14] =	ssyncadd.s32 $0xFFFFC000  }
0x9e: {  	[tilespmem:s18], [sflag:$0x2] =	stream.indirect.gather [hbm4b:s4+s16], $0x80, s21, s16, $0xb8;
	[tilespmem:$0x1E800] =	vst v63  }
0x9f: {  	_ =	swait.ge [sflag:s19], $0x4000  }
0xa0: {  	[sflag:s19] =	ssyncset.done $0x0  }
0xa1: {  	[sflag:s19] =	ssyncadd.s32 $0xFFFFC000  }
0xa2: {  	[spmem:s2] =	stream.indirect.scatter.add.f32 [tilespmem:s17], [sflag:$0x3], $0x80, s22, s16, $0xb8;
	[tilespmem:$0x1E800] =	vst v63  }
0xa3: {  	_ =	swait.ge [sflag:s14], $0x4000  }
0xa4: {  	[sflag:s14] =	ssyncset.done $0x0  }
0xa5: {  	[sflag:s14] =	ssyncadd.s32 $0xFFFFC000  }
0xa6: {  	_ =	swait.ge [sflag:s20], $0x4000  }
0xa7: {  	[sflag:s20] =	ssyncset.done $0x0  }
0xa8: {  	[sflag:s20] =	ssyncadd.s32 $0xFFFFC000  }
0xa9: {  	[spmem:s2] =	stream.indirect.scatter.add.f32 [tilespmem:s18], [sflag:$0x3], $0x80, s23, s16, $0xb8;
	[tilespmem:$0x1E800] =	vst v63  }
0xaa: {  	_ =	swait.ge [sflag:s14], $0x4000  }
0xab: {  	s24 =	sadd.s32 $0x1, s24;
	[sflag:s14] =	ssyncset.done $0x0  }
0xac: {  	p0 =	sne.s32 s24, s12;
	[sflag:s14] =	ssyncadd.s32 $0xFFFFC000  }
.Ltmp2:
0xad: {  	[bflag:$0x0] =	sbarrier.arrive $0xFFFF;
	(pc) =	sbr.rel @p0 .LBB2_1-.Ltmp2, $4  }
0xae: {  	[hbm:s11], [sflag:s6] =	dma.local [spmem:s13], $0x2800  }
0xaf: {  	_ =	swait.ge [sflag:s14], $0x2800  }
0xb0: {  	[sflag:s14] =	ssyncset.done $0x0  }
0xb1: {  	[sflag:s14] =	ssyncadd.s32 $0xFFFFD800  }
0xb2: {  	_ =	sfence.sel $0x180000  }
0xb3: {  	[bflag:$0x0] =	sbarrier.arrive $0xFFFF  }
0xb4: {  	p0 =	sne.s32 s1, $0x0;
	_ =	strace $0x90000050  }
0xb5: {  	s0 =	sadd.s32 @!p0 $0x100000, s0;
	[bflag:$0x2] =	sbarrier.arrive $0xFFFF  }
0xb6: {  	[sflag:s0] =	ssyncadd.tile.s32 @!p0 $0x1;
	_ =	shalt  }
.Lfunc_end2:
_tile_overlayer_lowered:
.L_overlay_start_2:
0xb7: {  	(tag) =	ssettag $0x2  }
0xb8: {  	s0 =	rddreg [dreg:$0x0];
	s2 =	stileid.u32  }
0xb9: {  	s1 =	rddreg [dreg:$0x1];
	p0 =	sne.s32 s2, $0x0  }
0xba: {  	s3 =	rddreg [dreg:$0x2];
	[bflag:$0x3] =	sbarrier.arrive $0xFFFF;
	s2 =	simm.s32 @!p0 $0x1C03  }
0xbb: {  	[timem:s3], [sflag:s2] =	dma.local @!p0 [hbm:s0], s1  }
0xbc: {  	s0 =	simm.s32 @!p0 $0x3  }
0xbd: {  	_ =	swait.ge @!p0 [sflag:s0], s1  }
0xbe: {  	s1 =	ssub.s32 @!p0 $0x0, s1;
	[sflag:s0] =	ssyncset.done @!p0 $0x0  }
0xbf: {  	[sflag:s0] =	ssyncadd.s32 @!p0 s1  }
0xc0: {  	[bflag:$0x3] =	sbarrier.arrive $0xFFFF  }
0xc1: {  	_ =	shalt  }

</sc_bundles>
